<compile_context>
chip_gen: v7x
topology: tpu7x:2x2x1
jax: 0.10.2.dev20260603
libtpu: 0.0.44.dev20260713+nightly
codegen_flags: <defaults>
</compile_context>

<pallas_src>
import functools

import jax
import jax.numpy as jnp
from jax import lax
from jax.experimental import pallas as pl
from jax.experimental.pallas import tpu as pltpu
from jax.experimental.pallas import tpu_sc as plsc

N = 10000
N_PAD = 10240
E = 160000
E_PAD = 161792
DUMMY = 10016
RB = 256

_mesh = plsc.VectorSubcoreMesh(core_axis_name="c", subcore_axis_name="s")
_sc_params = pltpu.CompilerParams(needs_layout_passes=False)


@functools.partial(
    pl.kernel,
    out_type=jax.ShapeDtypeStruct((32, N_PAD), jnp.float32),
    mesh=_mesh,
    scratch_types=[
        pltpu.VMEM((316, 16), jnp.int32),
        pltpu.VMEM((N_PAD,), jnp.float32),
    ],
    compiler_params=_sc_params,
)
def _deg_kernel(dst_hbm, out_hbm, idx_v, deg_v):
    cid = lax.axis_index("c")
    sid = lax.axis_index("s")
    wid = sid * 2 + cid

    def zero_body(i, _):
        deg_v[pl.ds(i * 16, 16)] = jnp.zeros((16,), jnp.float32)
        return 0

    lax.fori_loop(0, N_PAD // 16, zero_body, 0)
    pltpu.sync_copy(dst_hbm.at[wid], idx_v)
    ones = jnp.ones((16,), jnp.float32)

    def body(j, _):
        plsc.addupdate_scatter(deg_v, [idx_v[j]], ones)
        return 0

    lax.fori_loop(0, 316, body, 0)
    pltpu.sync_copy(deg_v, out_hbm.at[wid])


def _make_prop(nchunks):
    rounds = nchunks // 2
    ept = E_PAD // 16
    nb = ept // 128

    @functools.partial(
        pl.kernel,
        out_type=jax.ShapeDtypeStruct((nchunks * N_PAD, 128), jnp.float32),
        mesh=_mesh,
        scratch_types=[
            pltpu.VMEM((nb, 128), jnp.int32),
            pltpu.VMEM((nb, 128), jnp.int32),
            pltpu.VMEM((128,), jnp.int32),
            pltpu.VMEM((128, 128), jnp.float32),
            pltpu.VMEM_SHARED((N_PAD, 128), jnp.float32),
            pltpu.SemaphoreType.DMA,
        ],
        compiler_params=_sc_params,
    )
    def prop(src_hbm, dst_hbm, g_hbm, out_hbm, src_v, dst_v, gidx, buf, acc,
             gsem):
        cid = lax.axis_index("c")
        sid = lax.axis_index("s")
        pltpu.sync_copy(src_hbm.at[sid], src_v)
        pltpu.sync_copy(dst_hbm.at[sid], dst_v)

        for r in range(rounds):
            chunk = r * 2 + cid
            base = chunk * N_PAD

            def zb(i, _):
                buf[i // 8, pl.ds((i % 8) * 16, 16)] = jnp.zeros(
                    (16,), jnp.float32)
                return 0

            lax.fori_loop(0, 1024, zb, 0)

            def zc(k, _):
                pltpu.sync_copy(buf, acc.at[pl.ds(sid * 640 + k * 128, 128)])
                return 0

            lax.fori_loop(0, 5, zc, 0)
            plsc.subcore_barrier()

            def mb(j, _):
                for i in range(8):
                    sl = pl.ds(i * 16, 16)
                    gidx[sl] = src_v[j, sl] + base
                pltpu.async_copy(g_hbm.at[gidx], buf, gsem).wait()
                pltpu.sync_copy(buf, acc.at[dst_v.at[j]], add=True)
                return 0

            lax.fori_loop(0, nb, mb, 0)
            plsc.subcore_barrier()

            def ob(k, _):
                row0 = sid * 640 + k * 128
                pltpu.sync_copy(acc.at[pl.ds(row0, 128)],
                                out_hbm.at[pl.ds(base + row0, 128)])
                return 0

            lax.fori_loop(0, 5, ob, 0)
            if r + 1 < rounds:
                plsc.subcore_barrier()

    return prop


_prop2 = _make_prop(2)
_prop4 = _make_prop(4)


def _k1_body(parts_ref, x_ref, dinv_ref, g0_ref):
    deg = jnp.sum(parts_ref[...], axis=0) + 1.0
    dinv = lax.rsqrt(deg)
    dinv_ref[...] = dinv[:, None]
    g = x_ref[...] * dinv[:, None]
    g0_ref[0] = g[:, :128]
    g0_ref[1] = g[:, 128:]


def _k2_body(s_ref, g_ref, dinv_ref, w_ref, b_ref, out_ref):
    dinv = dinv_ref[...]
    p = jnp.concatenate([s_ref[0] + g_ref[0], s_ref[1] + g_ref[1]], axis=1) * dinv
    h = jnp.dot(p, w_ref[...], preferred_element_type=jnp.float32) + b_ref[...]
    h = jnp.maximum(h, 0.0) * dinv
    for c in range(4):
        out_ref[c] = h[:, c * 128:(c + 1) * 128]


def _k3_body(s_ref, g_ref, dinv_ref, w2_ref, b2_ref, w3_ref, out_ref):
    dinv = dinv_ref[...]
    p = jnp.concatenate([s_ref[c] + g_ref[c] for c in range(4)], axis=1) * dinv
    h2 = jnp.maximum(
        jnp.dot(p, w2_ref[...], preferred_element_type=jnp.float32) + b2_ref[...], 0.0)
    t = jnp.dot(h2, w3_ref[...], preferred_element_type=jnp.float32) * dinv
    out_ref[0] = t[:, :128]
    out_ref[1] = t[:, 128:]


def _k4_body(s_ref, g_ref, dinv_ref, b3_ref, out_ref):
    t = jnp.concatenate([s_ref[0] + g_ref[0], s_ref[1] + g_ref[1]], axis=1)
    out_ref[...] = t * dinv_ref[...] + b3_ref[...]


_k1 = pl.pallas_call(
    _k1_body,
    grid=(N_PAD // RB,),
    in_specs=[
        pl.BlockSpec((32, RB), lambda i: (0, i)),
        pl.BlockSpec((RB, 256), lambda i: (i, 0)),
    ],
    out_specs=[
        pl.BlockSpec((RB, 1), lambda i: (i, 0)),
        pl.BlockSpec((2, RB, 128), lambda i: (0, i, 0)),
    ],
    out_shape=[
        jax.ShapeDtypeStruct((N_PAD, 1), jnp.float32),
        jax.ShapeDtypeStruct((2, N_PAD, 128), jnp.float32),
    ],
)

_k2 = pl.pallas_call(
    _k2_body,
    grid=(N_PAD // RB,),
    in_specs=[
        pl.BlockSpec((2, RB, 128), lambda i: (0, i, 0)),
        pl.BlockSpec((2, RB, 128), lambda i: (0, i, 0)),
        pl.BlockSpec((RB, 1), lambda i: (i, 0)),
        pl.BlockSpec((256, 512), lambda i: (0, 0)),
        pl.BlockSpec((1, 512), lambda i: (0, 0)),
    ],
    out_specs=pl.BlockSpec((4, RB, 128), lambda i: (0, i, 0)),
    out_shape=jax.ShapeDtypeStruct((4, N_PAD, 128), jnp.float32),
)

_k3 = pl.pallas_call(
    _k3_body,
    grid=(N_PAD // RB,),
    in_specs=[
        pl.BlockSpec((4, RB, 128), lambda i: (0, i, 0)),
        pl.BlockSpec((4, RB, 128), lambda i: (0, i, 0)),
        pl.BlockSpec((RB, 1), lambda i: (i, 0)),
        pl.BlockSpec((512, 512), lambda i: (0, 0)),
        pl.BlockSpec((1, 512), lambda i: (0, 0)),
        pl.BlockSpec((512, 256), lambda i: (0, 0)),
    ],
    out_specs=pl.BlockSpec((2, RB, 128), lambda i: (0, i, 0)),
    out_shape=jax.ShapeDtypeStruct((2, N_PAD, 128), jnp.float32),
)

_k4 = pl.pallas_call(
    _k4_body,
    grid=(N_PAD // RB,),
    in_specs=[
        pl.BlockSpec((2, RB, 128), lambda i: (0, i, 0)),
        pl.BlockSpec((2, RB, 128), lambda i: (0, i, 0)),
        pl.BlockSpec((RB, 1), lambda i: (i, 0)),
        pl.BlockSpec((1, 256), lambda i: (0, 0)),
    ],
    out_specs=pl.BlockSpec((RB, 256), lambda i: (i, 0)),
    out_shape=jax.ShapeDtypeStruct((N_PAD, 256), jnp.float32),
)


def kernel(x, edge_index, W1, b1, W2, b2, W3, b3):
    ei = edge_index.astype(jnp.int32)
    npad = E_PAD - E
    src = jnp.concatenate([ei[0], jnp.zeros((npad,), jnp.int32)])
    dstp = jnp.concatenate([ei[1], jnp.full((npad,), DUMMY, jnp.int32)])
    dst_deg = dstp.reshape(32, 316, 16)
    src3 = src.reshape(16, 79, 128)
    dst3 = dstp.reshape(16, 79, 128)
    x_pad = jnp.pad(x, ((0, N_PAD - N), (0, 0)))

    parts = _deg_kernel(dst_deg)
    dinv, g0 = _k1(parts, x_pad)
    s0 = _prop2(src3, dst3, g0.reshape(2 * N_PAD, 128)).reshape(2, N_PAD, 128)
    g1 = _k2(s0, g0, dinv, W1, b1.reshape(1, 512))
    s1 = _prop4(src3, dst3, g1.reshape(4 * N_PAD, 128)).reshape(4, N_PAD, 128)
    g2 = _k3(s1, g1, dinv, W2, b2.reshape(1, 512), W3)
    s2 = _prop2(src3, dst3, g2.reshape(2 * N_PAD, 128)).reshape(2, N_PAD, 128)
    out = _k4(s2, g2, dinv, b3.reshape(1, 256))
    return out[:N, :]

# --- scband reference (transcript-rebuilt; emitter-appended) ---
"""Pipeline reference for scband-gcn-3289944949437 (READ-ONLY COPY).

The authoritative reference and input builder live on the scoring server;
editing this copy changes nothing except your own understanding.
"""

import jax, jax.numpy as jnp
import numpy as np

N_NODES = 10000
N_EDGES = 160000


def gcn_conv(x, edge_index, W, b):
    N = x.shape[0]
    loop = jnp.arange(N, dtype=edge_index.dtype)
    src = jnp.concatenate([edge_index[0], loop])
    dst = jnp.concatenate([edge_index[1], loop])
    h = x @ W
    deg = jnp.zeros((N,), dtype=h.dtype).at[dst].add(1.0)
    deg_inv_sqrt = jnp.where(deg > 0, deg ** -0.5, 0.0)
    norm = deg_inv_sqrt[src] * deg_inv_sqrt[dst]
    msgs = norm[:, None] * jnp.take(h, src, axis=0)
    out = jnp.zeros((N, h.shape[1]), dtype=h.dtype).at[dst].add(msgs)
    return out + b


def setup_inputs(seed: int = 0) -> dict:
    key = jax.random.key(seed)
    ks = jax.random.split(key, 9)
    x = jax.random.normal(ks[0], (N_NODES, 256), dtype=jnp.float32)
    edge_index = jax.random.randint(ks[1], (2, N_EDGES), 0, N_NODES, dtype=jnp.int64)
    def glorot(k, fan_in, fan_out):
        s = (6.0 / (fan_in + fan_out)) ** 0.5
        return jax.random.uniform(k, (fan_in, fan_out), dtype=jnp.float32, minval=-s, maxval=s)
    W1 = glorot(ks[2], 256, 512)
    b1 = jnp.zeros((512,), dtype=jnp.float32)
    W2 = glorot(ks[3], 512, 512)
    b2 = jnp.zeros((512,), dtype=jnp.float32)
    W3 = glorot(ks[4], 512, 256)
    b3 = jnp.zeros((256,), dtype=jnp.float32)
    return {"x": x, "edge_index": edge_index, "W1": W1, "b1": b1, "W2": W2, "b2": b2, "W3": W3, "b3": b3}


def reference(x, edge_index, W1, b1, W2, b2, W3, b3):
    # eval mode: dropout is identity
    h = gcn_conv(x, edge_index, W1, b1)
    h = jax.nn.relu(h)
    h = gcn_conv(h, edge_index, W2, b2)
    h = jax.nn.relu(h)
    h = gcn_conv(h, edge_index, W3, b3)
    return h

if __name__ == "__main__":
    import jax
    _d = setup_inputs()
    print(jax.jit(kernel)(*tuple(_d.values())))

</pallas_src>

<mosaic_0001>
#map = affine_map<(d0, d1) -> (0, 0, 0)>
#map1 = affine_map<(d0, d1) -> (0, 0)>
module attributes {stable_mosaic.version = 14 : i64} {
  func.func @_deg_kernel(%arg0: i32, %arg1: i32, %arg2: memref<32x316x16xi32, #tpu.memory_space<hbm>>, %arg3: memref<32x10240xf32, #tpu.memory_space<hbm>>, %arg4: memref<316x16xi32, #tpu.memory_space<vmem>>, %arg5: memref<10240xf32, #tpu.memory_space<vmem>>) attributes {dimension_semantics = [#tpu.dimension_semantics<core_parallel>, #tpu.dimension_semantics<subcore_parallel>], iteration_bounds = array<i64: 2, 16>, scalar_prefetch = 0 : i64, scratch_operands = 2 : i64, tpu.core_type = #tpu.core_type<sc_vector_subcore>, window_params = [{transform_indices = #map}, {transform_indices = #map1}]} {
    %mul3A = arith.constant 2 : i32
    %mul3A_0 = arith.muli %arg1, %mul3A : i32
    %add3A = arith.addi %mul3A_0, %arg0 : i32
    %scan3A = arith.constant 0 : i32
    %scan3A_1 = arith.constant 0 : i32
    %scan3A_2 = arith.constant 640 : i32
    %scan3A_3 = arith.addi %scan3A_1, %scan3A_2 : i32
    %scan3A_4 = arith.constant 1 : i32
    %scan3A_5 = scf.for %scan3A_15 = %scan3A_1 to %scan3A_3 step %scan3A_4 iter_args(%scan3A_16 = %scan3A) -> (i32)  : i32 {
      %broadcast_in_dim3A_17 = arith.constant 0.000000e+00 : f32
      %broadcast_in_dim3A_18 = vector.broadcast %broadcast_in_dim3A_17 : f32 to vector<16xf32>
      %mul3A_19 = arith.constant 16 : i32
      %mul3A_20 = arith.muli %scan3A_15, %mul3A_19 : i32
      %swap3A = arith.index_cast %mul3A_20 : i32 to index
      %swap3A_21 = tpu.vector_load %arg5[%swap3A] {strides = array<i32>} : memref<10240xf32, #tpu.memory_space<vmem>>, vector<16xf32>,
      tpu.vector_store %arg5[%swap3A], %broadcast_in_dim3A_18 {strides = array<i32>} : memref<10240xf32, #tpu.memory_space<vmem>>, vector<16xf32>,
      %scan3A_22 = arith.constant 0 : i32
      scf.yield %scan3A_22 : i32
    }
    %scan3A_6 = arith.constant 640 : i32
    "tpu.region"() ({
      %run_scoped3A = tpu.sem_alloc : memref<!tpu.dma_semaphore, #tpu.memory_space<semaphore_mem>>
      %dma_start3A = arith.constant 0 : i32
      %dma_start3A_15 = arith.constant 0 : i32
      %dma_start3A_16 = tpu.memref_slice %arg2[%add3A, %dma_start3A, %dma_start3A_15] : memref<32x316x16xi32, #tpu.memory_space<hbm>> -> memref<1x316x16xi32, #tpu.memory_space<hbm>>
      %dma_start3A_17 = tpu.memref_squeeze %dma_start3A_16 : memref<1x316x16xi32, #tpu.memory_space<hbm>> -> memref<316x16xi32, #tpu.memory_space<hbm>>
      %dma_start3A_18 = arith.constant 0 : i32
      %dma_start3A_19 = arith.constant 0 : i32
      %dma_start3A_20 = tpu.memref_slice %arg2[%add3A, %dma_start3A_18, %dma_start3A_19] : memref<32x316x16xi32, #tpu.memory_space<hbm>> -> memref<1x316x16xi32, #tpu.memory_space<hbm>>
      %dma_start3A_21 = tpu.memref_squeeze %dma_start3A_20 : memref<1x316x16xi32, #tpu.memory_space<hbm>> -> memref<316x16xi32, #tpu.memory_space<hbm>>
      tpu.enqueue_dma source(%dma_start3A_21 : memref<316x16xi32, #tpu.memory_space<hbm>>) target(%arg4 : memref<316x16xi32, #tpu.memory_space<vmem>>) target_semaphore(%run_scoped3A : memref<!tpu.dma_semaphore, #tpu.memory_space<semaphore_mem>>)
      %dma_wait3A = arith.constant 0 : i32
      %dma_wait3A_22 = arith.constant 0 : i32
      %dma_wait3A_23 = tpu.memref_slice %arg2[%add3A, %dma_wait3A, %dma_wait3A_22] : memref<32x316x16xi32, #tpu.memory_space<hbm>> -> memref<1x316x16xi32, #tpu.memory_space<hbm>>
      %dma_wait3A_24 = tpu.memref_squeeze %dma_wait3A_23 : memref<1x316x16xi32, #tpu.memory_space<hbm>> -> memref<316x16xi32, #tpu.memory_space<hbm>>
      %dma_wait3A_25 = arith.constant 0 : i32
      %dma_wait3A_26 = arith.constant 0 : i32
      %dma_wait3A_27 = tpu.memref_slice %arg2[%add3A, %dma_wait3A_25, %dma_wait3A_26] : memref<32x316x16xi32, #tpu.memory_space<hbm>> -> memref<1x316x16xi32, #tpu.memory_space<hbm>>
      %dma_wait3A_28 = tpu.memref_squeeze %dma_wait3A_27 : memref<1x316x16xi32, #tpu.memory_space<hbm>> -> memref<316x16xi32, #tpu.memory_space<hbm>>
      tpu.wait_dma2 semaphore(%run_scoped3A : memref<!tpu.dma_semaphore, #tpu.memory_space<semaphore_mem>>) src(%dma_wait3A_28 : memref<316x16xi32, #tpu.memory_space<hbm>>) dst(%arg4 : memref<316x16xi32, #tpu.memory_space<vmem>>)
      tpu.yield
    }) : () -> ()
    %broadcast_in_dim3A = arith.constant 1.000000e+00 : f32
    %broadcast_in_dim3A_7 = vector.broadcast %broadcast_in_dim3A : f32 to vector<16xf32>
    %scan3A_8 = arith.constant 0 : i32
    %scan3A_9 = arith.constant 0 : i32
    %scan3A_10 = arith.constant 316 : i32
    %scan3A_11 = arith.addi %scan3A_9, %scan3A_10 : i32
    %scan3A_12 = arith.constant 1 : i32
    %scan3A_13 = scf.for %scan3A_15 = %scan3A_9 to %scan3A_11 step %scan3A_12 iter_args(%scan3A_16 = %scan3A_8) -> (i32)  : i32 {
      %get3A = arith.index_cast %scan3A_15 : i32 to index
      %get3A_17 = arith.constant 0 : index
      %get3A_18 = tpu.vector_load %arg4[%get3A, %get3A_17] {strides = array<i32>} : memref<316x16xi32, #tpu.memory_space<vmem>>, vector<16xi32>,
      tpu.vector_store_idx %arg5[%get3A_18], %broadcast_in_dim3A_7 {add = true} : memref<10240xf32, #tpu.memory_space<vmem>>[vector<16xi32>], vector<16xf32>,
      %scan3A_19 = arith.constant 0 : i32
      scf.yield %scan3A_19 : i32
    }
    %scan3A_14 = arith.constant 316 : i32
    "tpu.region"() ({
      %run_scoped3A = tpu.sem_alloc : memref<!tpu.dma_semaphore, #tpu.memory_space<semaphore_mem>>
      %dma_start3A = arith.constant 0 : i32
      %dma_start3A_15 = tpu.memref_slice %arg3[%add3A, %dma_start3A] : memref<32x10240xf32, #tpu.memory_space<hbm>> -> memref<1x10240xf32, #tpu.memory_space<hbm>>
      %dma_start3A_16 = tpu.memref_squeeze %dma_start3A_15 : memref<1x10240xf32, #tpu.memory_space<hbm>> -> memref<10240xf32, #tpu.memory_space<hbm>>
      %dma_start3A_17 = arith.constant 0 : i32
      %dma_start3A_18 = tpu.memref_slice %arg3[%add3A, %dma_start3A_17] : memref<32x10240xf32, #tpu.memory_space<hbm>> -> memref<1x10240xf32, #tpu.memory_space<hbm>>
      %dma_start3A_19 = tpu.memref_squeeze %dma_start3A_18 : memref<1x10240xf32, #tpu.memory_space<hbm>> -> memref<10240xf32, #tpu.memory_space<hbm>>
      tpu.enqueue_dma source(%arg5 : memref<10240xf32, #tpu.memory_space<vmem>>) target(%dma_start3A_19 : memref<10240xf32, #tpu.memory_space<hbm>>) target_semaphore(%run_scoped3A : memref<!tpu.dma_semaphore, #tpu.memory_space<semaphore_mem>>)
      %dma_wait3A = arith.constant 0 : i32
      %dma_wait3A_20 = tpu.memref_slice %arg3[%add3A, %dma_wait3A] : memref<32x10240xf32, #tpu.memory_space<hbm>> -> memref<1x10240xf32, #tpu.memory_space<hbm>>
      %dma_wait3A_21 = tpu.memref_squeeze %dma_wait3A_20 : memref<1x10240xf32, #tpu.memory_space<hbm>> -> memref<10240xf32, #tpu.memory_space<hbm>>
      %dma_wait3A_22 = arith.constant 0 : i32
      %dma_wait3A_23 = tpu.memref_slice %arg3[%add3A, %dma_wait3A_22] : memref<32x10240xf32, #tpu.memory_space<hbm>> -> memref<1x10240xf32, #tpu.memory_space<hbm>>
      %dma_wait3A_24 = tpu.memref_squeeze %dma_wait3A_23 : memref<1x10240xf32, #tpu.memory_space<hbm>> -> memref<10240xf32, #tpu.memory_space<hbm>>
      tpu.wait_dma2 semaphore(%run_scoped3A : memref<!tpu.dma_semaphore, #tpu.memory_space<semaphore_mem>>) src(%arg5 : memref<10240xf32, #tpu.memory_space<vmem>>) dst(%dma_wait3A_24 : memref<10240xf32, #tpu.memory_space<hbm>>)
      tpu.yield
    }) : () -> ()
    return
  }
}

#map = affine_map<(d0, d1) -> (0, 0, 0)>
#map1 = affine_map<(d0, d1) -> (0, 0)>
module attributes {stable_mosaic.version = 14 : i64} {
  func.func @prop(%arg0: i32, %arg1: i32, %arg2: memref<16x79x128xi32, #tpu.memory_space<hbm>>, %arg3: memref<16x79x128xi32, #tpu.memory_space<hbm>>, %arg4: memref<20480x128xf32, #tpu.memory_space<hbm>>, %arg5: memref<20480x128xf32, #tpu.memory_space<hbm>>, %arg6: memref<79x128xi32, #tpu.memory_space<vmem>>, %arg7: memref<79x128xi32, #tpu.memory_space<vmem>>, %arg8: memref<128xi32, #tpu.memory_space<vmem>>, %arg9: memref<128x128xf32, #tpu.memory_space<vmem>>, %arg10: memref<10240x128xf32, #tpu.memory_space<vmem_shared>>, %arg11: memref<!tpu.dma_semaphore, #tpu.memory_space<semaphore_mem>>) attributes {dimension_semantics = [#tpu.dimension_semantics<core_parallel>, #tpu.dimension_semantics<subcore_parallel>], iteration_bounds = array<i64: 2, 16>, scalar_prefetch = 0 : i64, scratch_operands = 6 : i64, tpu.core_type = #tpu.core_type<sc_vector_subcore>, window_params = [{transform_indices = #map}, {transform_indices = #map}, {transform_indices = #map1}, {transform_indices = #map1}]} {
    "tpu.region"() ({
      %run_scoped3A = tpu.sem_alloc : memref<!tpu.dma_semaphore, #tpu.memory_space<semaphore_mem>>
      %dma_start3A = arith.constant 0 : i32
      %dma_start3A_30 = arith.constant 0 : i32
      %dma_start3A_31 = tpu.memref_slice %arg2[%arg1, %dma_start3A, %dma_start3A_30] : memref<16x79x128xi32, #tpu.memory_space<hbm>> -> memref<1x79x128xi32, #tpu.memory_space<hbm>>
      %dma_start3A_32 = tpu.memref_squeeze %dma_start3A_31 : memref<1x79x128xi32, #tpu.memory_space<hbm>> -> memref<79x128xi32, #tpu.memory_space<hbm>>
      %dma_start3A_33 = arith.constant 0 : i32
      %dma_start3A_34 = arith.constant 0 : i32
      %dma_start3A_35 = tpu.memref_slice %arg2[%arg1, %dma_start3A_33, %dma_start3A_34] : memref<16x79x128xi32, #tpu.memory_space<hbm>> -> memref<1x79x128xi32, #tpu.memory_space<hbm>>
      %dma_start3A_36 = tpu.memref_squeeze %dma_start3A_35 : memref<1x79x128xi32, #tpu.memory_space<hbm>> -> memref<79x128xi32, #tpu.memory_space<hbm>>
      tpu.enqueue_dma source(%dma_start3A_36 : memref<79x128xi32, #tpu.memory_space<hbm>>) target(%arg6 : memref<79x128xi32, #tpu.memory_space<vmem>>) target_semaphore(%run_scoped3A : memref<!tpu.dma_semaphore, #tpu.memory_space<semaphore_mem>>)
      %dma_wait3A = arith.constant 0 : i32
      %dma_wait3A_37 = arith.constant 0 : i32
      %dma_wait3A_38 = tpu.memref_slice %arg2[%arg1, %dma_wait3A, %dma_wait3A_37] : memref<16x79x128xi32, #tpu.memory_space<hbm>> -> memref<1x79x128xi32, #tpu.memory_space<hbm>>
      %dma_wait3A_39 = tpu.memref_squeeze %dma_wait3A_38 : memref<1x79x128xi32, #tpu.memory_space<hbm>> -> memref<79x128xi32, #tpu.memory_space<hbm>>
      %dma_wait3A_40 = arith.constant 0 : i32
      %dma_wait3A_41 = arith.constant 0 : i32
      %dma_wait3A_42 = tpu.memref_slice %arg2[%arg1, %dma_wait3A_40, %dma_wait3A_41] : memref<16x79x128xi32, #tpu.memory_space<hbm>> -> memref<1x79x128xi32, #tpu.memory_space<hbm>>
      %dma_wait3A_43 = tpu.memref_squeeze %dma_wait3A_42 : memref<1x79x128xi32, #tpu.memory_space<hbm>> -> memref<79x128xi32, #tpu.memory_space<hbm>>
      tpu.wait_dma2 semaphore(%run_scoped3A : memref<!tpu.dma_semaphore, #tpu.memory_space<semaphore_mem>>) src(%dma_wait3A_43 : memref<79x128xi32, #tpu.memory_space<hbm>>) dst(%arg6 : memref<79x128xi32, #tpu.memory_space<vmem>>)
      tpu.yield
    }) : () -> ()
    "tpu.region"() ({
      %run_scoped3A = tpu.sem_alloc : memref<!tpu.dma_semaphore, #tpu.memory_space<semaphore_mem>>
      %dma_start3A = arith.constant 0 : i32
      %dma_start3A_30 = arith.constant 0 : i32
      %dma_start3A_31 = tpu.memref_slice %arg3[%arg1, %dma_start3A, %dma_start3A_30] : memref<16x79x128xi32, #tpu.memory_space<hbm>> -> memref<1x79x128xi32, #tpu.memory_space<hbm>>
      %dma_start3A_32 = tpu.memref_squeeze %dma_start3A_31 : memref<1x79x128xi32, #tpu.memory_space<hbm>> -> memref<79x128xi32, #tpu.memory_space<hbm>>
      %dma_start3A_33 = arith.constant 0 : i32
      %dma_start3A_34 = arith.constant 0 : i32
      %dma_start3A_35 = tpu.memref_slice %arg3[%arg1, %dma_start3A_33, %dma_start3A_34] : memref<16x79x128xi32, #tpu.memory_space<hbm>> -> memref<1x79x128xi32, #tpu.memory_space<hbm>>
      %dma_start3A_36 = tpu.memref_squeeze %dma_start3A_35 : memref<1x79x128xi32, #tpu.memory_space<hbm>> -> memref<79x128xi32, #tpu.memory_space<hbm>>
      tpu.enqueue_dma source(%dma_start3A_36 : memref<79x128xi32, #tpu.memory_space<hbm>>) target(%arg7 : memref<79x128xi32, #tpu.memory_space<vmem>>) target_semaphore(%run_scoped3A : memref<!tpu.dma_semaphore, #tpu.memory_space<semaphore_mem>>)
      %dma_wait3A = arith.constant 0 : i32
      %dma_wait3A_37 = arith.constant 0 : i32
      %dma_wait3A_38 = tpu.memref_slice %arg3[%arg1, %dma_wait3A, %dma_wait3A_37] : memref<16x79x128xi32, #tpu.memory_space<hbm>> -> memref<1x79x128xi32, #tpu.memory_space<hbm>>
      %dma_wait3A_39 = tpu.memref_squeeze %dma_wait3A_38 : memref<1x79x128xi32, #tpu.memory_space<hbm>> -> memref<79x128xi32, #tpu.memory_space<hbm>>
      %dma_wait3A_40 = arith.constant 0 : i32
      %dma_wait3A_41 = arith.constant 0 : i32
      %dma_wait3A_42 = tpu.memref_slice %arg3[%arg1, %dma_wait3A_40, %dma_wait3A_41] : memref<16x79x128xi32, #tpu.memory_space<hbm>> -> memref<1x79x128xi32, #tpu.memory_space<hbm>>
      %dma_wait3A_43 = tpu.memref_squeeze %dma_wait3A_42 : memref<1x79x128xi32, #tpu.memory_space<hbm>> -> memref<79x128xi32, #tpu.memory_space<hbm>>
      tpu.wait_dma2 semaphore(%run_scoped3A : memref<!tpu.dma_semaphore, #tpu.memory_space<semaphore_mem>>) src(%dma_wait3A_43 : memref<79x128xi32, #tpu.memory_space<hbm>>) dst(%arg7 : memref<79x128xi32, #tpu.memory_space<vmem>>)
      tpu.yield
    }) : () -> ()
    %add3A = arith.constant 0 : i32
    %add3A_0 = arith.addi %add3A, %arg0 : i32
    %mul3A = arith.constant 10240 : i32
    %mul3A_1 = arith.muli %add3A_0, %mul3A : i32
    %scan3A = arith.constant 0 : i32
    %scan3A_2 = arith.constant 0 : i32
    %scan3A_3 = arith.constant 1024 : i32
    %scan3A_4 = arith.addi %scan3A_2, %scan3A_3 : i32
    %scan3A_5 = arith.constant 1 : i32
    %scan3A_6 = scf.for %scan3A_30 = %scan3A_2 to %scan3A_4 step %scan3A_5 iter_args(%scan3A_31 = %scan3A) -> (i32)  : i32 {
      %broadcast_in_dim3A = arith.constant 0.000000e+00 : f32
      %broadcast_in_dim3A_32 = vector.broadcast %broadcast_in_dim3A : f32 to vector<16xf32>
      %jit3A = arith.constant 8 : i32
      %div3A = arith.divsi %scan3A_30, %jit3A : i32
      %sign3A = arith.constant 0 : i32
      %sign3A_33 = arith.cmpi sgt, %scan3A_30, %sign3A : i32
      %sign3A_34 = arith.extui %sign3A_33 : i1 to i32
      %sign3A_35 = arith.constant 0 : i32
      %sign3A_36 = arith.cmpi slt, %scan3A_30, %sign3A_35 : i32
      %sign3A_37 = arith.extui %sign3A_36 : i1 to i32
      %sign3A_38 = arith.subi %sign3A_34, %sign3A_37 : i32
      %sign3A_39 = arith.constant 0 : i32
      %sign3A_40 = arith.cmpi sgt, %jit3A, %sign3A_39 : i32
      %sign3A_41 = arith.extui %sign3A_40 : i1 to i32
      %sign3A_42 = arith.constant 0 : i32
      %sign3A_43 = arith.cmpi slt, %jit3A, %sign3A_42 : i32
      %sign3A_44 = arith.extui %sign3A_43 : i1 to i32
      %sign3A_45 = arith.subi %sign3A_41, %sign3A_44 : i32
      %ne3A = arith.cmpi ne, %sign3A_38, %sign3A_45 : i32
      %rem3A = arith.remsi %scan3A_30, %jit3A : i32
      %ne3A_46 = arith.constant 0 : i32
      %ne3A_47 = arith.cmpi ne, %rem3A, %ne3A_46 : i32
      %and3A = arith.andi %ne3A, %ne3A_47 : i1
      %sub3A = arith.constant 1 : i32
      %sub3A_48 = arith.subi %div3A, %sub3A : i32
      %select_n3A = arith.select %and3A, %sub3A_48, %div3A : i32
      %jit3A_49 = arith.constant 8 : i32
      %eq3A = arith.constant 0 : i32
      %eq3A_50 = arith.cmpi eq, %jit3A_49, %eq3A : i32
      %jit3A_51 = arith.constant 1 : i32
      %select_n3A_52 = arith.select %eq3A_50, %jit3A_51, %jit3A_49 : i32
      %rem3A_53 = arith.remsi %scan3A_30, %select_n3A_52 : i32
      %ne3A_54 = arith.constant 0 : i32
      %ne3A_55 = arith.cmpi ne, %rem3A_53, %ne3A_54 : i32
      %lt3A = arith.constant 0 : i32
      %lt3A_56 = arith.cmpi slt, %rem3A_53, %lt3A : i32
      %lt3A_57 = arith.constant 0 : i32
      %lt3A_58 = arith.cmpi slt, %select_n3A_52, %lt3A_57 : i32
      %ne3A_59 = arith.xori %lt3A_56, %lt3A_58 : i1
      %and3A_60 = arith.andi %ne3A_59, %ne3A_55 : i1
      %add3A_61 = arith.addi %rem3A_53, %select_n3A_52 : i32
      %select_n3A_62 = arith.select %and3A_60, %add3A_61, %rem3A_53 : i32
      %mul3A_63 = arith.constant 16 : i32
      %mul3A_64 = arith.muli %select_n3A_62, %mul3A_63 : i32
      %swap3A = arith.index_cast %select_n3A : i32 to index
      %swap3A_65 = arith.index_cast %mul3A_64 : i32 to index
      %swap3A_66 = tpu.vector_load %arg9[%swap3A, %swap3A_65] {strides = array<i32>} : memref<128x128xf32, #tpu.memory_space<vmem>>, vector<16xf32>,
      tpu.vector_store %arg9[%swap3A, %swap3A_65], %broadcast_in_dim3A_32 {strides = array<i32>} : memref<128x128xf32, #tpu.memory_space<vmem>>, vector<16xf32>,
      %scan3A_67 = arith.constant 0 : i32
      scf.yield %scan3A_67 : i32
    }
    %scan3A_7 = arith.constant 1024 : i32
    %scan3A_8 = arith.constant 0 : i32
    %scan3A_9 = arith.constant 0 : i32
    %scan3A_10 = arith.constant 5 : i32
    %scan3A_11 = arith.addi %scan3A_9, %scan3A_10 : i32
    %scan3A_12 = arith.constant 1 : i32
    %scan3A_13 = scf.for %scan3A_30 = %scan3A_9 to %scan3A_11 step %scan3A_12 iter_args(%scan3A_31 = %scan3A_8) -> (i32)  : i32 {
      %mul3A_32 = arith.constant 640 : i32
      %mul3A_33 = arith.muli %arg1, %mul3A_32 : i32
      %mul3A_34 = arith.constant 128 : i32
      %mul3A_35 = arith.muli %scan3A_30, %mul3A_34 : i32
      %add3A_36 = arith.addi %mul3A_33, %mul3A_35 : i32
      "tpu.region"() ({
        %run_scoped3A = tpu.sem_alloc : memref<!tpu.dma_semaphore, #tpu.memory_space<semaphore_mem>>
        %dma_start3A = arith.constant 0 : i32
        %dma_start3A_38 = tpu.memref_slice %arg10[%add3A_36, %dma_start3A] : memref<10240x128xf32, #tpu.memory_space<vmem_shared>> -> memref<128x128xf32, #tpu.memory_space<vmem_shared>>
        %dma_start3A_39 = arith.constant 0 : i32
        %dma_start3A_40 = tpu.memref_slice %arg10[%add3A_36, %dma_start3A_39] : memref<10240x128xf32, #tpu.memory_space<vmem_shared>> -> memref<128x128xf32, #tpu.memory_space<vmem_shared>>
        tpu.enqueue_dma source(%arg9 : memref<128x128xf32, #tpu.memory_space<vmem>>) target(%dma_start3A_40 : memref<128x128xf32, #tpu.memory_space<vmem_shared>>) target_semaphore(%run_scoped3A : memref<!tpu.dma_semaphore, #tpu.memory_space<semaphore_mem>>)
        %dma_wait3A = arith.constant 0 : i32
        %dma_wait3A_41 = tpu.memref_slice %arg10[%add3A_36, %dma_wait3A] : memref<10240x128xf32, #tpu.memory_space<vmem_shared>> -> memref<128x128xf32, #tpu.memory_space<vmem_shared>>
        %dma_wait3A_42 = arith.constant 0 : i32
        %dma_wait3A_43 = tpu.memref_slice %arg10[%add3A_36, %dma_wait3A_42] : memref<10240x128xf32, #tpu.memory_space<vmem_shared>> -> memref<128x128xf32, #tpu.memory_space<vmem_shared>>
        tpu.wait_dma2 semaphore(%run_scoped3A : memref<!tpu.dma_semaphore, #tpu.memory_space<semaphore_mem>>) src(%arg9 : memref<128x128xf32, #tpu.memory_space<vmem>>) dst(%dma_wait3A_43 : memref<128x128xf32, #tpu.memory_space<vmem_shared>>)
        tpu.yield
      }) : () -> ()
      %scan3A_37 = arith.constant 0 : i32
      scf.yield %scan3A_37 : i32
    }
    %scan3A_14 = arith.constant 5 : i32
    %barrier3A = arith.constant 0 : index
    tpu.barrier barrier_id(%barrier3A)
    %scan3A_15 = arith.constant 0 : i32
    %scan3A_16 = arith.constant 0 : i32
    %scan3A_17 = arith.constant 79 : i32
    %scan3A_18 = arith.addi %scan3A_16, %scan3A_17 : i32
    %scan3A_19 = arith.constant 1 : i32
    %scan3A_20 = scf.for %scan3A_30 = %scan3A_16 to %scan3A_18 step %scan3A_19 iter_args(%scan3A_31 = %scan3A_15) -> (i32)  : i32 {
      %get3A = arith.index_cast %scan3A_30 : i32 to index
      %get3A_32 = arith.constant 0 : index
      %get3A_33 = tpu.vector_load %arg6[%get3A, %get3A_32] {strides = array<i32>} : memref<79x128xi32, #tpu.memory_space<vmem>>, vector<16xi32>,
      %add3A_34 = vector.broadcast %mul3A_1 : i32 to vector<16xi32>
      %add3A_35 = arith.addi %get3A_33, %add3A_34 : vector<16xi32>
      %swap3A = arith.constant 0 : index
      %swap3A_36 = tpu.vector_load %arg8[%swap3A] {strides = array<i32>} : memref<128xi32, #tpu.memory_space<vmem>>, vector<16xi32>,
      tpu.vector_store %arg8[%swap3A], %add3A_35 {strides = array<i32>} : memref<128xi32, #tpu.memory_space<vmem>>, vector<16xi32>,
      %get3A_37 = arith.index_cast %scan3A_30 : i32 to index
      %get3A_38 = arith.constant 16 : index
      %get3A_39 = tpu.vector_load %arg6[%get3A_37, %get3A_38] {strides = array<i32>} : memref<79x128xi32, #tpu.memory_space<vmem>>, vector<16xi32>,
      %add3A_40 = vector.broadcast %mul3A_1 : i32 to vector<16xi32>
      %add3A_41 = arith.addi %get3A_39, %add3A_40 : vector<16xi32>
      %swap3A_42 = arith.constant 16 : index
      %swap3A_43 = tpu.vector_load %arg8[%swap3A_42] {strides = array<i32>} : memref<128xi32, #tpu.memory_space<vmem>>, vector<16xi32>,
      tpu.vector_store %arg8[%swap3A_42], %add3A_41 {strides = array<i32>} : memref<128xi32, #tpu.memory_space<vmem>>, vector<16xi32>,
      %get3A_44 = arith.index_cast %scan3A_30 : i32 to index
      %get3A_45 = arith.constant 32 : index
      %get3A_46 = tpu.vector_load %arg6[%get3A_44, %get3A_45] {strides = array<i32>} : memref<79x128xi32, #tpu.memory_space<vmem>>, vector<16xi32>,
      %add3A_47 = vector.broadcast %mul3A_1 : i32 to vector<16xi32>
      %add3A_48 = arith.addi %get3A_46, %add3A_47 : vector<16xi32>
      %swap3A_49 = arith.constant 32 : index
      %swap3A_50 = tpu.vector_load %arg8[%swap3A_49] {strides = array<i32>} : memref<128xi32, #tpu.memory_space<vmem>>, vector<16xi32>,
      tpu.vector_store %arg8[%swap3A_49], %add3A_48 {strides = array<i32>} : memref<128xi32, #tpu.memory_space<vmem>>, vector<16xi32>,
      %get3A_51 = arith.index_cast %scan3A_30 : i32 to index
      %get3A_52 = arith.constant 48 : index
      %get3A_53 = tpu.vector_load %arg6[%get3A_51, %get3A_52] {strides = array<i32>} : memref<79x128xi32, #tpu.memory_space<vmem>>, vector<16xi32>,
      %add3A_54 = vector.broadcast %mul3A_1 : i32 to vector<16xi32>
      %add3A_55 = arith.addi %get3A_53, %add3A_54 : vector<16xi32>
      %swap3A_56 = arith.constant 48 : index
      %swap3A_57 = tpu.vector_load %arg8[%swap3A_56] {strides = array<i32>} : memref<128xi32, #tpu.memory_space<vmem>>, vector<16xi32>,
      tpu.vector_store %arg8[%swap3A_56], %add3A_55 {strides = array<i32>} : memref<128xi32, #tpu.memory_space<vmem>>, vector<16xi32>,
      %get3A_58 = arith.index_cast %scan3A_30 : i32 to index
      %get3A_59 = arith.constant 64 : index
      %get3A_60 = tpu.vector_load %arg6[%get3A_58, %get3A_59] {strides = array<i32>} : memref<79x128xi32, #tpu.memory_space<vmem>>, vector<16xi32>,
      %add3A_61 = vector.broadcast %mul3A_1 : i32 to vector<16xi32>
      %add3A_62 = arith.addi %get3A_60, %add3A_61 : vector<16xi32>
      %swap3A_63 = arith.constant 64 : index
      %swap3A_64 = tpu.vector_load %arg8[%swap3A_63] {strides = array<i32>} : memref<128xi32, #tpu.memory_space<vmem>>, vector<16xi32>,
      tpu.vector_store %arg8[%swap3A_63], %add3A_62 {strides = array<i32>} : memref<128xi32, #tpu.memory_space<vmem>>, vector<16xi32>,
      %get3A_65 = arith.index_cast %scan3A_30 : i32 to index
      %get3A_66 = arith.constant 80 : index
      %get3A_67 = tpu.vector_load %arg6[%get3A_65, %get3A_66] {strides = array<i32>} : memref<79x128xi32, #tpu.memory_space<vmem>>, vector<16xi32>,
      %add3A_68 = vector.broadcast %mul3A_1 : i32 to vector<16xi32>
      %add3A_69 = arith.addi %get3A_67, %add3A_68 : vector<16xi32>
      %swap3A_70 = arith.constant 80 : index
      %swap3A_71 = tpu.vector_load %arg8[%swap3A_70] {strides = array<i32>} : memref<128xi32, #tpu.memory_space<vmem>>, vector<16xi32>,
      tpu.vector_store %arg8[%swap3A_70], %add3A_69 {strides = array<i32>} : memref<128xi32, #tpu.memory_space<vmem>>, vector<16xi32>,
      %get3A_72 = arith.index_cast %scan3A_30 : i32 to index
      %get3A_73 = arith.constant 96 : index
      %get3A_74 = tpu.vector_load %arg6[%get3A_72, %get3A_73] {strides = array<i32>} : memref<79x128xi32, #tpu.memory_space<vmem>>, vector<16xi32>,
      %add3A_75 = vector.broadcast %mul3A_1 : i32 to vector<16xi32>
      %add3A_76 = arith.addi %get3A_74, %add3A_75 : vector<16xi32>
      %swap3A_77 = arith.constant 96 : index
      %swap3A_78 = tpu.vector_load %arg8[%swap3A_77] {strides = array<i32>} : memref<128xi32, #tpu.memory_space<vmem>>, vector<16xi32>,
      tpu.vector_store %arg8[%swap3A_77], %add3A_76 {strides = array<i32>} : memref<128xi32, #tpu.memory_space<vmem>>, vector<16xi32>,
      %get3A_79 = arith.index_cast %scan3A_30 : i32 to index
      %get3A_80 = arith.constant 112 : index
      %get3A_81 = tpu.vector_load %arg6[%get3A_79, %get3A_80] {strides = array<i32>} : memref<79x128xi32, #tpu.memory_space<vmem>>, vector<16xi32>,
      %add3A_82 = vector.broadcast %mul3A_1 : i32 to vector<16xi32>
      %add3A_83 = arith.addi %get3A_81, %add3A_82 : vector<16xi32>
      %swap3A_84 = arith.constant 112 : index
      %swap3A_85 = tpu.vector_load %arg8[%swap3A_84] {strides = array<i32>} : memref<128xi32, #tpu.memory_space<vmem>>, vector<16xi32>,
      tpu.vector_store %arg8[%swap3A_84], %add3A_83 {strides = array<i32>} : memref<128xi32, #tpu.memory_space<vmem>>, vector<16xi32>,
      %dma_start3A = arith.constant 0 : i32
      %dma_start3A_86 = arith.constant 0 : i32
      %dma_start3A_87 = tpu.memref_slice %arg4[%dma_start3A, %dma_start3A_86] : memref<20480x128xf32, #tpu.memory_space<hbm>> -> memref<20480x128xf32, #tpu.memory_space<hbm>>
      tpu.enqueue_indirect_dma source(%dma_start3A_87 : memref<20480x128xf32, #tpu.memory_space<hbm>>) target(%arg9 : memref<128x128xf32, #tpu.memory_space<vmem>>) offsets(%arg8 : memref<128xi32, #tpu.memory_space<vmem>>) semaphore(%arg11 : memref<!tpu.dma_semaphore, #tpu.memory_space<semaphore_mem>>)
      %dma_wait3A = arith.constant 0 : i32
      %dma_wait3A_88 = arith.constant 0 : i32
      %dma_wait3A_89 = tpu.memref_slice %arg4[%dma_wait3A, %dma_wait3A_88] : memref<20480x128xf32, #tpu.memory_space<hbm>> -> memref<20480x128xf32, #tpu.memory_space<hbm>>
      tpu.wait_indirect_dma semaphore(%arg11 : memref<!tpu.dma_semaphore, #tpu.memory_space<semaphore_mem>>) src(%dma_wait3A_89 : memref<20480x128xf32, #tpu.memory_space<hbm>>) dst(%arg9 : memref<128x128xf32, #tpu.memory_space<vmem>>)
      "tpu.region"() ({
        %run_scoped3A = tpu.sem_alloc : memref<!tpu.dma_semaphore, #tpu.memory_space<semaphore_mem>>
        %dma_start3A_91 = arith.constant 0 : i32
        %dma_start3A_92 = tpu.memref_slice %arg7[%scan3A_30, %dma_start3A_91] : memref<79x128xi32, #tpu.memory_space<vmem>> -> memref<1x128xi32, #tpu.memory_space<vmem>>
        %dma_start3A_93 = tpu.memref_squeeze %dma_start3A_92 : memref<1x128xi32, #tpu.memory_space<vmem>> -> memref<128xi32, #tpu.memory_space<vmem>>
        %dma_start3A_94 = arith.constant 0 : i32
        %dma_start3A_95 = arith.constant 0 : i32
        %dma_start3A_96 = tpu.memref_slice %arg10[%dma_start3A_94, %dma_start3A_95] : memref<10240x128xf32, #tpu.memory_space<vmem_shared>> -> memref<10240x128xf32, #tpu.memory_space<vmem_shared>>
        tpu.enqueue_indirect_dma source(%arg9 : memref<128x128xf32, #tpu.memory_space<vmem>>) target(%dma_start3A_96 : memref<10240x128xf32, #tpu.memory_space<vmem_shared>>) offsets(%dma_start3A_93 : memref<128xi32, #tpu.memory_space<vmem>>) semaphore(%run_scoped3A : memref<!tpu.dma_semaphore, #tpu.memory_space<semaphore_mem>>) {add = true}
        %dma_wait3A_97 = arith.constant 0 : i32
        %dma_wait3A_98 = tpu.memref_slice %arg7[%scan3A_30, %dma_wait3A_97] : memref<79x128xi32, #tpu.memory_space<vmem>> -> memref<1x128xi32, #tpu.memory_space<vmem>>
        %dma_wait3A_99 = tpu.memref_squeeze %dma_wait3A_98 : memref<1x128xi32, #tpu.memory_space<vmem>> -> memref<128xi32, #tpu.memory_space<vmem>>
        %dma_wait3A_100 = arith.constant 0 : i32
        %dma_wait3A_101 = arith.constant 0 : i32
        %dma_wait3A_102 = tpu.memref_slice %arg10[%dma_wait3A_100, %dma_wait3A_101] : memref<10240x128xf32, #tpu.memory_space<vmem_shared>> -> memref<10240x128xf32, #tpu.memory_space<vmem_shared>>
        tpu.wait_indirect_dma semaphore(%run_scoped3A : memref<!tpu.dma_semaphore, #tpu.memory_space<semaphore_mem>>) src(%arg9 : memref<128x128xf32, #tpu.memory_space<vmem>>) dst(%dma_wait3A_102 : memref<10240x128xf32, #tpu.memory_space<vmem_shared>>)
        tpu.yield
      }) : () -> ()
      %scan3A_90 = arith.constant 0 : i32
      scf.yield %scan3A_90 : i32
    }
    %scan3A_21 = arith.constant 79 : i32
    %barrier3A_22 = arith.constant 0 : index
    tpu.barrier barrier_id(%barrier3A_22)
    %scan3A_23 = arith.constant 0 : i32
    %scan3A_24 = arith.constant 0 : i32
    %scan3A_25 = arith.constant 5 : i32
    %scan3A_26 = arith.addi %scan3A_24, %scan3A_25 : i32
    %scan3A_27 = arith.constant 1 : i32
    %scan3A_28 = scf.for %scan3A_30 = %scan3A_24 to %scan3A_26 step %scan3A_27 iter_args(%scan3A_31 = %scan3A_23) -> (i32)  : i32 {
      %mul3A_32 = arith.constant 640 : i32
      %mul3A_33 = arith.muli %arg1, %mul3A_32 : i32
      %mul3A_34 = arith.constant 128 : i32
      %mul3A_35 = arith.muli %scan3A_30, %mul3A_34 : i32
      %add3A_36 = arith.addi %mul3A_33, %mul3A_35 : i32
      %add3A_37 = arith.addi %mul3A_1, %add3A_36 : i32
      "tpu.region"() ({
        %run_scoped3A = tpu.sem_alloc : memref<!tpu.dma_semaphore, #tpu.memory_space<semaphore_mem>>
        %dma_start3A = arith.constant 0 : i32
        %dma_start3A_39 = tpu.memref_slice %arg5[%add3A_37, %dma_start3A] : memref<20480x128xf32, #tpu.memory_space<hbm>> -> memref<128x128xf32, #tpu.memory_space<hbm>>
        %dma_start3A_40 = arith.constant 0 : i32
        %dma_start3A_41 = tpu.memref_slice %arg10[%add3A_36, %dma_start3A_40] : memref<10240x128xf32, #tpu.memory_space<vmem_shared>> -> memref<128x128xf32, #tpu.memory_space<vmem_shared>>
        tpu.enqueue_dma source(%dma_start3A_41 : memref<128x128xf32, #tpu.memory_space<vmem_shared>>) target(%dma_start3A_39 : memref<128x128xf32, #tpu.memory_space<hbm>>) target_semaphore(%run_scoped3A : memref<!tpu.dma_semaphore, #tpu.memory_space<semaphore_mem>>)
        %dma_wait3A = arith.constant 0 : i32
        %dma_wait3A_42 = tpu.memref_slice %arg5[%add3A_37, %dma_wait3A] : memref<20480x128xf32, #tpu.memory_space<hbm>> -> memref<128x128xf32, #tpu.memory_space<hbm>>
        %dma_wait3A_43 = arith.constant 0 : i32
        %dma_wait3A_44 = tpu.memref_slice %arg10[%add3A_36, %dma_wait3A_43] : memref<10240x128xf32, #tpu.memory_space<vmem_shared>> -> memref<128x128xf32, #tpu.memory_space<vmem_shared>>
        tpu.wait_dma2 semaphore(%run_scoped3A : memref<!tpu.dma_semaphore, #tpu.memory_space<semaphore_mem>>) src(%dma_wait3A_44 : memref<128x128xf32, #tpu.memory_space<vmem_shared>>) dst(%dma_wait3A_42 : memref<128x128xf32, #tpu.memory_space<hbm>>)
        tpu.yield
      }) : () -> ()
      %scan3A_38 = arith.constant 0 : i32
      scf.yield %scan3A_38 : i32
    }
    %scan3A_29 = arith.constant 5 : i32
    return
  }
}

#map = affine_map<(d0, d1) -> (0, 0, 0)>
#map1 = affine_map<(d0, d1) -> (0, 0)>
module attributes {stable_mosaic.version = 14 : i64} {
  func.func @prop(%arg0: i32, %arg1: i32, %arg2: memref<16x79x128xi32, #tpu.memory_space<hbm>>, %arg3: memref<16x79x128xi32, #tpu.memory_space<hbm>>, %arg4: memref<40960x128xf32, #tpu.memory_space<hbm>>, %arg5: memref<40960x128xf32, #tpu.memory_space<hbm>>, %arg6: memref<79x128xi32, #tpu.memory_space<vmem>>, %arg7: memref<79x128xi32, #tpu.memory_space<vmem>>, %arg8: memref<128xi32, #tpu.memory_space<vmem>>, %arg9: memref<128x128xf32, #tpu.memory_space<vmem>>, %arg10: memref<10240x128xf32, #tpu.memory_space<vmem_shared>>, %arg11: memref<!tpu.dma_semaphore, #tpu.memory_space<semaphore_mem>>) attributes {dimension_semantics = [#tpu.dimension_semantics<core_parallel>, #tpu.dimension_semantics<subcore_parallel>], iteration_bounds = array<i64: 2, 16>, scalar_prefetch = 0 : i64, scratch_operands = 6 : i64, tpu.core_type = #tpu.core_type<sc_vector_subcore>, window_params = [{transform_indices = #map}, {transform_indices = #map}, {transform_indices = #map1}, {transform_indices = #map1}]} {
    "tpu.region"() ({
      %run_scoped3A = tpu.sem_alloc : memref<!tpu.dma_semaphore, #tpu.memory_space<semaphore_mem>>
      %dma_start3A = arith.constant 0 : i32
      %dma_start3A_65 = arith.constant 0 : i32
      %dma_start3A_66 = tpu.memref_slice %arg2[%arg1, %dma_start3A, %dma_start3A_65] : memref<16x79x128xi32, #tpu.memory_space<hbm>> -> memref<1x79x128xi32, #tpu.memory_space<hbm>>
      %dma_start3A_67 = tpu.memref_squeeze %dma_start3A_66 : memref<1x79x128xi32, #tpu.memory_space<hbm>> -> memref<79x128xi32, #tpu.memory_space<hbm>>
      %dma_start3A_68 = arith.constant 0 : i32
      %dma_start3A_69 = arith.constant 0 : i32
      %dma_start3A_70 = tpu.memref_slice %arg2[%arg1, %dma_start3A_68, %dma_start3A_69] : memref<16x79x128xi32, #tpu.memory_space<hbm>> -> memref<1x79x128xi32, #tpu.memory_space<hbm>>
      %dma_start3A_71 = tpu.memref_squeeze %dma_start3A_70 : memref<1x79x128xi32, #tpu.memory_space<hbm>> -> memref<79x128xi32, #tpu.memory_space<hbm>>
      tpu.enqueue_dma source(%dma_start3A_71 : memref<79x128xi32, #tpu.memory_space<hbm>>) target(%arg6 : memref<79x128xi32, #tpu.memory_space<vmem>>) target_semaphore(%run_scoped3A : memref<!tpu.dma_semaphore, #tpu.memory_space<semaphore_mem>>)
      %dma_wait3A = arith.constant 0 : i32
      %dma_wait3A_72 = arith.constant 0 : i32
      %dma_wait3A_73 = tpu.memref_slice %arg2[%arg1, %dma_wait3A, %dma_wait3A_72] : memref<16x79x128xi32, #tpu.memory_space<hbm>> -> memref<1x79x128xi32, #tpu.memory_space<hbm>>
      %dma_wait3A_74 = tpu.memref_squeeze %dma_wait3A_73 : memref<1x79x128xi32, #tpu.memory_space<hbm>> -> memref<79x128xi32, #tpu.memory_space<hbm>>
      %dma_wait3A_75 = arith.constant 0 : i32
      %dma_wait3A_76 = arith.constant 0 : i32
      %dma_wait3A_77 = tpu.memref_slice %arg2[%arg1, %dma_wait3A_75, %dma_wait3A_76] : memref<16x79x128xi32, #tpu.memory_space<hbm>> -> memref<1x79x128xi32, #tpu.memory_space<hbm>>
      %dma_wait3A_78 = tpu.memref_squeeze %dma_wait3A_77 : memref<1x79x128xi32, #tpu.memory_space<hbm>> -> memref<79x128xi32, #tpu.memory_space<hbm>>
      tpu.wait_dma2 semaphore(%run_scoped3A : memref<!tpu.dma_semaphore, #tpu.memory_space<semaphore_mem>>) src(%dma_wait3A_78 : memref<79x128xi32, #tpu.memory_space<hbm>>) dst(%arg6 : memref<79x128xi32, #tpu.memory_space<vmem>>)
      tpu.yield
    }) : () -> ()
    "tpu.region"() ({
      %run_scoped3A = tpu.sem_alloc : memref<!tpu.dma_semaphore, #tpu.memory_space<semaphore_mem>>
      %dma_start3A = arith.constant 0 : i32
      %dma_start3A_65 = arith.constant 0 : i32
      %dma_start3A_66 = tpu.memref_slice %arg3[%arg1, %dma_start3A, %dma_start3A_65] : memref<16x79x128xi32, #tpu.memory_space<hbm>> -> memref<1x79x128xi32, #tpu.memory_space<hbm>>
      %dma_start3A_67 = tpu.memref_squeeze %dma_start3A_66 : memref<1x79x128xi32, #tpu.memory_space<hbm>> -> memref<79x128xi32, #tpu.memory_space<hbm>>
      %dma_start3A_68 = arith.constant 0 : i32
      %dma_start3A_69 = arith.constant 0 : i32
      %dma_start3A_70 = tpu.memref_slice %arg3[%arg1, %dma_start3A_68, %dma_start3A_69] : memref<16x79x128xi32, #tpu.memory_space<hbm>> -> memref<1x79x128xi32, #tpu.memory_space<hbm>>
      %dma_start3A_71 = tpu.memref_squeeze %dma_start3A_70 : memref<1x79x128xi32, #tpu.memory_space<hbm>> -> memref<79x128xi32, #tpu.memory_space<hbm>>
      tpu.enqueue_dma source(%dma_start3A_71 : memref<79x128xi32, #tpu.memory_space<hbm>>) target(%arg7 : memref<79x128xi32, #tpu.memory_space<vmem>>) target_semaphore(%run_scoped3A : memref<!tpu.dma_semaphore, #tpu.memory_space<semaphore_mem>>)
      %dma_wait3A = arith.constant 0 : i32
      %dma_wait3A_72 = arith.constant 0 : i32
      %dma_wait3A_73 = tpu.memref_slice %arg3[%arg1, %dma_wait3A, %dma_wait3A_72] : memref<16x79x128xi32, #tpu.memory_space<hbm>> -> memref<1x79x128xi32, #tpu.memory_space<hbm>>
      %dma_wait3A_74 = tpu.memref_squeeze %dma_wait3A_73 : memref<1x79x128xi32, #tpu.memory_space<hbm>> -> memref<79x128xi32, #tpu.memory_space<hbm>>
      %dma_wait3A_75 = arith.constant 0 : i32
      %dma_wait3A_76 = arith.constant 0 : i32
      %dma_wait3A_77 = tpu.memref_slice %arg3[%arg1, %dma_wait3A_75, %dma_wait3A_76] : memref<16x79x128xi32, #tpu.memory_space<hbm>> -> memref<1x79x128xi32, #tpu.memory_space<hbm>>
      %dma_wait3A_78 = tpu.memref_squeeze %dma_wait3A_77 : memref<1x79x128xi32, #tpu.memory_space<hbm>> -> memref<79x128xi32, #tpu.memory_space<hbm>>
      tpu.wait_dma2 semaphore(%run_scoped3A : memref<!tpu.dma_semaphore, #tpu.memory_space<semaphore_mem>>) src(%dma_wait3A_78 : memref<79x128xi32, #tpu.memory_space<hbm>>) dst(%arg7 : memref<79x128xi32, #tpu.memory_space<vmem>>)
      tpu.yield
    }) : () -> ()
    %add3A = arith.constant 0 : i32
    %add3A_0 = arith.addi %add3A, %arg0 : i32
    %mul3A = arith.constant 10240 : i32
    %mul3A_1 = arith.muli %add3A_0, %mul3A : i32
    %scan3A = arith.constant 0 : i32
    %scan3A_2 = arith.constant 0 : i32
    %scan3A_3 = arith.constant 1024 : i32
    %scan3A_4 = arith.addi %scan3A_2, %scan3A_3 : i32
    %scan3A_5 = arith.constant 1 : i32
    %scan3A_6 = scf.for %scan3A_65 = %scan3A_2 to %scan3A_4 step %scan3A_5 iter_args(%scan3A_66 = %scan3A) -> (i32)  : i32 {
      %broadcast_in_dim3A = arith.constant 0.000000e+00 : f32
      %broadcast_in_dim3A_67 = vector.broadcast %broadcast_in_dim3A : f32 to vector<16xf32>
      %jit3A = arith.constant 8 : i32
      %div3A = arith.divsi %scan3A_65, %jit3A : i32
      %sign3A = arith.constant 0 : i32
      %sign3A_68 = arith.cmpi sgt, %scan3A_65, %sign3A : i32
      %sign3A_69 = arith.extui %sign3A_68 : i1 to i32
      %sign3A_70 = arith.constant 0 : i32
      %sign3A_71 = arith.cmpi slt, %scan3A_65, %sign3A_70 : i32
      %sign3A_72 = arith.extui %sign3A_71 : i1 to i32
      %sign3A_73 = arith.subi %sign3A_69, %sign3A_72 : i32
      %sign3A_74 = arith.constant 0 : i32
      %sign3A_75 = arith.cmpi sgt, %jit3A, %sign3A_74 : i32
      %sign3A_76 = arith.extui %sign3A_75 : i1 to i32
      %sign3A_77 = arith.constant 0 : i32
      %sign3A_78 = arith.cmpi slt, %jit3A, %sign3A_77 : i32
      %sign3A_79 = arith.extui %sign3A_78 : i1 to i32
      %sign3A_80 = arith.subi %sign3A_76, %sign3A_79 : i32
      %ne3A = arith.cmpi ne, %sign3A_73, %sign3A_80 : i32
      %rem3A = arith.remsi %scan3A_65, %jit3A : i32
      %ne3A_81 = arith.constant 0 : i32
      %ne3A_82 = arith.cmpi ne, %rem3A, %ne3A_81 : i32
      %and3A = arith.andi %ne3A, %ne3A_82 : i1
      %sub3A = arith.constant 1 : i32
      %sub3A_83 = arith.subi %div3A, %sub3A : i32
      %select_n3A = arith.select %and3A, %sub3A_83, %div3A : i32
      %jit3A_84 = arith.constant 8 : i32
      %eq3A = arith.constant 0 : i32
      %eq3A_85 = arith.cmpi eq, %jit3A_84, %eq3A : i32
      %jit3A_86 = arith.constant 1 : i32
      %select_n3A_87 = arith.select %eq3A_85, %jit3A_86, %jit3A_84 : i32
      %rem3A_88 = arith.remsi %scan3A_65, %select_n3A_87 : i32
      %ne3A_89 = arith.constant 0 : i32
      %ne3A_90 = arith.cmpi ne, %rem3A_88, %ne3A_89 : i32
      %lt3A = arith.constant 0 : i32
      %lt3A_91 = arith.cmpi slt, %rem3A_88, %lt3A : i32
      %lt3A_92 = arith.constant 0 : i32
      %lt3A_93 = arith.cmpi slt, %select_n3A_87, %lt3A_92 : i32
      %ne3A_94 = arith.xori %lt3A_91, %lt3A_93 : i1
      %and3A_95 = arith.andi %ne3A_94, %ne3A_90 : i1
      %add3A_96 = arith.addi %rem3A_88, %select_n3A_87 : i32
      %select_n3A_97 = arith.select %and3A_95, %add3A_96, %rem3A_88 : i32
      %mul3A_98 = arith.constant 16 : i32
      %mul3A_99 = arith.muli %select_n3A_97, %mul3A_98 : i32
      %swap3A = arith.index_cast %select_n3A : i32 to index
      %swap3A_100 = arith.index_cast %mul3A_99 : i32 to index
      %swap3A_101 = tpu.vector_load %arg9[%swap3A, %swap3A_100] {strides = array<i32>} : memref<128x128xf32, #tpu.memory_space<vmem>>, vector<16xf32>,
      tpu.vector_store %arg9[%swap3A, %swap3A_100], %broadcast_in_dim3A_67 {strides = array<i32>} : memref<128x128xf32, #tpu.memory_space<vmem>>, vector<16xf32>,
      %scan3A_102 = arith.constant 0 : i32
      scf.yield %scan3A_102 : i32
    }
    %scan3A_7 = arith.constant 1024 : i32
    %scan3A_8 = arith.constant 0 : i32
    %scan3A_9 = arith.constant 0 : i32
    %scan3A_10 = arith.constant 5 : i32
    %scan3A_11 = arith.addi %scan3A_9, %scan3A_10 : i32
    %scan3A_12 = arith.constant 1 : i32
    %scan3A_13 = scf.for %scan3A_65 = %scan3A_9 to %scan3A_11 step %scan3A_12 iter_args(%scan3A_66 = %scan3A_8) -> (i32)  : i32 {
      %mul3A_67 = arith.constant 640 : i32
      %mul3A_68 = arith.muli %arg1, %mul3A_67 : i32
      %mul3A_69 = arith.constant 128 : i32
      %mul3A_70 = arith.muli %scan3A_65, %mul3A_69 : i32
      %add3A_71 = arith.addi %mul3A_68, %mul3A_70 : i32
      "tpu.region"() ({
        %run_scoped3A = tpu.sem_alloc : memref<!tpu.dma_semaphore, #tpu.memory_space<semaphore_mem>>
        %dma_start3A = arith.constant 0 : i32
        %dma_start3A_73 = tpu.memref_slice %arg10[%add3A_71, %dma_start3A] : memref<10240x128xf32, #tpu.memory_space<vmem_shared>> -> memref<128x128xf32, #tpu.memory_space<vmem_shared>>
        %dma_start3A_74 = arith.constant 0 : i32
        %dma_start3A_75 = tpu.memref_slice %arg10[%add3A_71, %dma_start3A_74] : memref<10240x128xf32, #tpu.memory_space<vmem_shared>> -> memref<128x128xf32, #tpu.memory_space<vmem_shared>>
        tpu.enqueue_dma source(%arg9 : memref<128x128xf32, #tpu.memory_space<vmem>>) target(%dma_start3A_75 : memref<128x128xf32, #tpu.memory_space<vmem_shared>>) target_semaphore(%run_scoped3A : memref<!tpu.dma_semaphore, #tpu.memory_space<semaphore_mem>>)
        %dma_wait3A = arith.constant 0 : i32
        %dma_wait3A_76 = tpu.memref_slice %arg10[%add3A_71, %dma_wait3A] : memref<10240x128xf32, #tpu.memory_space<vmem_shared>> -> memref<128x128xf32, #tpu.memory_space<vmem_shared>>
        %dma_wait3A_77 = arith.constant 0 : i32
        %dma_wait3A_78 = tpu.memref_slice %arg10[%add3A_71, %dma_wait3A_77] : memref<10240x128xf32, #tpu.memory_space<vmem_shared>> -> memref<128x128xf32, #tpu.memory_space<vmem_shared>>
        tpu.wait_dma2 semaphore(%run_scoped3A : memref<!tpu.dma_semaphore, #tpu.memory_space<semaphore_mem>>) src(%arg9 : memref<128x128xf32, #tpu.memory_space<vmem>>) dst(%dma_wait3A_78 : memref<128x128xf32, #tpu.memory_space<vmem_shared>>)
        tpu.yield
      }) : () -> ()
      %scan3A_72 = arith.constant 0 : i32
      scf.yield %scan3A_72 : i32
    }
    %scan3A_14 = arith.constant 5 : i32
    %barrier3A = arith.constant 0 : index
    tpu.barrier barrier_id(%barrier3A)
    %scan3A_15 = arith.constant 0 : i32
    %scan3A_16 = arith.constant 0 : i32
    %scan3A_17 = arith.constant 79 : i32
    %scan3A_18 = arith.addi %scan3A_16, %scan3A_17 : i32
    %scan3A_19 = arith.constant 1 : i32
    %scan3A_20 = scf.for %scan3A_65 = %scan3A_16 to %scan3A_18 step %scan3A_19 iter_args(%scan3A_66 = %scan3A_15) -> (i32)  : i32 {
      %get3A = arith.index_cast %scan3A_65 : i32 to index
      %get3A_67 = arith.constant 0 : index
      %get3A_68 = tpu.vector_load %arg6[%get3A, %get3A_67] {strides = array<i32>} : memref<79x128xi32, #tpu.memory_space<vmem>>, vector<16xi32>,
      %add3A_69 = vector.broadcast %mul3A_1 : i32 to vector<16xi32>
      %add3A_70 = arith.addi %get3A_68, %add3A_69 : vector<16xi32>
      %swap3A = arith.constant 0 : index
      %swap3A_71 = tpu.vector_load %arg8[%swap3A] {strides = array<i32>} : memref<128xi32, #tpu.memory_space<vmem>>, vector<16xi32>,
      tpu.vector_store %arg8[%swap3A], %add3A_70 {strides = array<i32>} : memref<128xi32, #tpu.memory_space<vmem>>, vector<16xi32>,
      %get3A_72 = arith.index_cast %scan3A_65 : i32 to index
      %get3A_73 = arith.constant 16 : index
      %get3A_74 = tpu.vector_load %arg6[%get3A_72, %get3A_73] {strides = array<i32>} : memref<79x128xi32, #tpu.memory_space<vmem>>, vector<16xi32>,
      %add3A_75 = vector.broadcast %mul3A_1 : i32 to vector<16xi32>
      %add3A_76 = arith.addi %get3A_74, %add3A_75 : vector<16xi32>
      %swap3A_77 = arith.constant 16 : index
      %swap3A_78 = tpu.vector_load %arg8[%swap3A_77] {strides = array<i32>} : memref<128xi32, #tpu.memory_space<vmem>>, vector<16xi32>,
      tpu.vector_store %arg8[%swap3A_77], %add3A_76 {strides = array<i32>} : memref<128xi32, #tpu.memory_space<vmem>>, vector<16xi32>,
      %get3A_79 = arith.index_cast %scan3A_65 : i32 to index
      %get3A_80 = arith.constant 32 : index
      %get3A_81 = tpu.vector_load %arg6[%get3A_79, %get3A_80] {strides = array<i32>} : memref<79x128xi32, #tpu.memory_space<vmem>>, vector<16xi32>,
      %add3A_82 = vector.broadcast %mul3A_1 : i32 to vector<16xi32>
      %add3A_83 = arith.addi %get3A_81, %add3A_82 : vector<16xi32>
      %swap3A_84 = arith.constant 32 : index
      %swap3A_85 = tpu.vector_load %arg8[%swap3A_84] {strides = array<i32>} : memref<128xi32, #tpu.memory_space<vmem>>, vector<16xi32>,
      tpu.vector_store %arg8[%swap3A_84], %add3A_83 {strides = array<i32>} : memref<128xi32, #tpu.memory_space<vmem>>, vector<16xi32>,
      %get3A_86 = arith.index_cast %scan3A_65 : i32 to index
      %get3A_87 = arith.constant 48 : index
      %get3A_88 = tpu.vector_load %arg6[%get3A_86, %get3A_87] {strides = array<i32>} : memref<79x128xi32, #tpu.memory_space<vmem>>, vector<16xi32>,
      %add3A_89 = vector.broadcast %mul3A_1 : i32 to vector<16xi32>
      %add3A_90 = arith.addi %get3A_88, %add3A_89 : vector<16xi32>
      %swap3A_91 = arith.constant 48 : index
      %swap3A_92 = tpu.vector_load %arg8[%swap3A_91] {strides = array<i32>} : memref<128xi32, #tpu.memory_space<vmem>>, vector<16xi32>,
      tpu.vector_store %arg8[%swap3A_91], %add3A_90 {strides = array<i32>} : memref<128xi32, #tpu.memory_space<vmem>>, vector<16xi32>,
      %get3A_93 = arith.index_cast %scan3A_65 : i32 to index
      %get3A_94 = arith.constant 64 : index
      %get3A_95 = tpu.vector_load %arg6[%get3A_93, %get3A_94] {strides = array<i32>} : memref<79x128xi32, #tpu.memory_space<vmem>>, vector<16xi32>,
      %add3A_96 = vector.broadcast %mul3A_1 : i32 to vector<16xi32>
      %add3A_97 = arith.addi %get3A_95, %add3A_96 : vector<16xi32>
      %swap3A_98 = arith.constant 64 : index
      %swap3A_99 = tpu.vector_load %arg8[%swap3A_98] {strides = array<i32>} : memref<128xi32, #tpu.memory_space<vmem>>, vector<16xi32>,
      tpu.vector_store %arg8[%swap3A_98], %add3A_97 {strides = array<i32>} : memref<128xi32, #tpu.memory_space<vmem>>, vector<16xi32>,
      %get3A_100 = arith.index_cast %scan3A_65 : i32 to index
      %get3A_101 = arith.constant 80 : index
      %get3A_102 = tpu.vector_load %arg6[%get3A_100, %get3A_101] {strides = array<i32>} : memref<79x128xi32, #tpu.memory_space<vmem>>, vector<16xi32>,
      %add3A_103 = vector.broadcast %mul3A_1 : i32 to vector<16xi32>
      %add3A_104 = arith.addi %get3A_102, %add3A_103 : vector<16xi32>
      %swap3A_105 = arith.constant 80 : index
      %swap3A_106 = tpu.vector_load %arg8[%swap3A_105] {strides = array<i32>} : memref<128xi32, #tpu.memory_space<vmem>>, vector<16xi32>,
      tpu.vector_store %arg8[%swap3A_105], %add3A_104 {strides = array<i32>} : memref<128xi32, #tpu.memory_space<vmem>>, vector<16xi32>,
      %get3A_107 = arith.index_cast %scan3A_65 : i32 to index
      %get3A_108 = arith.constant 96 : index
      %get3A_109 = tpu.vector_load %arg6[%get3A_107, %get3A_108] {strides = array<i32>} : memref<79x128xi32, #tpu.memory_space<vmem>>, vector<16xi32>,
      %add3A_110 = vector.broadcast %mul3A_1 : i32 to vector<16xi32>
      %add3A_111 = arith.addi %get3A_109, %add3A_110 : vector<16xi32>
      %swap3A_112 = arith.constant 96 : index
      %swap3A_113 = tpu.vector_load %arg8[%swap3A_112] {strides = array<i32>} : memref<128xi32, #tpu.memory_space<vmem>>, vector<16xi32>,
      tpu.vector_store %arg8[%swap3A_112], %add3A_111 {strides = array<i32>} : memref<128xi32, #tpu.memory_space<vmem>>, vector<16xi32>,
      %get3A_114 = arith.index_cast %scan3A_65 : i32 to index
      %get3A_115 = arith.constant 112 : index
      %get3A_116 = tpu.vector_load %arg6[%get3A_114, %get3A_115] {strides = array<i32>} : memref<79x128xi32, #tpu.memory_space<vmem>>, vector<16xi32>,
      %add3A_117 = vector.broadcast %mul3A_1 : i32 to vector<16xi32>
      %add3A_118 = arith.addi %get3A_116, %add3A_117 : vector<16xi32>
      %swap3A_119 = arith.constant 112 : index
      %swap3A_120 = tpu.vector_load %arg8[%swap3A_119] {strides = array<i32>} : memref<128xi32, #tpu.memory_space<vmem>>, vector<16xi32>,
      tpu.vector_store %arg8[%swap3A_119], %add3A_118 {strides = array<i32>} : memref<128xi32, #tpu.memory_space<vmem>>, vector<16xi32>,
      %dma_start3A = arith.constant 0 : i32
      %dma_start3A_121 = arith.constant 0 : i32
      %dma_start3A_122 = tpu.memref_slice %arg4[%dma_start3A, %dma_start3A_121] : memref<40960x128xf32, #tpu.memory_space<hbm>> -> memref<40960x128xf32, #tpu.memory_space<hbm>>
      tpu.enqueue_indirect_dma source(%dma_start3A_122 : memref<40960x128xf32, #tpu.memory_space<hbm>>) target(%arg9 : memref<128x128xf32, #tpu.memory_space<vmem>>) offsets(%arg8 : memref<128xi32, #tpu.memory_space<vmem>>) semaphore(%arg11 : memref<!tpu.dma_semaphore, #tpu.memory_space<semaphore_mem>>)
      %dma_wait3A = arith.constant 0 : i32
      %dma_wait3A_123 = arith.constant 0 : i32
      %dma_wait3A_124 = tpu.memref_slice %arg4[%dma_wait3A, %dma_wait3A_123] : memref<40960x128xf32, #tpu.memory_space<hbm>> -> memref<40960x128xf32, #tpu.memory_space<hbm>>
      tpu.wait_indirect_dma semaphore(%arg11 : memref<!tpu.dma_semaphore, #tpu.memory_space<semaphore_mem>>) src(%dma_wait3A_124 : memref<40960x128xf32, #tpu.memory_space<hbm>>) dst(%arg9 : memref<128x128xf32, #tpu.memory_space<vmem>>)
      "tpu.region"() ({
        %run_scoped3A = tpu.sem_alloc : memref<!tpu.dma_semaphore, #tpu.memory_space<semaphore_mem>>
        %dma_start3A_126 = arith.constant 0 : i32
        %dma_start3A_127 = tpu.memref_slice %arg7[%scan3A_65, %dma_start3A_126] : memref<79x128xi32, #tpu.memory_space<vmem>> -> memref<1x128xi32, #tpu.memory_space<vmem>>
        %dma_start3A_128 = tpu.memref_squeeze %dma_start3A_127 : memref<1x128xi32, #tpu.memory_space<vmem>> -> memref<128xi32, #tpu.memory_space<vmem>>
        %dma_start3A_129 = arith.constant 0 : i32
        %dma_start3A_130 = arith.constant 0 : i32
        %dma_start3A_131 = tpu.memref_slice %arg10[%dma_start3A_129, %dma_start3A_130] : memref<10240x128xf32, #tpu.memory_space<vmem_shared>> -> memref<10240x128xf32, #tpu.memory_space<vmem_shared>>
        tpu.enqueue_indirect_dma source(%arg9 : memref<128x128xf32, #tpu.memory_space<vmem>>) target(%dma_start3A_131 : memref<10240x128xf32, #tpu.memory_space<vmem_shared>>) offsets(%dma_start3A_128 : memref<128xi32, #tpu.memory_space<vmem>>) semaphore(%run_scoped3A : memref<!tpu.dma_semaphore, #tpu.memory_space<semaphore_mem>>) {add = true}
        %dma_wait3A_132 = arith.constant 0 : i32
        %dma_wait3A_133 = tpu.memref_slice %arg7[%scan3A_65, %dma_wait3A_132] : memref<79x128xi32, #tpu.memory_space<vmem>> -> memref<1x128xi32, #tpu.memory_space<vmem>>
        %dma_wait3A_134 = tpu.memref_squeeze %dma_wait3A_133 : memref<1x128xi32, #tpu.memory_space<vmem>> -> memref<128xi32, #tpu.memory_space<vmem>>
        %dma_wait3A_135 = arith.constant 0 : i32
        %dma_wait3A_136 = arith.constant 0 : i32
        %dma_wait3A_137 = tpu.memref_slice %arg10[%dma_wait3A_135, %dma_wait3A_136] : memref<10240x128xf32, #tpu.memory_space<vmem_shared>> -> memref<10240x128xf32, #tpu.memory_space<vmem_shared>>
        tpu.wait_indirect_dma semaphore(%run_scoped3A : memref<!tpu.dma_semaphore, #tpu.memory_space<semaphore_mem>>) src(%arg9 : memref<128x128xf32, #tpu.memory_space<vmem>>) dst(%dma_wait3A_137 : memref<10240x128xf32, #tpu.memory_space<vmem_shared>>)
        tpu.yield
      }) : () -> ()
      %scan3A_125 = arith.constant 0 : i32
      scf.yield %scan3A_125 : i32
    }
    %scan3A_21 = arith.constant 79 : i32
    %barrier3A_22 = arith.constant 0 : index
    tpu.barrier barrier_id(%barrier3A_22)
    %scan3A_23 = arith.constant 0 : i32
    %scan3A_24 = arith.constant 0 : i32
    %scan3A_25 = arith.constant 5 : i32
    %scan3A_26 = arith.addi %scan3A_24, %scan3A_25 : i32
    %scan3A_27 = arith.constant 1 : i32
    %scan3A_28 = scf.for %scan3A_65 = %scan3A_24 to %scan3A_26 step %scan3A_27 iter_args(%scan3A_66 = %scan3A_23) -> (i32)  : i32 {
      %mul3A_67 = arith.constant 640 : i32
      %mul3A_68 = arith.muli %arg1, %mul3A_67 : i32
      %mul3A_69 = arith.constant 128 : i32
      %mul3A_70 = arith.muli %scan3A_65, %mul3A_69 : i32
      %add3A_71 = arith.addi %mul3A_68, %mul3A_70 : i32
      %add3A_72 = arith.addi %mul3A_1, %add3A_71 : i32
      "tpu.region"() ({
        %run_scoped3A = tpu.sem_alloc : memref<!tpu.dma_semaphore, #tpu.memory_space<semaphore_mem>>
        %dma_start3A = arith.constant 0 : i32
        %dma_start3A_74 = tpu.memref_slice %arg5[%add3A_72, %dma_start3A] : memref<40960x128xf32, #tpu.memory_space<hbm>> -> memref<128x128xf32, #tpu.memory_space<hbm>>
        %dma_start3A_75 = arith.constant 0 : i32
        %dma_start3A_76 = tpu.memref_slice %arg10[%add3A_71, %dma_start3A_75] : memref<10240x128xf32, #tpu.memory_space<vmem_shared>> -> memref<128x128xf32, #tpu.memory_space<vmem_shared>>
        tpu.enqueue_dma source(%dma_start3A_76 : memref<128x128xf32, #tpu.memory_space<vmem_shared>>) target(%dma_start3A_74 : memref<128x128xf32, #tpu.memory_space<hbm>>) target_semaphore(%run_scoped3A : memref<!tpu.dma_semaphore, #tpu.memory_space<semaphore_mem>>)
        %dma_wait3A = arith.constant 0 : i32
        %dma_wait3A_77 = tpu.memref_slice %arg5[%add3A_72, %dma_wait3A] : memref<40960x128xf32, #tpu.memory_space<hbm>> -> memref<128x128xf32, #tpu.memory_space<hbm>>
        %dma_wait3A_78 = arith.constant 0 : i32
        %dma_wait3A_79 = tpu.memref_slice %arg10[%add3A_71, %dma_wait3A_78] : memref<10240x128xf32, #tpu.memory_space<vmem_shared>> -> memref<128x128xf32, #tpu.memory_space<vmem_shared>>
        tpu.wait_dma2 semaphore(%run_scoped3A : memref<!tpu.dma_semaphore, #tpu.memory_space<semaphore_mem>>) src(%dma_wait3A_79 : memref<128x128xf32, #tpu.memory_space<vmem_shared>>) dst(%dma_wait3A_77 : memref<128x128xf32, #tpu.memory_space<hbm>>)
        tpu.yield
      }) : () -> ()
      %scan3A_73 = arith.constant 0 : i32
      scf.yield %scan3A_73 : i32
    }
    %scan3A_29 = arith.constant 5 : i32
    %barrier3A_30 = arith.constant 0 : index
    tpu.barrier barrier_id(%barrier3A_30)
    %add3A_31 = arith.constant 2 : i32
    %add3A_32 = arith.addi %add3A_31, %arg0 : i32
    %mul3A_33 = arith.constant 10240 : i32
    %mul3A_34 = arith.muli %add3A_32, %mul3A_33 : i32
    %scan3A_35 = arith.constant 0 : i32
    %scan3A_36 = arith.constant 0 : i32
    %scan3A_37 = arith.constant 1024 : i32
    %scan3A_38 = arith.addi %scan3A_36, %scan3A_37 : i32
    %scan3A_39 = arith.constant 1 : i32
    %scan3A_40 = scf.for %scan3A_65 = %scan3A_36 to %scan3A_38 step %scan3A_39 iter_args(%scan3A_66 = %scan3A_35) -> (i32)  : i32 {
      %broadcast_in_dim3A = arith.constant 0.000000e+00 : f32
      %broadcast_in_dim3A_67 = vector.broadcast %broadcast_in_dim3A : f32 to vector<16xf32>
      %jit3A = arith.constant 8 : i32
      %div3A = arith.divsi %scan3A_65, %jit3A : i32
      %sign3A = arith.constant 0 : i32
      %sign3A_68 = arith.cmpi sgt, %scan3A_65, %sign3A : i32
      %sign3A_69 = arith.extui %sign3A_68 : i1 to i32
      %sign3A_70 = arith.constant 0 : i32
      %sign3A_71 = arith.cmpi slt, %scan3A_65, %sign3A_70 : i32
      %sign3A_72 = arith.extui %sign3A_71 : i1 to i32
      %sign3A_73 = arith.subi %sign3A_69, %sign3A_72 : i32
      %sign3A_74 = arith.constant 0 : i32
      %sign3A_75 = arith.cmpi sgt, %jit3A, %sign3A_74 : i32
      %sign3A_76 = arith.extui %sign3A_75 : i1 to i32
      %sign3A_77 = arith.constant 0 : i32
      %sign3A_78 = arith.cmpi slt, %jit3A, %sign3A_77 : i32
      %sign3A_79 = arith.extui %sign3A_78 : i1 to i32
      %sign3A_80 = arith.subi %sign3A_76, %sign3A_79 : i32
      %ne3A = arith.cmpi ne, %sign3A_73, %sign3A_80 : i32
      %rem3A = arith.remsi %scan3A_65, %jit3A : i32
      %ne3A_81 = arith.constant 0 : i32
      %ne3A_82 = arith.cmpi ne, %rem3A, %ne3A_81 : i32
      %and3A = arith.andi %ne3A, %ne3A_82 : i1
      %sub3A = arith.constant 1 : i32
      %sub3A_83 = arith.subi %div3A, %sub3A : i32
      %select_n3A = arith.select %and3A, %sub3A_83, %div3A : i32
      %jit3A_84 = arith.constant 8 : i32
      %eq3A = arith.constant 0 : i32
      %eq3A_85 = arith.cmpi eq, %jit3A_84, %eq3A : i32
      %jit3A_86 = arith.constant 1 : i32
      %select_n3A_87 = arith.select %eq3A_85, %jit3A_86, %jit3A_84 : i32
      %rem3A_88 = arith.remsi %scan3A_65, %select_n3A_87 : i32
      %ne3A_89 = arith.constant 0 : i32
      %ne3A_90 = arith.cmpi ne, %rem3A_88, %ne3A_89 : i32
      %lt3A = arith.constant 0 : i32
      %lt3A_91 = arith.cmpi slt, %rem3A_88, %lt3A : i32
      %lt3A_92 = arith.constant 0 : i32
      %lt3A_93 = arith.cmpi slt, %select_n3A_87, %lt3A_92 : i32
      %ne3A_94 = arith.xori %lt3A_91, %lt3A_93 : i1
      %and3A_95 = arith.andi %ne3A_94, %ne3A_90 : i1
      %add3A_96 = arith.addi %rem3A_88, %select_n3A_87 : i32
      %select_n3A_97 = arith.select %and3A_95, %add3A_96, %rem3A_88 : i32
      %mul3A_98 = arith.constant 16 : i32
      %mul3A_99 = arith.muli %select_n3A_97, %mul3A_98 : i32
      %swap3A = arith.index_cast %select_n3A : i32 to index
      %swap3A_100 = arith.index_cast %mul3A_99 : i32 to index
      %swap3A_101 = tpu.vector_load %arg9[%swap3A, %swap3A_100] {strides = array<i32>} : memref<128x128xf32, #tpu.memory_space<vmem>>, vector<16xf32>,
      tpu.vector_store %arg9[%swap3A, %swap3A_100], %broadcast_in_dim3A_67 {strides = array<i32>} : memref<128x128xf32, #tpu.memory_space<vmem>>, vector<16xf32>,
      %scan3A_102 = arith.constant 0 : i32
      scf.yield %scan3A_102 : i32
    }
    %scan3A_41 = arith.constant 1024 : i32
    %scan3A_42 = arith.constant 0 : i32
    %scan3A_43 = arith.constant 0 : i32
    %scan3A_44 = arith.constant 5 : i32
    %scan3A_45 = arith.addi %scan3A_43, %scan3A_44 : i32
    %scan3A_46 = arith.constant 1 : i32
    %scan3A_47 = scf.for %scan3A_65 = %scan3A_43 to %scan3A_45 step %scan3A_46 iter_args(%scan3A_66 = %scan3A_42) -> (i32)  : i32 {
      %mul3A_67 = arith.constant 640 : i32
      %mul3A_68 = arith.muli %arg1, %mul3A_67 : i32
      %mul3A_69 = arith.constant 128 : i32
      %mul3A_70 = arith.muli %scan3A_65, %mul3A_69 : i32
      %add3A_71 = arith.addi %mul3A_68, %mul3A_70 : i32
      "tpu.region"() ({
        %run_scoped3A = tpu.sem_alloc : memref<!tpu.dma_semaphore, #tpu.memory_space<semaphore_mem>>
        %dma_start3A = arith.constant 0 : i32
        %dma_start3A_73 = tpu.memref_slice %arg10[%add3A_71, %dma_start3A] : memref<10240x128xf32, #tpu.memory_space<vmem_shared>> -> memref<128x128xf32, #tpu.memory_space<vmem_shared>>
        %dma_start3A_74 = arith.constant 0 : i32
        %dma_start3A_75 = tpu.memref_slice %arg10[%add3A_71, %dma_start3A_74] : memref<10240x128xf32, #tpu.memory_space<vmem_shared>> -> memref<128x128xf32, #tpu.memory_space<vmem_shared>>
        tpu.enqueue_dma source(%arg9 : memref<128x128xf32, #tpu.memory_space<vmem>>) target(%dma_start3A_75 : memref<128x128xf32, #tpu.memory_space<vmem_shared>>) target_semaphore(%run_scoped3A : memref<!tpu.dma_semaphore, #tpu.memory_space<semaphore_mem>>)
        %dma_wait3A = arith.constant 0 : i32
        %dma_wait3A_76 = tpu.memref_slice %arg10[%add3A_71, %dma_wait3A] : memref<10240x128xf32, #tpu.memory_space<vmem_shared>> -> memref<128x128xf32, #tpu.memory_space<vmem_shared>>
        %dma_wait3A_77 = arith.constant 0 : i32
        %dma_wait3A_78 = tpu.memref_slice %arg10[%add3A_71, %dma_wait3A_77] : memref<10240x128xf32, #tpu.memory_space<vmem_shared>> -> memref<128x128xf32, #tpu.memory_space<vmem_shared>>
        tpu.wait_dma2 semaphore(%run_scoped3A : memref<!tpu.dma_semaphore, #tpu.memory_space<semaphore_mem>>) src(%arg9 : memref<128x128xf32, #tpu.memory_space<vmem>>) dst(%dma_wait3A_78 : memref<128x128xf32, #tpu.memory_space<vmem_shared>>)
        tpu.yield
      }) : () -> ()
      %scan3A_72 = arith.constant 0 : i32
      scf.yield %scan3A_72 : i32
    }
    %scan3A_48 = arith.constant 5 : i32
    %barrier3A_49 = arith.constant 0 : index
    tpu.barrier barrier_id(%barrier3A_49)
    %scan3A_50 = arith.constant 0 : i32
    %scan3A_51 = arith.constant 0 : i32
    %scan3A_52 = arith.constant 79 : i32
    %scan3A_53 = arith.addi %scan3A_51, %scan3A_52 : i32
    %scan3A_54 = arith.constant 1 : i32
    %scan3A_55 = scf.for %scan3A_65 = %scan3A_51 to %scan3A_53 step %scan3A_54 iter_args(%scan3A_66 = %scan3A_50) -> (i32)  : i32 {
      %get3A = arith.index_cast %scan3A_65 : i32 to index
      %get3A_67 = arith.constant 0 : index
      %get3A_68 = tpu.vector_load %arg6[%get3A, %get3A_67] {strides = array<i32>} : memref<79x128xi32, #tpu.memory_space<vmem>>, vector<16xi32>,
      %add3A_69 = vector.broadcast %mul3A_34 : i32 to vector<16xi32>
      %add3A_70 = arith.addi %get3A_68, %add3A_69 : vector<16xi32>
      %swap3A = arith.constant 0 : index
      %swap3A_71 = tpu.vector_load %arg8[%swap3A] {strides = array<i32>} : memref<128xi32, #tpu.memory_space<vmem>>, vector<16xi32>,
      tpu.vector_store %arg8[%swap3A], %add3A_70 {strides = array<i32>} : memref<128xi32, #tpu.memory_space<vmem>>, vector<16xi32>,
      %get3A_72 = arith.index_cast %scan3A_65 : i32 to index
      %get3A_73 = arith.constant 16 : index
      %get3A_74 = tpu.vector_load %arg6[%get3A_72, %get3A_73] {strides = array<i32>} : memref<79x128xi32, #tpu.memory_space<vmem>>, vector<16xi32>,
      %add3A_75 = vector.broadcast %mul3A_34 : i32 to vector<16xi32>
      %add3A_76 = arith.addi %get3A_74, %add3A_75 : vector<16xi32>
      %swap3A_77 = arith.constant 16 : index
      %swap3A_78 = tpu.vector_load %arg8[%swap3A_77] {strides = array<i32>} : memref<128xi32, #tpu.memory_space<vmem>>, vector<16xi32>,
      tpu.vector_store %arg8[%swap3A_77], %add3A_76 {strides = array<i32>} : memref<128xi32, #tpu.memory_space<vmem>>, vector<16xi32>,
      %get3A_79 = arith.index_cast %scan3A_65 : i32 to index
      %get3A_80 = arith.constant 32 : index
      %get3A_81 = tpu.vector_load %arg6[%get3A_79, %get3A_80] {strides = array<i32>} : memref<79x128xi32, #tpu.memory_space<vmem>>, vector<16xi32>,
      %add3A_82 = vector.broadcast %mul3A_34 : i32 to vector<16xi32>
      %add3A_83 = arith.addi %get3A_81, %add3A_82 : vector<16xi32>
      %swap3A_84 = arith.constant 32 : index
      %swap3A_85 = tpu.vector_load %arg8[%swap3A_84] {strides = array<i32>} : memref<128xi32, #tpu.memory_space<vmem>>, vector<16xi32>,
      tpu.vector_store %arg8[%swap3A_84], %add3A_83 {strides = array<i32>} : memref<128xi32, #tpu.memory_space<vmem>>, vector<16xi32>,
      %get3A_86 = arith.index_cast %scan3A_65 : i32 to index
      %get3A_87 = arith.constant 48 : index
      %get3A_88 = tpu.vector_load %arg6[%get3A_86, %get3A_87] {strides = array<i32>} : memref<79x128xi32, #tpu.memory_space<vmem>>, vector<16xi32>,
      %add3A_89 = vector.broadcast %mul3A_34 : i32 to vector<16xi32>
      %add3A_90 = arith.addi %get3A_88, %add3A_89 : vector<16xi32>
      %swap3A_91 = arith.constant 48 : index
      %swap3A_92 = tpu.vector_load %arg8[%swap3A_91] {strides = array<i32>} : memref<128xi32, #tpu.memory_space<vmem>>, vector<16xi32>,
      tpu.vector_store %arg8[%swap3A_91], %add3A_90 {strides = array<i32>} : memref<128xi32, #tpu.memory_space<vmem>>, vector<16xi32>,
      %get3A_93 = arith.index_cast %scan3A_65 : i32 to index
      %get3A_94 = arith.constant 64 : index
      %get3A_95 = tpu.vector_load %arg6[%get3A_93, %get3A_94] {strides = array<i32>} : memref<79x128xi32, #tpu.memory_space<vmem>>, vector<16xi32>,
      %add3A_96 = vector.broadcast %mul3A_34 : i32 to vector<16xi32>
      %add3A_97 = arith.addi %get3A_95, %add3A_96 : vector<16xi32>
      %swap3A_98 = arith.constant 64 : index
      %swap3A_99 = tpu.vector_load %arg8[%swap3A_98] {strides = array<i32>} : memref<128xi32, #tpu.memory_space<vmem>>, vector<16xi32>,
      tpu.vector_store %arg8[%swap3A_98], %add3A_97 {strides = array<i32>} : memref<128xi32, #tpu.memory_space<vmem>>, vector<16xi32>,
      %get3A_100 = arith.index_cast %scan3A_65 : i32 to index
      %get3A_101 = arith.constant 80 : index
      %get3A_102 = tpu.vector_load %arg6[%get3A_100, %get3A_101] {strides = array<i32>} : memref<79x128xi32, #tpu.memory_space<vmem>>, vector<16xi32>,
      %add3A_103 = vector.broadcast %mul3A_34 : i32 to vector<16xi32>
      %add3A_104 = arith.addi %get3A_102, %add3A_103 : vector<16xi32>
      %swap3A_105 = arith.constant 80 : index
      %swap3A_106 = tpu.vector_load %arg8[%swap3A_105] {strides = array<i32>} : memref<128xi32, #tpu.memory_space<vmem>>, vector<16xi32>,
      tpu.vector_store %arg8[%swap3A_105], %add3A_104 {strides = array<i32>} : memref<128xi32, #tpu.memory_space<vmem>>, vector<16xi32>,
      %get3A_107 = arith.index_cast %scan3A_65 : i32 to index
      %get3A_108 = arith.constant 96 : index
      %get3A_109 = tpu.vector_load %arg6[%get3A_107, %get3A_108] {strides = array<i32>} : memref<79x128xi32, #tpu.memory_space<vmem>>, vector<16xi32>,
      %add3A_110 = vector.broadcast %mul3A_34 : i32 to vector<16xi32>
      %add3A_111 = arith.addi %get3A_109, %add3A_110 : vector<16xi32>
      %swap3A_112 = arith.constant 96 : index
      %swap3A_113 = tpu.vector_load %arg8[%swap3A_112] {strides = array<i32>} : memref<128xi32, #tpu.memory_space<vmem>>, vector<16xi32>,
      tpu.vector_store %arg8[%swap3A_112], %add3A_111 {strides = array<i32>} : memref<128xi32, #tpu.memory_space<vmem>>, vector<16xi32>,
      %get3A_114 = arith.index_cast %scan3A_65 : i32 to index
      %get3A_115 = arith.constant 112 : index
      %get3A_116 = tpu.vector_load %arg6[%get3A_114, %get3A_115] {strides = array<i32>} : memref<79x128xi32, #tpu.memory_space<vmem>>, vector<16xi32>,
      %add3A_117 = vector.broadcast %mul3A_34 : i32 to vector<16xi32>
      %add3A_118 = arith.addi %get3A_116, %add3A_117 : vector<16xi32>
      %swap3A_119 = arith.constant 112 : index
      %swap3A_120 = tpu.vector_load %arg8[%swap3A_119] {strides = array<i32>} : memref<128xi32, #tpu.memory_space<vmem>>, vector<16xi32>,
      tpu.vector_store %arg8[%swap3A_119], %add3A_118 {strides = array<i32>} : memref<128xi32, #tpu.memory_space<vmem>>, vector<16xi32>,
      %dma_start3A = arith.constant 0 : i32
      %dma_start3A_121 = arith.constant 0 : i32
      %dma_start3A_122 = tpu.memref_slice %arg4[%dma_start3A, %dma_start3A_121] : memref<40960x128xf32, #tpu.memory_space<hbm>> -> memref<40960x128xf32, #tpu.memory_space<hbm>>
      tpu.enqueue_indirect_dma source(%dma_start3A_122 : memref<40960x128xf32, #tpu.memory_space<hbm>>) target(%arg9 : memref<128x128xf32, #tpu.memory_space<vmem>>) offsets(%arg8 : memref<128xi32, #tpu.memory_space<vmem>>) semaphore(%arg11 : memref<!tpu.dma_semaphore, #tpu.memory_space<semaphore_mem>>)
      %dma_wait3A = arith.constant 0 : i32
      %dma_wait3A_123 = arith.constant 0 : i32
      %dma_wait3A_124 = tpu.memref_slice %arg4[%dma_wait3A, %dma_wait3A_123] : memref<40960x128xf32, #tpu.memory_space<hbm>> -> memref<40960x128xf32, #tpu.memory_space<hbm>>
      tpu.wait_indirect_dma semaphore(%arg11 : memref<!tpu.dma_semaphore, #tpu.memory_space<semaphore_mem>>) src(%dma_wait3A_124 : memref<40960x128xf32, #tpu.memory_space<hbm>>) dst(%arg9 : memref<128x128xf32, #tpu.memory_space<vmem>>)
      "tpu.region"() ({
        %run_scoped3A = tpu.sem_alloc : memref<!tpu.dma_semaphore, #tpu.memory_space<semaphore_mem>>
        %dma_start3A_126 = arith.constant 0 : i32
        %dma_start3A_127 = tpu.memref_slice %arg7[%scan3A_65, %dma_start3A_126] : memref<79x128xi32, #tpu.memory_space<vmem>> -> memref<1x128xi32, #tpu.memory_space<vmem>>
        %dma_start3A_128 = tpu.memref_squeeze %dma_start3A_127 : memref<1x128xi32, #tpu.memory_space<vmem>> -> memref<128xi32, #tpu.memory_space<vmem>>
        %dma_start3A_129 = arith.constant 0 : i32
        %dma_start3A_130 = arith.constant 0 : i32
        %dma_start3A_131 = tpu.memref_slice %arg10[%dma_start3A_129, %dma_start3A_130] : memref<10240x128xf32, #tpu.memory_space<vmem_shared>> -> memref<10240x128xf32, #tpu.memory_space<vmem_shared>>
        tpu.enqueue_indirect_dma source(%arg9 : memref<128x128xf32, #tpu.memory_space<vmem>>) target(%dma_start3A_131 : memref<10240x128xf32, #tpu.memory_space<vmem_shared>>) offsets(%dma_start3A_128 : memref<128xi32, #tpu.memory_space<vmem>>) semaphore(%run_scoped3A : memref<!tpu.dma_semaphore, #tpu.memory_space<semaphore_mem>>) {add = true}
        %dma_wait3A_132 = arith.constant 0 : i32
        %dma_wait3A_133 = tpu.memref_slice %arg7[%scan3A_65, %dma_wait3A_132] : memref<79x128xi32, #tpu.memory_space<vmem>> -> memref<1x128xi32, #tpu.memory_space<vmem>>
        %dma_wait3A_134 = tpu.memref_squeeze %dma_wait3A_133 : memref<1x128xi32, #tpu.memory_space<vmem>> -> memref<128xi32, #tpu.memory_space<vmem>>
        %dma_wait3A_135 = arith.constant 0 : i32
        %dma_wait3A_136 = arith.constant 0 : i32
        %dma_wait3A_137 = tpu.memref_slice %arg10[%dma_wait3A_135, %dma_wait3A_136] : memref<10240x128xf32, #tpu.memory_space<vmem_shared>> -> memref<10240x128xf32, #tpu.memory_space<vmem_shared>>
        tpu.wait_indirect_dma semaphore(%run_scoped3A : memref<!tpu.dma_semaphore, #tpu.memory_space<semaphore_mem>>) src(%arg9 : memref<128x128xf32, #tpu.memory_space<vmem>>) dst(%dma_wait3A_137 : memref<10240x128xf32, #tpu.memory_space<vmem_shared>>)
        tpu.yield
      }) : () -> ()
      %scan3A_125 = arith.constant 0 : i32
      scf.yield %scan3A_125 : i32
    }
    %scan3A_56 = arith.constant 79 : i32
    %barrier3A_57 = arith.constant 0 : index
    tpu.barrier barrier_id(%barrier3A_57)
    %scan3A_58 = arith.constant 0 : i32
    %scan3A_59 = arith.constant 0 : i32
    %scan3A_60 = arith.constant 5 : i32
    %scan3A_61 = arith.addi %scan3A_59, %scan3A_60 : i32
    %scan3A_62 = arith.constant 1 : i32
    %scan3A_63 = scf.for %scan3A_65 = %scan3A_59 to %scan3A_61 step %scan3A_62 iter_args(%scan3A_66 = %scan3A_58) -> (i32)  : i32 {
      %mul3A_67 = arith.constant 640 : i32
      %mul3A_68 = arith.muli %arg1, %mul3A_67 : i32
      %mul3A_69 = arith.constant 128 : i32
      %mul3A_70 = arith.muli %scan3A_65, %mul3A_69 : i32
      %add3A_71 = arith.addi %mul3A_68, %mul3A_70 : i32
      %add3A_72 = arith.addi %mul3A_34, %add3A_71 : i32
      "tpu.region"() ({
        %run_scoped3A = tpu.sem_alloc : memref<!tpu.dma_semaphore, #tpu.memory_space<semaphore_mem>>
        %dma_start3A = arith.constant 0 : i32
        %dma_start3A_74 = tpu.memref_slice %arg5[%add3A_72, %dma_start3A] : memref<40960x128xf32, #tpu.memory_space<hbm>> -> memref<128x128xf32, #tpu.memory_space<hbm>>
        %dma_start3A_75 = arith.constant 0 : i32
        %dma_start3A_76 = tpu.memref_slice %arg10[%add3A_71, %dma_start3A_75] : memref<10240x128xf32, #tpu.memory_space<vmem_shared>> -> memref<128x128xf32, #tpu.memory_space<vmem_shared>>
        tpu.enqueue_dma source(%dma_start3A_76 : memref<128x128xf32, #tpu.memory_space<vmem_shared>>) target(%dma_start3A_74 : memref<128x128xf32, #tpu.memory_space<hbm>>) target_semaphore(%run_scoped3A : memref<!tpu.dma_semaphore, #tpu.memory_space<semaphore_mem>>)
        %dma_wait3A = arith.constant 0 : i32
        %dma_wait3A_77 = tpu.memref_slice %arg5[%add3A_72, %dma_wait3A] : memref<40960x128xf32, #tpu.memory_space<hbm>> -> memref<128x128xf32, #tpu.memory_space<hbm>>
        %dma_wait3A_78 = arith.constant 0 : i32
        %dma_wait3A_79 = tpu.memref_slice %arg10[%add3A_71, %dma_wait3A_78] : memref<10240x128xf32, #tpu.memory_space<vmem_shared>> -> memref<128x128xf32, #tpu.memory_space<vmem_shared>>
        tpu.wait_dma2 semaphore(%run_scoped3A : memref<!tpu.dma_semaphore, #tpu.memory_space<semaphore_mem>>) src(%dma_wait3A_79 : memref<128x128xf32, #tpu.memory_space<vmem_shared>>) dst(%dma_wait3A_77 : memref<128x128xf32, #tpu.memory_space<hbm>>)
        tpu.yield
      }) : () -> ()
      %scan3A_73 = arith.constant 0 : i32
      scf.yield %scan3A_73 : i32
    }
    %scan3A_64 = arith.constant 5 : i32
    return
  }
}

#map = affine_map<(d0, d1) -> (0, 0, 0)>
#map1 = affine_map<(d0, d1) -> (0, 0)>
module attributes {stable_mosaic.version = 14 : i64} {
  func.func @prop(%arg0: i32, %arg1: i32, %arg2: memref<16x79x128xi32, #tpu.memory_space<hbm>>, %arg3: memref<16x79x128xi32, #tpu.memory_space<hbm>>, %arg4: memref<20480x128xf32, #tpu.memory_space<hbm>>, %arg5: memref<20480x128xf32, #tpu.memory_space<hbm>>, %arg6: memref<79x128xi32, #tpu.memory_space<vmem>>, %arg7: memref<79x128xi32, #tpu.memory_space<vmem>>, %arg8: memref<128xi32, #tpu.memory_space<vmem>>, %arg9: memref<128x128xf32, #tpu.memory_space<vmem>>, %arg10: memref<10240x128xf32, #tpu.memory_space<vmem_shared>>, %arg11: memref<!tpu.dma_semaphore, #tpu.memory_space<semaphore_mem>>) attributes {dimension_semantics = [#tpu.dimension_semantics<core_parallel>, #tpu.dimension_semantics<subcore_parallel>], iteration_bounds = array<i64: 2, 16>, scalar_prefetch = 0 : i64, scratch_operands = 6 : i64, tpu.core_type = #tpu.core_type<sc_vector_subcore>, window_params = [{transform_indices = #map}, {transform_indices = #map}, {transform_indices = #map1}, {transform_indices = #map1}]} {
    "tpu.region"() ({
      %run_scoped3A = tpu.sem_alloc : memref<!tpu.dma_semaphore, #tpu.memory_space<semaphore_mem>>
      %dma_start3A = arith.constant 0 : i32
      %dma_start3A_30 = arith.constant 0 : i32
      %dma_start3A_31 = tpu.memref_slice %arg2[%arg1, %dma_start3A, %dma_start3A_30] : memref<16x79x128xi32, #tpu.memory_space<hbm>> -> memref<1x79x128xi32, #tpu.memory_space<hbm>>
      %dma_start3A_32 = tpu.memref_squeeze %dma_start3A_31 : memref<1x79x128xi32, #tpu.memory_space<hbm>> -> memref<79x128xi32, #tpu.memory_space<hbm>>
      %dma_start3A_33 = arith.constant 0 : i32
      %dma_start3A_34 = arith.constant 0 : i32
      %dma_start3A_35 = tpu.memref_slice %arg2[%arg1, %dma_start3A_33, %dma_start3A_34] : memref<16x79x128xi32, #tpu.memory_space<hbm>> -> memref<1x79x128xi32, #tpu.memory_space<hbm>>
      %dma_start3A_36 = tpu.memref_squeeze %dma_start3A_35 : memref<1x79x128xi32, #tpu.memory_space<hbm>> -> memref<79x128xi32, #tpu.memory_space<hbm>>
      tpu.enqueue_dma source(%dma_start3A_36 : memref<79x128xi32, #tpu.memory_space<hbm>>) target(%arg6 : memref<79x128xi32, #tpu.memory_space<vmem>>) target_semaphore(%run_scoped3A : memref<!tpu.dma_semaphore, #tpu.memory_space<semaphore_mem>>)
      %dma_wait3A = arith.constant 0 : i32
      %dma_wait3A_37 = arith.constant 0 : i32
      %dma_wait3A_38 = tpu.memref_slice %arg2[%arg1, %dma_wait3A, %dma_wait3A_37] : memref<16x79x128xi32, #tpu.memory_space<hbm>> -> memref<1x79x128xi32, #tpu.memory_space<hbm>>
      %dma_wait3A_39 = tpu.memref_squeeze %dma_wait3A_38 : memref<1x79x128xi32, #tpu.memory_space<hbm>> -> memref<79x128xi32, #tpu.memory_space<hbm>>
      %dma_wait3A_40 = arith.constant 0 : i32
      %dma_wait3A_41 = arith.constant 0 : i32
      %dma_wait3A_42 = tpu.memref_slice %arg2[%arg1, %dma_wait3A_40, %dma_wait3A_41] : memref<16x79x128xi32, #tpu.memory_space<hbm>> -> memref<1x79x128xi32, #tpu.memory_space<hbm>>
      %dma_wait3A_43 = tpu.memref_squeeze %dma_wait3A_42 : memref<1x79x128xi32, #tpu.memory_space<hbm>> -> memref<79x128xi32, #tpu.memory_space<hbm>>
      tpu.wait_dma2 semaphore(%run_scoped3A : memref<!tpu.dma_semaphore, #tpu.memory_space<semaphore_mem>>) src(%dma_wait3A_43 : memref<79x128xi32, #tpu.memory_space<hbm>>) dst(%arg6 : memref<79x128xi32, #tpu.memory_space<vmem>>)
      tpu.yield
    }) : () -> ()
    "tpu.region"() ({
      %run_scoped3A = tpu.sem_alloc : memref<!tpu.dma_semaphore, #tpu.memory_space<semaphore_mem>>
      %dma_start3A = arith.constant 0 : i32
      %dma_start3A_30 = arith.constant 0 : i32
      %dma_start3A_31 = tpu.memref_slice %arg3[%arg1, %dma_start3A, %dma_start3A_30] : memref<16x79x128xi32, #tpu.memory_space<hbm>> -> memref<1x79x128xi32, #tpu.memory_space<hbm>>
      %dma_start3A_32 = tpu.memref_squeeze %dma_start3A_31 : memref<1x79x128xi32, #tpu.memory_space<hbm>> -> memref<79x128xi32, #tpu.memory_space<hbm>>
      %dma_start3A_33 = arith.constant 0 : i32
      %dma_start3A_34 = arith.constant 0 : i32
      %dma_start3A_35 = tpu.memref_slice %arg3[%arg1, %dma_start3A_33, %dma_start3A_34] : memref<16x79x128xi32, #tpu.memory_space<hbm>> -> memref<1x79x128xi32, #tpu.memory_space<hbm>>
      %dma_start3A_36 = tpu.memref_squeeze %dma_start3A_35 : memref<1x79x128xi32, #tpu.memory_space<hbm>> -> memref<79x128xi32, #tpu.memory_space<hbm>>
      tpu.enqueue_dma source(%dma_start3A_36 : memref<79x128xi32, #tpu.memory_space<hbm>>) target(%arg7 : memref<79x128xi32, #tpu.memory_space<vmem>>) target_semaphore(%run_scoped3A : memref<!tpu.dma_semaphore, #tpu.memory_space<semaphore_mem>>)
      %dma_wait3A = arith.constant 0 : i32
      %dma_wait3A_37 = arith.constant 0 : i32
      %dma_wait3A_38 = tpu.memref_slice %arg3[%arg1, %dma_wait3A, %dma_wait3A_37] : memref<16x79x128xi32, #tpu.memory_space<hbm>> -> memref<1x79x128xi32, #tpu.memory_space<hbm>>
      %dma_wait3A_39 = tpu.memref_squeeze %dma_wait3A_38 : memref<1x79x128xi32, #tpu.memory_space<hbm>> -> memref<79x128xi32, #tpu.memory_space<hbm>>
      %dma_wait3A_40 = arith.constant 0 : i32
      %dma_wait3A_41 = arith.constant 0 : i32
      %dma_wait3A_42 = tpu.memref_slice %arg3[%arg1, %dma_wait3A_40, %dma_wait3A_41] : memref<16x79x128xi32, #tpu.memory_space<hbm>> -> memref<1x79x128xi32, #tpu.memory_space<hbm>>
      %dma_wait3A_43 = tpu.memref_squeeze %dma_wait3A_42 : memref<1x79x128xi32, #tpu.memory_space<hbm>> -> memref<79x128xi32, #tpu.memory_space<hbm>>
      tpu.wait_dma2 semaphore(%run_scoped3A : memref<!tpu.dma_semaphore, #tpu.memory_space<semaphore_mem>>) src(%dma_wait3A_43 : memref<79x128xi32, #tpu.memory_space<hbm>>) dst(%arg7 : memref<79x128xi32, #tpu.memory_space<vmem>>)
      tpu.yield
    }) : () -> ()
    %add3A = arith.constant 0 : i32
    %add3A_0 = arith.addi %add3A, %arg0 : i32
    %mul3A = arith.constant 10240 : i32
    %mul3A_1 = arith.muli %add3A_0, %mul3A : i32
    %scan3A = arith.constant 0 : i32
    %scan3A_2 = arith.constant 0 : i32
    %scan3A_3 = arith.constant 1024 : i32
    %scan3A_4 = arith.addi %scan3A_2, %scan3A_3 : i32
    %scan3A_5 = arith.constant 1 : i32
    %scan3A_6 = scf.for %scan3A_30 = %scan3A_2 to %scan3A_4 step %scan3A_5 iter_args(%scan3A_31 = %scan3A) -> (i32)  : i32 {
      %broadcast_in_dim3A = arith.constant 0.000000e+00 : f32
      %broadcast_in_dim3A_32 = vector.broadcast %broadcast_in_dim3A : f32 to vector<16xf32>
      %jit3A = arith.constant 8 : i32
      %div3A = arith.divsi %scan3A_30, %jit3A : i32
      %sign3A = arith.constant 0 : i32
      %sign3A_33 = arith.cmpi sgt, %scan3A_30, %sign3A : i32
      %sign3A_34 = arith.extui %sign3A_33 : i1 to i32
      %sign3A_35 = arith.constant 0 : i32
      %sign3A_36 = arith.cmpi slt, %scan3A_30, %sign3A_35 : i32
      %sign3A_37 = arith.extui %sign3A_36 : i1 to i32
      %sign3A_38 = arith.subi %sign3A_34, %sign3A_37 : i32
      %sign3A_39 = arith.constant 0 : i32
      %sign3A_40 = arith.cmpi sgt, %jit3A, %sign3A_39 : i32
      %sign3A_41 = arith.extui %sign3A_40 : i1 to i32
      %sign3A_42 = arith.constant 0 : i32
      %sign3A_43 = arith.cmpi slt, %jit3A, %sign3A_42 : i32
      %sign3A_44 = arith.extui %sign3A_43 : i1 to i32
      %sign3A_45 = arith.subi %sign3A_41, %sign3A_44 : i32
      %ne3A = arith.cmpi ne, %sign3A_38, %sign3A_45 : i32
      %rem3A = arith.remsi %scan3A_30, %jit3A : i32
      %ne3A_46 = arith.constant 0 : i32
      %ne3A_47 = arith.cmpi ne, %rem3A, %ne3A_46 : i32
      %and3A = arith.andi %ne3A, %ne3A_47 : i1
      %sub3A = arith.constant 1 : i32
      %sub3A_48 = arith.subi %div3A, %sub3A : i32
      %select_n3A = arith.select %and3A, %sub3A_48, %div3A : i32
      %jit3A_49 = arith.constant 8 : i32
      %eq3A = arith.constant 0 : i32
      %eq3A_50 = arith.cmpi eq, %jit3A_49, %eq3A : i32
      %jit3A_51 = arith.constant 1 : i32
      %select_n3A_52 = arith.select %eq3A_50, %jit3A_51, %jit3A_49 : i32
      %rem3A_53 = arith.remsi %scan3A_30, %select_n3A_52 : i32
      %ne3A_54 = arith.constant 0 : i32
      %ne3A_55 = arith.cmpi ne, %rem3A_53, %ne3A_54 : i32
      %lt3A = arith.constant 0 : i32
      %lt3A_56 = arith.cmpi slt, %rem3A_53, %lt3A : i32
      %lt3A_57 = arith.constant 0 : i32
      %lt3A_58 = arith.cmpi slt, %select_n3A_52, %lt3A_57 : i32
      %ne3A_59 = arith.xori %lt3A_56, %lt3A_58 : i1
      %and3A_60 = arith.andi %ne3A_59, %ne3A_55 : i1
      %add3A_61 = arith.addi %rem3A_53, %select_n3A_52 : i32
      %select_n3A_62 = arith.select %and3A_60, %add3A_61, %rem3A_53 : i32
      %mul3A_63 = arith.constant 16 : i32
      %mul3A_64 = arith.muli %select_n3A_62, %mul3A_63 : i32
      %swap3A = arith.index_cast %select_n3A : i32 to index
      %swap3A_65 = arith.index_cast %mul3A_64 : i32 to index
      %swap3A_66 = tpu.vector_load %arg9[%swap3A, %swap3A_65] {strides = array<i32>} : memref<128x128xf32, #tpu.memory_space<vmem>>, vector<16xf32>,
      tpu.vector_store %arg9[%swap3A, %swap3A_65], %broadcast_in_dim3A_32 {strides = array<i32>} : memref<128x128xf32, #tpu.memory_space<vmem>>, vector<16xf32>,
      %scan3A_67 = arith.constant 0 : i32
      scf.yield %scan3A_67 : i32
    }
    %scan3A_7 = arith.constant 1024 : i32
    %scan3A_8 = arith.constant 0 : i32
    %scan3A_9 = arith.constant 0 : i32
    %scan3A_10 = arith.constant 5 : i32
    %scan3A_11 = arith.addi %scan3A_9, %scan3A_10 : i32
    %scan3A_12 = arith.constant 1 : i32
    %scan3A_13 = scf.for %scan3A_30 = %scan3A_9 to %scan3A_11 step %scan3A_12 iter_args(%scan3A_31 = %scan3A_8) -> (i32)  : i32 {
      %mul3A_32 = arith.constant 640 : i32
      %mul3A_33 = arith.muli %arg1, %mul3A_32 : i32
      %mul3A_34 = arith.constant 128 : i32
      %mul3A_35 = arith.muli %scan3A_30, %mul3A_34 : i32
      %add3A_36 = arith.addi %mul3A_33, %mul3A_35 : i32
      "tpu.region"() ({
        %run_scoped3A = tpu.sem_alloc : memref<!tpu.dma_semaphore, #tpu.memory_space<semaphore_mem>>
        %dma_start3A = arith.constant 0 : i32
        %dma_start3A_38 = tpu.memref_slice %arg10[%add3A_36, %dma_start3A] : memref<10240x128xf32, #tpu.memory_space<vmem_shared>> -> memref<128x128xf32, #tpu.memory_space<vmem_shared>>
        %dma_start3A_39 = arith.constant 0 : i32
        %dma_start3A_40 = tpu.memref_slice %arg10[%add3A_36, %dma_start3A_39] : memref<10240x128xf32, #tpu.memory_space<vmem_shared>> -> memref<128x128xf32, #tpu.memory_space<vmem_shared>>
        tpu.enqueue_dma source(%arg9 : memref<128x128xf32, #tpu.memory_space<vmem>>) target(%dma_start3A_40 : memref<128x128xf32, #tpu.memory_space<vmem_shared>>) target_semaphore(%run_scoped3A : memref<!tpu.dma_semaphore, #tpu.memory_space<semaphore_mem>>)
        %dma_wait3A = arith.constant 0 : i32
        %dma_wait3A_41 = tpu.memref_slice %arg10[%add3A_36, %dma_wait3A] : memref<10240x128xf32, #tpu.memory_space<vmem_shared>> -> memref<128x128xf32, #tpu.memory_space<vmem_shared>>
        %dma_wait3A_42 = arith.constant 0 : i32
        %dma_wait3A_43 = tpu.memref_slice %arg10[%add3A_36, %dma_wait3A_42] : memref<10240x128xf32, #tpu.memory_space<vmem_shared>> -> memref<128x128xf32, #tpu.memory_space<vmem_shared>>
        tpu.wait_dma2 semaphore(%run_scoped3A : memref<!tpu.dma_semaphore, #tpu.memory_space<semaphore_mem>>) src(%arg9 : memref<128x128xf32, #tpu.memory_space<vmem>>) dst(%dma_wait3A_43 : memref<128x128xf32, #tpu.memory_space<vmem_shared>>)
        tpu.yield
      }) : () -> ()
      %scan3A_37 = arith.constant 0 : i32
      scf.yield %scan3A_37 : i32
    }
    %scan3A_14 = arith.constant 5 : i32
    %barrier3A = arith.constant 0 : index
    tpu.barrier barrier_id(%barrier3A)
    %scan3A_15 = arith.constant 0 : i32
    %scan3A_16 = arith.constant 0 : i32
    %scan3A_17 = arith.constant 79 : i32
    %scan3A_18 = arith.addi %scan3A_16, %scan3A_17 : i32
    %scan3A_19 = arith.constant 1 : i32
    %scan3A_20 = scf.for %scan3A_30 = %scan3A_16 to %scan3A_18 step %scan3A_19 iter_args(%scan3A_31 = %scan3A_15) -> (i32)  : i32 {
      %get3A = arith.index_cast %scan3A_30 : i32 to index
      %get3A_32 = arith.constant 0 : index
      %get3A_33 = tpu.vector_load %arg6[%get3A, %get3A_32] {strides = array<i32>} : memref<79x128xi32, #tpu.memory_space<vmem>>, vector<16xi32>,
      %add3A_34 = vector.broadcast %mul3A_1 : i32 to vector<16xi32>
      %add3A_35 = arith.addi %get3A_33, %add3A_34 : vector<16xi32>
      %swap3A = arith.constant 0 : index
      %swap3A_36 = tpu.vector_load %arg8[%swap3A] {strides = array<i32>} : memref<128xi32, #tpu.memory_space<vmem>>, vector<16xi32>,
      tpu.vector_store %arg8[%swap3A], %add3A_35 {strides = array<i32>} : memref<128xi32, #tpu.memory_space<vmem>>, vector<16xi32>,
      %get3A_37 = arith.index_cast %scan3A_30 : i32 to index
      %get3A_38 = arith.constant 16 : index
      %get3A_39 = tpu.vector_load %arg6[%get3A_37, %get3A_38] {strides = array<i32>} : memref<79x128xi32, #tpu.memory_space<vmem>>, vector<16xi32>,
      %add3A_40 = vector.broadcast %mul3A_1 : i32 to vector<16xi32>
      %add3A_41 = arith.addi %get3A_39, %add3A_40 : vector<16xi32>
      %swap3A_42 = arith.constant 16 : index
      %swap3A_43 = tpu.vector_load %arg8[%swap3A_42] {strides = array<i32>} : memref<128xi32, #tpu.memory_space<vmem>>, vector<16xi32>,
      tpu.vector_store %arg8[%swap3A_42], %add3A_41 {strides = array<i32>} : memref<128xi32, #tpu.memory_space<vmem>>, vector<16xi32>,
      %get3A_44 = arith.index_cast %scan3A_30 : i32 to index
      %get3A_45 = arith.constant 32 : index
      %get3A_46 = tpu.vector_load %arg6[%get3A_44, %get3A_45] {strides = array<i32>} : memref<79x128xi32, #tpu.memory_space<vmem>>, vector<16xi32>,
      %add3A_47 = vector.broadcast %mul3A_1 : i32 to vector<16xi32>
      %add3A_48 = arith.addi %get3A_46, %add3A_47 : vector<16xi32>
      %swap3A_49 = arith.constant 32 : index
      %swap3A_50 = tpu.vector_load %arg8[%swap3A_49] {strides = array<i32>} : memref<128xi32, #tpu.memory_space<vmem>>, vector<16xi32>,
      tpu.vector_store %arg8[%swap3A_49], %add3A_48 {strides = array<i32>} : memref<128xi32, #tpu.memory_space<vmem>>, vector<16xi32>,
      %get3A_51 = arith.index_cast %scan3A_30 : i32 to index
      %get3A_52 = arith.constant 48 : index
      %get3A_53 = tpu.vector_load %arg6[%get3A_51, %get3A_52] {strides = array<i32>} : memref<79x128xi32, #tpu.memory_space<vmem>>, vector<16xi32>,
      %add3A_54 = vector.broadcast %mul3A_1 : i32 to vector<16xi32>
      %add3A_55 = arith.addi %get3A_53, %add3A_54 : vector<16xi32>
      %swap3A_56 = arith.constant 48 : index
      %swap3A_57 = tpu.vector_load %arg8[%swap3A_56] {strides = array<i32>} : memref<128xi32, #tpu.memory_space<vmem>>, vector<16xi32>,
      tpu.vector_store %arg8[%swap3A_56], %add3A_55 {strides = array<i32>} : memref<128xi32, #tpu.memory_space<vmem>>, vector<16xi32>,
      %get3A_58 = arith.index_cast %scan3A_30 : i32 to index
      %get3A_59 = arith.constant 64 : index
      %get3A_60 = tpu.vector_load %arg6[%get3A_58, %get3A_59] {strides = array<i32>} : memref<79x128xi32, #tpu.memory_space<vmem>>, vector<16xi32>,
      %add3A_61 = vector.broadcast %mul3A_1 : i32 to vector<16xi32>
      %add3A_62 = arith.addi %get3A_60, %add3A_61 : vector<16xi32>
      %swap3A_63 = arith.constant 64 : index
      %swap3A_64 = tpu.vector_load %arg8[%swap3A_63] {strides = array<i32>} : memref<128xi32, #tpu.memory_space<vmem>>, vector<16xi32>,
      tpu.vector_store %arg8[%swap3A_63], %add3A_62 {strides = array<i32>} : memref<128xi32, #tpu.memory_space<vmem>>, vector<16xi32>,
      %get3A_65 = arith.index_cast %scan3A_30 : i32 to index
      %get3A_66 = arith.constant 80 : index
      %get3A_67 = tpu.vector_load %arg6[%get3A_65, %get3A_66] {strides = array<i32>} : memref<79x128xi32, #tpu.memory_space<vmem>>, vector<16xi32>,
      %add3A_68 = vector.broadcast %mul3A_1 : i32 to vector<16xi32>
      %add3A_69 = arith.addi %get3A_67, %add3A_68 : vector<16xi32>
      %swap3A_70 = arith.constant 80 : index
      %swap3A_71 = tpu.vector_load %arg8[%swap3A_70] {strides = array<i32>} : memref<128xi32, #tpu.memory_space<vmem>>, vector<16xi32>,
      tpu.vector_store %arg8[%swap3A_70], %add3A_69 {strides = array<i32>} : memref<128xi32, #tpu.memory_space<vmem>>, vector<16xi32>,
      %get3A_72 = arith.index_cast %scan3A_30 : i32 to index
      %get3A_73 = arith.constant 96 : index
      %get3A_74 = tpu.vector_load %arg6[%get3A_72, %get3A_73] {strides = array<i32>} : memref<79x128xi32, #tpu.memory_space<vmem>>, vector<16xi32>,
      %add3A_75 = vector.broadcast %mul3A_1 : i32 to vector<16xi32>
      %add3A_76 = arith.addi %get3A_74, %add3A_75 : vector<16xi32>
      %swap3A_77 = arith.constant 96 : index
      %swap3A_78 = tpu.vector_load %arg8[%swap3A_77] {strides = array<i32>} : memref<128xi32, #tpu.memory_space<vmem>>, vector<16xi32>,
      tpu.vector_store %arg8[%swap3A_77], %add3A_76 {strides = array<i32>} : memref<128xi32, #tpu.memory_space<vmem>>, vector<16xi32>,
      %get3A_79 = arith.index_cast %scan3A_30 : i32 to index
      %get3A_80 = arith.constant 112 : index
      %get3A_81 = tpu.vector_load %arg6[%get3A_79, %get3A_80] {strides = array<i32>} : memref<79x128xi32, #tpu.memory_space<vmem>>, vector<16xi32>,
      %add3A_82 = vector.broadcast %mul3A_1 : i32 to vector<16xi32>
      %add3A_83 = arith.addi %get3A_81, %add3A_82 : vector<16xi32>
      %swap3A_84 = arith.constant 112 : index
      %swap3A_85 = tpu.vector_load %arg8[%swap3A_84] {strides = array<i32>} : memref<128xi32, #tpu.memory_space<vmem>>, vector<16xi32>,
      tpu.vector_store %arg8[%swap3A_84], %add3A_83 {strides = array<i32>} : memref<128xi32, #tpu.memory_space<vmem>>, vector<16xi32>,
      %dma_start3A = arith.constant 0 : i32
      %dma_start3A_86 = arith.constant 0 : i32
      %dma_start3A_87 = tpu.memref_slice %arg4[%dma_start3A, %dma_start3A_86] : memref<20480x128xf32, #tpu.memory_space<hbm>> -> memref<20480x128xf32, #tpu.memory_space<hbm>>
      tpu.enqueue_indirect_dma source(%dma_start3A_87 : memref<20480x128xf32, #tpu.memory_space<hbm>>) target(%arg9 : memref<128x128xf32, #tpu.memory_space<vmem>>) offsets(%arg8 : memref<128xi32, #tpu.memory_space<vmem>>) semaphore(%arg11 : memref<!tpu.dma_semaphore, #tpu.memory_space<semaphore_mem>>)
      %dma_wait3A = arith.constant 0 : i32
      %dma_wait3A_88 = arith.constant 0 : i32
      %dma_wait3A_89 = tpu.memref_slice %arg4[%dma_wait3A, %dma_wait3A_88] : memref<20480x128xf32, #tpu.memory_space<hbm>> -> memref<20480x128xf32, #tpu.memory_space<hbm>>
      tpu.wait_indirect_dma semaphore(%arg11 : memref<!tpu.dma_semaphore, #tpu.memory_space<semaphore_mem>>) src(%dma_wait3A_89 : memref<20480x128xf32, #tpu.memory_space<hbm>>) dst(%arg9 : memref<128x128xf32, #tpu.memory_space<vmem>>)
      "tpu.region"() ({
        %run_scoped3A = tpu.sem_alloc : memref<!tpu.dma_semaphore, #tpu.memory_space<semaphore_mem>>
        %dma_start3A_91 = arith.constant 0 : i32
        %dma_start3A_92 = tpu.memref_slice %arg7[%scan3A_30, %dma_start3A_91] : memref<79x128xi32, #tpu.memory_space<vmem>> -> memref<1x128xi32, #tpu.memory_space<vmem>>
        %dma_start3A_93 = tpu.memref_squeeze %dma_start3A_92 : memref<1x128xi32, #tpu.memory_space<vmem>> -> memref<128xi32, #tpu.memory_space<vmem>>
        %dma_start3A_94 = arith.constant 0 : i32
        %dma_start3A_95 = arith.constant 0 : i32
        %dma_start3A_96 = tpu.memref_slice %arg10[%dma_start3A_94, %dma_start3A_95] : memref<10240x128xf32, #tpu.memory_space<vmem_shared>> -> memref<10240x128xf32, #tpu.memory_space<vmem_shared>>
        tpu.enqueue_indirect_dma source(%arg9 : memref<128x128xf32, #tpu.memory_space<vmem>>) target(%dma_start3A_96 : memref<10240x128xf32, #tpu.memory_space<vmem_shared>>) offsets(%dma_start3A_93 : memref<128xi32, #tpu.memory_space<vmem>>) semaphore(%run_scoped3A : memref<!tpu.dma_semaphore, #tpu.memory_space<semaphore_mem>>) {add = true}
        %dma_wait3A_97 = arith.constant 0 : i32
        %dma_wait3A_98 = tpu.memref_slice %arg7[%scan3A_30, %dma_wait3A_97] : memref<79x128xi32, #tpu.memory_space<vmem>> -> memref<1x128xi32, #tpu.memory_space<vmem>>
        %dma_wait3A_99 = tpu.memref_squeeze %dma_wait3A_98 : memref<1x128xi32, #tpu.memory_space<vmem>> -> memref<128xi32, #tpu.memory_space<vmem>>
        %dma_wait3A_100 = arith.constant 0 : i32
        %dma_wait3A_101 = arith.constant 0 : i32
        %dma_wait3A_102 = tpu.memref_slice %arg10[%dma_wait3A_100, %dma_wait3A_101] : memref<10240x128xf32, #tpu.memory_space<vmem_shared>> -> memref<10240x128xf32, #tpu.memory_space<vmem_shared>>
        tpu.wait_indirect_dma semaphore(%run_scoped3A : memref<!tpu.dma_semaphore, #tpu.memory_space<semaphore_mem>>) src(%arg9 : memref<128x128xf32, #tpu.memory_space<vmem>>) dst(%dma_wait3A_102 : memref<10240x128xf32, #tpu.memory_space<vmem_shared>>)
        tpu.yield
      }) : () -> ()
      %scan3A_90 = arith.constant 0 : i32
      scf.yield %scan3A_90 : i32
    }
    %scan3A_21 = arith.constant 79 : i32
    %barrier3A_22 = arith.constant 0 : index
    tpu.barrier barrier_id(%barrier3A_22)
    %scan3A_23 = arith.constant 0 : i32
    %scan3A_24 = arith.constant 0 : i32
    %scan3A_25 = arith.constant 5 : i32
    %scan3A_26 = arith.addi %scan3A_24, %scan3A_25 : i32
    %scan3A_27 = arith.constant 1 : i32
    %scan3A_28 = scf.for %scan3A_30 = %scan3A_24 to %scan3A_26 step %scan3A_27 iter_args(%scan3A_31 = %scan3A_23) -> (i32)  : i32 {
      %mul3A_32 = arith.constant 640 : i32
      %mul3A_33 = arith.muli %arg1, %mul3A_32 : i32
      %mul3A_34 = arith.constant 128 : i32
      %mul3A_35 = arith.muli %scan3A_30, %mul3A_34 : i32
      %add3A_36 = arith.addi %mul3A_33, %mul3A_35 : i32
      %add3A_37 = arith.addi %mul3A_1, %add3A_36 : i32
      "tpu.region"() ({
        %run_scoped3A = tpu.sem_alloc : memref<!tpu.dma_semaphore, #tpu.memory_space<semaphore_mem>>
        %dma_start3A = arith.constant 0 : i32
        %dma_start3A_39 = tpu.memref_slice %arg5[%add3A_37, %dma_start3A] : memref<20480x128xf32, #tpu.memory_space<hbm>> -> memref<128x128xf32, #tpu.memory_space<hbm>>
        %dma_start3A_40 = arith.constant 0 : i32
        %dma_start3A_41 = tpu.memref_slice %arg10[%add3A_36, %dma_start3A_40] : memref<10240x128xf32, #tpu.memory_space<vmem_shared>> -> memref<128x128xf32, #tpu.memory_space<vmem_shared>>
        tpu.enqueue_dma source(%dma_start3A_41 : memref<128x128xf32, #tpu.memory_space<vmem_shared>>) target(%dma_start3A_39 : memref<128x128xf32, #tpu.memory_space<hbm>>) target_semaphore(%run_scoped3A : memref<!tpu.dma_semaphore, #tpu.memory_space<semaphore_mem>>)
        %dma_wait3A = arith.constant 0 : i32
        %dma_wait3A_42 = tpu.memref_slice %arg5[%add3A_37, %dma_wait3A] : memref<20480x128xf32, #tpu.memory_space<hbm>> -> memref<128x128xf32, #tpu.memory_space<hbm>>
        %dma_wait3A_43 = arith.constant 0 : i32
        %dma_wait3A_44 = tpu.memref_slice %arg10[%add3A_36, %dma_wait3A_43] : memref<10240x128xf32, #tpu.memory_space<vmem_shared>> -> memref<128x128xf32, #tpu.memory_space<vmem_shared>>
        tpu.wait_dma2 semaphore(%run_scoped3A : memref<!tpu.dma_semaphore, #tpu.memory_space<semaphore_mem>>) src(%dma_wait3A_44 : memref<128x128xf32, #tpu.memory_space<vmem_shared>>) dst(%dma_wait3A_42 : memref<128x128xf32, #tpu.memory_space<hbm>>)
        tpu.yield
      }) : () -> ()
      %scan3A_38 = arith.constant 0 : i32
      scf.yield %scan3A_38 : i32
    }
    %scan3A_29 = arith.constant 5 : i32
    return
  }
}

module attributes {stable_mosaic.version = 14 : i64} {
  func.func @_k1_body(%arg0: i32, %arg1: memref<32x256xf32, #tpu.memory_space<vmem>>, %arg2: memref<256x256xf32, #tpu.memory_space<vmem>>, %arg3: memref<256x1xf32, #tpu.memory_space<vmem>>, %arg4: memref<2x256x128xf32, #tpu.memory_space<vmem>>) attributes {dimension_semantics = [#tpu.dimension_semantics<arbitrary>], iteration_bounds = array<i64: 40>, scalar_prefetch = 0 : i64, scratch_operands = 0 : i64, tpu.core_type = #tpu.core_type<tc>, window_params = [{transform_indices = @transform_0, window_bounds = array<i64: 32, 256>}, {transform_indices = @transform_1, window_bounds = array<i64: 256, 256>}, {transform_indices = @transform_2, window_bounds = array<i64: 256, 1>}, {transform_indices = @transform_3, window_bounds = array<i64: 2, 256, 128>}]} {
    %get3A = arith.constant 0 : index
    %get3A_0 = arith.constant 0 : index
    %get3A_1 = vector.load %arg1[%get3A, %get3A_0] : memref<32x256xf32, #tpu.memory_space<vmem>>, vector<32x256xf32>
    %reduce_sum3A = arith.constant dense<0.000000e+00> : vector<256xf32>
    %reduce_sum3A_2 = vector.multi_reduction <add>, %get3A_1, %reduce_sum3A [0] : vector<32x256xf32> to vector<256xf32>
    %add3A = arith.constant 1.000000e+00 : f32
    %add3A_3 = vector.broadcast %add3A : f32 to vector<256xf32>
    %add3A_4 = arith.addf %reduce_sum3A_2, %add3A_3 : vector<256xf32>
    %rsqrt3A = math.rsqrt %add3A_4 : vector<256xf32>
    %broadcast_in_dim3A = vector.shape_cast %rsqrt3A : vector<256xf32> to vector<256x1xf32>
    %swap3A = arith.constant 0 : index
    %swap3A_5 = arith.constant 0 : index
    %swap3A_6 = vector.load %arg3[%swap3A, %swap3A_5] : memref<256x1xf32, #tpu.memory_space<vmem>>, vector<256x1xf32>
    tpu.vector_store %arg3[%swap3A, %swap3A_5], %broadcast_in_dim3A {strides = array<i32>} : memref<256x1xf32, #tpu.memory_space<vmem>>, vector<256x1xf32>,
    %get3A_7 = arith.constant 0 : index
    %get3A_8 = arith.constant 0 : index
    %get3A_9 = vector.load %arg2[%get3A_7, %get3A_8] : memref<256x256xf32, #tpu.memory_space<vmem>>, vector<256x256xf32>
    %broadcast_in_dim3A_10 = vector.shape_cast %rsqrt3A : vector<256xf32> to vector<256x1xf32>
    %mul3A = vector.broadcast %broadcast_in_dim3A_10 : vector<256x1xf32> to vector<256x256xf32>
    %mul3A_11 = arith.mulf %get3A_9, %mul3A : vector<256x256xf32>
    %slice3A = vector.extract_strided_slice %mul3A_11 {offsets = [0, 0], sizes = [256, 128], strides = [1, 1]} : vector<256x256xf32> to vector<256x128xf32>
    %swap3A_12 = arith.constant 0 : index
    %swap3A_13 = arith.constant 0 : index
    %swap3A_14 = arith.constant 0 : index
    %swap3A_15 = vector.load %arg4[%swap3A_12, %swap3A_13, %swap3A_14] : memref<2x256x128xf32, #tpu.memory_space<vmem>>, vector<1x256x128xf32>
    %swap3A_16 = vector.shape_cast %swap3A_15 : vector<1x256x128xf32> to vector<256x128xf32>
    %swap3A_17 = vector.shape_cast %slice3A : vector<256x128xf32> to vector<1x256x128xf32>
    tpu.vector_store %arg4[%swap3A_12, %swap3A_13, %swap3A_14], %swap3A_17 {strides = array<i32>} : memref<2x256x128xf32, #tpu.memory_space<vmem>>, vector<1x256x128xf32>,
    %slice3A_18 = vector.extract_strided_slice %mul3A_11 {offsets = [0, 128], sizes = [256, 128], strides = [1, 1]} : vector<256x256xf32> to vector<256x128xf32>
    %swap3A_19 = arith.constant 1 : index
    %swap3A_20 = arith.constant 0 : index
    %swap3A_21 = arith.constant 0 : index
    %swap3A_22 = vector.load %arg4[%swap3A_19, %swap3A_20, %swap3A_21] : memref<2x256x128xf32, #tpu.memory_space<vmem>>, vector<1x256x128xf32>
    %swap3A_23 = vector.shape_cast %swap3A_22 : vector<1x256x128xf32> to vector<256x128xf32>
    %swap3A_24 = vector.shape_cast %slice3A_18 : vector<256x128xf32> to vector<1x256x128xf32>
    tpu.vector_store %arg4[%swap3A_19, %swap3A_20, %swap3A_21], %swap3A_24 {strides = array<i32>} : memref<2x256x128xf32, #tpu.memory_space<vmem>>, vector<1x256x128xf32>,
    return
  }
  func.func @transform_0(%arg0: i32) -> (i32, i32) {
    %c0_i32 = arith.constant 0 : i32
    %c0_i32_0 = arith.constant 0 : i32
    return %c0_i32, %arg0 : i32, i32
  }
  func.func @transform_1(%arg0: i32) -> (i32, i32) {
    %c0_i32 = arith.constant 0 : i32
    %c0_i32_0 = arith.constant 0 : i32
    return %arg0, %c0_i32 : i32, i32
  }
  func.func @transform_2(%arg0: i32) -> (i32, i32) {
    %c0_i32 = arith.constant 0 : i32
    %c0_i32_0 = arith.constant 0 : i32
    return %arg0, %c0_i32 : i32, i32
  }
  func.func @transform_3(%arg0: i32) -> (i32, i32, i32) {
    %c0_i32 = arith.constant 0 : i32
    %c0_i32_0 = arith.constant 0 : i32
    %c0_i32_1 = arith.constant 0 : i32
    return %c0_i32, %arg0, %c0_i32_0 : i32, i32, i32
  }
}

module attributes {stable_mosaic.version = 14 : i64} {
  func.func @_k2_body(%arg0: i32, %arg1: memref<2x256x128xf32, #tpu.memory_space<vmem>>, %arg2: memref<2x256x128xf32, #tpu.memory_space<vmem>>, %arg3: memref<256x1xf32, #tpu.memory_space<vmem>>, %arg4: memref<256x512xf32, #tpu.memory_space<vmem>>, %arg5: memref<1x512xf32, #tpu.memory_space<vmem>>, %arg6: memref<4x256x128xf32, #tpu.memory_space<vmem>>) attributes {dimension_semantics = [#tpu.dimension_semantics<arbitrary>], iteration_bounds = array<i64: 40>, scalar_prefetch = 0 : i64, scratch_operands = 0 : i64, tpu.core_type = #tpu.core_type<tc>, window_params = [{transform_indices = @transform_0, window_bounds = array<i64: 2, 256, 128>}, {transform_indices = @transform_1, window_bounds = array<i64: 2, 256, 128>}, {transform_indices = @transform_2, window_bounds = array<i64: 256, 1>}, {pipeline_mode = #tpu.pipeline_mode<synchronous>, transform_indices = @transform_3, window_bounds = array<i64: 256, 512>}, {pipeline_mode = #tpu.pipeline_mode<synchronous>, transform_indices = @transform_4, window_bounds = array<i64: 1, 512>}, {transform_indices = @transform_5, window_bounds = array<i64: 4, 256, 128>}]} {
    %get3A = arith.constant 0 : index
    %get3A_0 = arith.constant 0 : index
    %get3A_1 = vector.load %arg3[%get3A, %get3A_0] : memref<256x1xf32, #tpu.memory_space<vmem>>, vector<256x1xf32>
    %get3A_2 = arith.constant 0 : index
    %get3A_3 = arith.constant 0 : index
    %get3A_4 = arith.constant 0 : index
    %get3A_5 = vector.load %arg1[%get3A_2, %get3A_3, %get3A_4] : memref<2x256x128xf32, #tpu.memory_space<vmem>>, vector<1x256x128xf32>
    %get3A_6 = vector.shape_cast %get3A_5 : vector<1x256x128xf32> to vector<256x128xf32>
    %get3A_7 = arith.constant 0 : index
    %get3A_8 = arith.constant 0 : index
    %get3A_9 = arith.constant 0 : index
    %get3A_10 = vector.load %arg2[%get3A_7, %get3A_8, %get3A_9] : memref<2x256x128xf32, #tpu.memory_space<vmem>>, vector<1x256x128xf32>
    %get3A_11 = vector.shape_cast %get3A_10 : vector<1x256x128xf32> to vector<256x128xf32>
    %add3A = arith.addf %get3A_6, %get3A_11 : vector<256x128xf32>
    %get3A_12 = arith.constant 1 : index
    %get3A_13 = arith.constant 0 : index
    %get3A_14 = arith.constant 0 : index
    %get3A_15 = vector.load %arg1[%get3A_12, %get3A_13, %get3A_14] : memref<2x256x128xf32, #tpu.memory_space<vmem>>, vector<1x256x128xf32>
    %get3A_16 = vector.shape_cast %get3A_15 : vector<1x256x128xf32> to vector<256x128xf32>
    %get3A_17 = arith.constant 1 : index
    %get3A_18 = arith.constant 0 : index
    %get3A_19 = arith.constant 0 : index
    %get3A_20 = vector.load %arg2[%get3A_17, %get3A_18, %get3A_19] : memref<2x256x128xf32, #tpu.memory_space<vmem>>, vector<1x256x128xf32>
    %get3A_21 = vector.shape_cast %get3A_20 : vector<1x256x128xf32> to vector<256x128xf32>
    %add3A_22 = arith.addf %get3A_16, %get3A_21 : vector<256x128xf32>
    %concatenate3A = tpu.concatenate %add3A, %add3A_22 in 1 : vector<256x128xf32>, vector<256x128xf32> -> vector<256x256xf32>
    %mul3A = vector.broadcast %get3A_1 : vector<256x1xf32> to vector<256x256xf32>
    %mul3A_23 = arith.mulf %concatenate3A, %mul3A : vector<256x256xf32>
    %get3A_24 = arith.constant 0 : index
    %get3A_25 = arith.constant 0 : index
    %get3A_26 = vector.load %arg4[%get3A_24, %get3A_25] : memref<256x512xf32, #tpu.memory_space<vmem>>, vector<256x512xf32>
    %dot_general3A = arith.constant dense<0.000000e+00> : vector<256x512xf32>
    %dot_general3A_27 = tpu.matmul %mul3A_23, %get3A_26, %dot_general3A {dimension_numbers = #tpu.dot_dimension_numbers<[1], [0], [0], [1], [0, 0, 1, 1], [], []>, transpose_lhs_hint = false} : vector<256x256xf32>, vector<256x512xf32>, vector<256x512xf32> -> vector<256x512xf32>
    %get3A_28 = arith.constant 0 : index
    %get3A_29 = arith.constant 0 : index
    %get3A_30 = vector.load %arg5[%get3A_28, %get3A_29] : memref<1x512xf32, #tpu.memory_space<vmem>>, vector<1x512xf32>
    %add3A_31 = vector.broadcast %get3A_30 : vector<1x512xf32> to vector<256x512xf32>
    %add3A_32 = arith.addf %dot_general3A_27, %add3A_31 : vector<256x512xf32>
    %max3A = arith.constant 0.000000e+00 : f32
    %max3A_33 = vector.broadcast %max3A : f32 to vector<256x512xf32>
    %max3A_34 = arith.maximumf %add3A_32, %max3A_33 : vector<256x512xf32>
    %mul3A_35 = vector.broadcast %get3A_1 : vector<256x1xf32> to vector<256x512xf32>
    %mul3A_36 = arith.mulf %max3A_34, %mul3A_35 : vector<256x512xf32>
    %slice3A = vector.extract_strided_slice %mul3A_36 {offsets = [0, 0], sizes = [256, 128], strides = [1, 1]} : vector<256x512xf32> to vector<256x128xf32>
    %swap3A = arith.constant 0 : index
    %swap3A_37 = arith.constant 0 : index
    %swap3A_38 = arith.constant 0 : index
    %swap3A_39 = vector.load %arg6[%swap3A, %swap3A_37, %swap3A_38] : memref<4x256x128xf32, #tpu.memory_space<vmem>>, vector<1x256x128xf32>
    %swap3A_40 = vector.shape_cast %swap3A_39 : vector<1x256x128xf32> to vector<256x128xf32>
    %swap3A_41 = vector.shape_cast %slice3A : vector<256x128xf32> to vector<1x256x128xf32>
    tpu.vector_store %arg6[%swap3A, %swap3A_37, %swap3A_38], %swap3A_41 {strides = array<i32>} : memref<4x256x128xf32, #tpu.memory_space<vmem>>, vector<1x256x128xf32>,
    %slice3A_42 = vector.extract_strided_slice %mul3A_36 {offsets = [0, 128], sizes = [256, 128], strides = [1, 1]} : vector<256x512xf32> to vector<256x128xf32>
    %swap3A_43 = arith.constant 1 : index
    %swap3A_44 = arith.constant 0 : index
    %swap3A_45 = arith.constant 0 : index
    %swap3A_46 = vector.load %arg6[%swap3A_43, %swap3A_44, %swap3A_45] : memref<4x256x128xf32, #tpu.memory_space<vmem>>, vector<1x256x128xf32>
    %swap3A_47 = vector.shape_cast %swap3A_46 : vector<1x256x128xf32> to vector<256x128xf32>
    %swap3A_48 = vector.shape_cast %slice3A_42 : vector<256x128xf32> to vector<1x256x128xf32>
    tpu.vector_store %arg6[%swap3A_43, %swap3A_44, %swap3A_45], %swap3A_48 {strides = array<i32>} : memref<4x256x128xf32, #tpu.memory_space<vmem>>, vector<1x256x128xf32>,
    %slice3A_49 = vector.extract_strided_slice %mul3A_36 {offsets = [0, 256], sizes = [256, 128], strides = [1, 1]} : vector<256x512xf32> to vector<256x128xf32>
    %swap3A_50 = arith.constant 2 : index
    %swap3A_51 = arith.constant 0 : index
    %swap3A_52 = arith.constant 0 : index
    %swap3A_53 = vector.load %arg6[%swap3A_50, %swap3A_51, %swap3A_52] : memref<4x256x128xf32, #tpu.memory_space<vmem>>, vector<1x256x128xf32>
    %swap3A_54 = vector.shape_cast %swap3A_53 : vector<1x256x128xf32> to vector<256x128xf32>
    %swap3A_55 = vector.shape_cast %slice3A_49 : vector<256x128xf32> to vector<1x256x128xf32>
    tpu.vector_store %arg6[%swap3A_50, %swap3A_51, %swap3A_52], %swap3A_55 {strides = array<i32>} : memref<4x256x128xf32, #tpu.memory_space<vmem>>, vector<1x256x128xf32>,
    %slice3A_56 = vector.extract_strided_slice %mul3A_36 {offsets = [0, 384], sizes = [256, 128], strides = [1, 1]} : vector<256x512xf32> to vector<256x128xf32>
    %swap3A_57 = arith.constant 3 : index
    %swap3A_58 = arith.constant 0 : index
    %swap3A_59 = arith.constant 0 : index
    %swap3A_60 = vector.load %arg6[%swap3A_57, %swap3A_58, %swap3A_59] : memref<4x256x128xf32, #tpu.memory_space<vmem>>, vector<1x256x128xf32>
    %swap3A_61 = vector.shape_cast %swap3A_60 : vector<1x256x128xf32> to vector<256x128xf32>
    %swap3A_62 = vector.shape_cast %slice3A_56 : vector<256x128xf32> to vector<1x256x128xf32>
    tpu.vector_store %arg6[%swap3A_57, %swap3A_58, %swap3A_59], %swap3A_62 {strides = array<i32>} : memref<4x256x128xf32, #tpu.memory_space<vmem>>, vector<1x256x128xf32>,
    return
  }
  func.func @transform_0(%arg0: i32) -> (i32, i32, i32) {
    %c0_i32 = arith.constant 0 : i32
    %c0_i32_0 = arith.constant 0 : i32
    %c0_i32_1 = arith.constant 0 : i32
    return %c0_i32, %arg0, %c0_i32_0 : i32, i32, i32
  }
  func.func @transform_1(%arg0: i32) -> (i32, i32, i32) {
    %c0_i32 = arith.constant 0 : i32
    %c0_i32_0 = arith.constant 0 : i32
    %c0_i32_1 = arith.constant 0 : i32
    return %c0_i32, %arg0, %c0_i32_0 : i32, i32, i32
  }
  func.func @transform_2(%arg0: i32) -> (i32, i32) {
    %c0_i32 = arith.constant 0 : i32
    %c0_i32_0 = arith.constant 0 : i32
    return %arg0, %c0_i32 : i32, i32
  }
  func.func @transform_3(%arg0: i32) -> (i32, i32) {
    %c0_i32 = arith.constant 0 : i32
    %c0_i32_0 = arith.constant 0 : i32
    %c0_i32_1 = arith.constant 0 : i32
    return %c0_i32, %c0_i32_0 : i32, i32
  }
  func.func @transform_4(%arg0: i32) -> (i32, i32) {
    %c0_i32 = arith.constant 0 : i32
    %c0_i32_0 = arith.constant 0 : i32
    %c0_i32_1 = arith.constant 0 : i32
    return %c0_i32, %c0_i32_0 : i32, i32
  }
  func.func @transform_5(%arg0: i32) -> (i32, i32, i32) {
    %c0_i32 = arith.constant 0 : i32
    %c0_i32_0 = arith.constant 0 : i32
    %c0_i32_1 = arith.constant 0 : i32
    return %c0_i32, %arg0, %c0_i32_0 : i32, i32, i32
  }
}

module attributes {stable_mosaic.version = 14 : i64} {
  func.func @_k3_body(%arg0: i32, %arg1: memref<4x256x128xf32, #tpu.memory_space<vmem>>, %arg2: memref<4x256x128xf32, #tpu.memory_space<vmem>>, %arg3: memref<256x1xf32, #tpu.memory_space<vmem>>, %arg4: memref<512x512xf32, #tpu.memory_space<vmem>>, %arg5: memref<1x512xf32, #tpu.memory_space<vmem>>, %arg6: memref<512x256xf32, #tpu.memory_space<vmem>>, %arg7: memref<2x256x128xf32, #tpu.memory_space<vmem>>) attributes {dimension_semantics = [#tpu.dimension_semantics<arbitrary>], iteration_bounds = array<i64: 40>, scalar_prefetch = 0 : i64, scratch_operands = 0 : i64, tpu.core_type = #tpu.core_type<tc>, window_params = [{transform_indices = @transform_0, window_bounds = array<i64: 4, 256, 128>}, {transform_indices = @transform_1, window_bounds = array<i64: 4, 256, 128>}, {transform_indices = @transform_2, window_bounds = array<i64: 256, 1>}, {pipeline_mode = #tpu.pipeline_mode<synchronous>, transform_indices = @transform_3, window_bounds = array<i64: 512, 512>}, {pipeline_mode = #tpu.pipeline_mode<synchronous>, transform_indices = @transform_4, window_bounds = array<i64: 1, 512>}, {pipeline_mode = #tpu.pipeline_mode<synchronous>, transform_indices = @transform_5, window_bounds = array<i64: 512, 256>}, {transform_indices = @transform_6, window_bounds = array<i64: 2, 256, 128>}]} {
    %get3A = arith.constant 0 : index
    %get3A_0 = arith.constant 0 : index
    %get3A_1 = vector.load %arg3[%get3A, %get3A_0] : memref<256x1xf32, #tpu.memory_space<vmem>>, vector<256x1xf32>
    %get3A_2 = arith.constant 0 : index
    %get3A_3 = arith.constant 0 : index
    %get3A_4 = arith.constant 0 : index
    %get3A_5 = vector.load %arg1[%get3A_2, %get3A_3, %get3A_4] : memref<4x256x128xf32, #tpu.memory_space<vmem>>, vector<1x256x128xf32>
    %get3A_6 = vector.shape_cast %get3A_5 : vector<1x256x128xf32> to vector<256x128xf32>
    %get3A_7 = arith.constant 0 : index
    %get3A_8 = arith.constant 0 : index
    %get3A_9 = arith.constant 0 : index
    %get3A_10 = vector.load %arg2[%get3A_7, %get3A_8, %get3A_9] : memref<4x256x128xf32, #tpu.memory_space<vmem>>, vector<1x256x128xf32>
    %get3A_11 = vector.shape_cast %get3A_10 : vector<1x256x128xf32> to vector<256x128xf32>
    %add3A = arith.addf %get3A_6, %get3A_11 : vector<256x128xf32>
    %get3A_12 = arith.constant 1 : index
    %get3A_13 = arith.constant 0 : index
    %get3A_14 = arith.constant 0 : index
    %get3A_15 = vector.load %arg1[%get3A_12, %get3A_13, %get3A_14] : memref<4x256x128xf32, #tpu.memory_space<vmem>>, vector<1x256x128xf32>
    %get3A_16 = vector.shape_cast %get3A_15 : vector<1x256x128xf32> to vector<256x128xf32>
    %get3A_17 = arith.constant 1 : index
    %get3A_18 = arith.constant 0 : index
    %get3A_19 = arith.constant 0 : index
    %get3A_20 = vector.load %arg2[%get3A_17, %get3A_18, %get3A_19] : memref<4x256x128xf32, #tpu.memory_space<vmem>>, vector<1x256x128xf32>
    %get3A_21 = vector.shape_cast %get3A_20 : vector<1x256x128xf32> to vector<256x128xf32>
    %add3A_22 = arith.addf %get3A_16, %get3A_21 : vector<256x128xf32>
    %get3A_23 = arith.constant 2 : index
    %get3A_24 = arith.constant 0 : index
    %get3A_25 = arith.constant 0 : index
    %get3A_26 = vector.load %arg1[%get3A_23, %get3A_24, %get3A_25] : memref<4x256x128xf32, #tpu.memory_space<vmem>>, vector<1x256x128xf32>
    %get3A_27 = vector.shape_cast %get3A_26 : vector<1x256x128xf32> to vector<256x128xf32>
    %get3A_28 = arith.constant 2 : index
    %get3A_29 = arith.constant 0 : index
    %get3A_30 = arith.constant 0 : index
    %get3A_31 = vector.load %arg2[%get3A_28, %get3A_29, %get3A_30] : memref<4x256x128xf32, #tpu.memory_space<vmem>>, vector<1x256x128xf32>
    %get3A_32 = vector.shape_cast %get3A_31 : vector<1x256x128xf32> to vector<256x128xf32>
    %add3A_33 = arith.addf %get3A_27, %get3A_32 : vector<256x128xf32>
    %get3A_34 = arith.constant 3 : index
    %get3A_35 = arith.constant 0 : index
    %get3A_36 = arith.constant 0 : index
    %get3A_37 = vector.load %arg1[%get3A_34, %get3A_35, %get3A_36] : memref<4x256x128xf32, #tpu.memory_space<vmem>>, vector<1x256x128xf32>
    %get3A_38 = vector.shape_cast %get3A_37 : vector<1x256x128xf32> to vector<256x128xf32>
    %get3A_39 = arith.constant 3 : index
    %get3A_40 = arith.constant 0 : index
    %get3A_41 = arith.constant 0 : index
    %get3A_42 = vector.load %arg2[%get3A_39, %get3A_40, %get3A_41] : memref<4x256x128xf32, #tpu.memory_space<vmem>>, vector<1x256x128xf32>
    %get3A_43 = vector.shape_cast %get3A_42 : vector<1x256x128xf32> to vector<256x128xf32>
    %add3A_44 = arith.addf %get3A_38, %get3A_43 : vector<256x128xf32>
    %concatenate3A = tpu.concatenate %add3A, %add3A_22, %add3A_33, %add3A_44 in 1 : vector<256x128xf32>, vector<256x128xf32>, vector<256x128xf32>, vector<256x128xf32> -> vector<256x512xf32>
    %mul3A = vector.broadcast %get3A_1 : vector<256x1xf32> to vector<256x512xf32>
    %mul3A_45 = arith.mulf %concatenate3A, %mul3A : vector<256x512xf32>
    %get3A_46 = arith.constant 0 : index
    %get3A_47 = arith.constant 0 : index
    %get3A_48 = vector.load %arg4[%get3A_46, %get3A_47] : memref<512x512xf32, #tpu.memory_space<vmem>>, vector<512x512xf32>
    %dot_general3A = arith.constant dense<0.000000e+00> : vector<256x512xf32>
    %dot_general3A_49 = tpu.matmul %mul3A_45, %get3A_48, %dot_general3A {dimension_numbers = #tpu.dot_dimension_numbers<[1], [0], [0], [1], [0, 0, 1, 1], [], []>, transpose_lhs_hint = false} : vector<256x512xf32>, vector<512x512xf32>, vector<256x512xf32> -> vector<256x512xf32>
    %get3A_50 = arith.constant 0 : index
    %get3A_51 = arith.constant 0 : index
    %get3A_52 = vector.load %arg5[%get3A_50, %get3A_51] : memref<1x512xf32, #tpu.memory_space<vmem>>, vector<1x512xf32>
    %add3A_53 = vector.broadcast %get3A_52 : vector<1x512xf32> to vector<256x512xf32>
    %add3A_54 = arith.addf %dot_general3A_49, %add3A_53 : vector<256x512xf32>
    %max3A = arith.constant 0.000000e+00 : f32
    %max3A_55 = vector.broadcast %max3A : f32 to vector<256x512xf32>
    %max3A_56 = arith.maximumf %add3A_54, %max3A_55 : vector<256x512xf32>
    %get3A_57 = arith.constant 0 : index
    %get3A_58 = arith.constant 0 : index
    %get3A_59 = vector.load %arg6[%get3A_57, %get3A_58] : memref<512x256xf32, #tpu.memory_space<vmem>>, vector<512x256xf32>
    %dot_general3A_60 = arith.constant dense<0.000000e+00> : vector<256x256xf32>
    %dot_general3A_61 = tpu.matmul %max3A_56, %get3A_59, %dot_general3A_60 {dimension_numbers = #tpu.dot_dimension_numbers<[1], [0], [0], [1], [0, 0, 1, 1], [], []>, transpose_lhs_hint = false} : vector<256x512xf32>, vector<512x256xf32>, vector<256x256xf32> -> vector<256x256xf32>
    %mul3A_62 = vector.broadcast %get3A_1 : vector<256x1xf32> to vector<256x256xf32>
    %mul3A_63 = arith.mulf %dot_general3A_61, %mul3A_62 : vector<256x256xf32>
    %slice3A = vector.extract_strided_slice %mul3A_63 {offsets = [0, 0], sizes = [256, 128], strides = [1, 1]} : vector<256x256xf32> to vector<256x128xf32>
    %swap3A = arith.constant 0 : index
    %swap3A_64 = arith.constant 0 : index
    %swap3A_65 = arith.constant 0 : index
    %swap3A_66 = vector.load %arg7[%swap3A, %swap3A_64, %swap3A_65] : memref<2x256x128xf32, #tpu.memory_space<vmem>>, vector<1x256x128xf32>
    %swap3A_67 = vector.shape_cast %swap3A_66 : vector<1x256x128xf32> to vector<256x128xf32>
    %swap3A_68 = vector.shape_cast %slice3A : vector<256x128xf32> to vector<1x256x128xf32>
    tpu.vector_store %arg7[%swap3A, %swap3A_64, %swap3A_65], %swap3A_68 {strides = array<i32>} : memref<2x256x128xf32, #tpu.memory_space<vmem>>, vector<1x256x128xf32>,
    %slice3A_69 = vector.extract_strided_slice %mul3A_63 {offsets = [0, 128], sizes = [256, 128], strides = [1, 1]} : vector<256x256xf32> to vector<256x128xf32>
    %swap3A_70 = arith.constant 1 : index
    %swap3A_71 = arith.constant 0 : index
    %swap3A_72 = arith.constant 0 : index
    %swap3A_73 = vector.load %arg7[%swap3A_70, %swap3A_71, %swap3A_72] : memref<2x256x128xf32, #tpu.memory_space<vmem>>, vector<1x256x128xf32>
    %swap3A_74 = vector.shape_cast %swap3A_73 : vector<1x256x128xf32> to vector<256x128xf32>
    %swap3A_75 = vector.shape_cast %slice3A_69 : vector<256x128xf32> to vector<1x256x128xf32>
    tpu.vector_store %arg7[%swap3A_70, %swap3A_71, %swap3A_72], %swap3A_75 {strides = array<i32>} : memref<2x256x128xf32, #tpu.memory_space<vmem>>, vector<1x256x128xf32>,
    return
  }
  func.func @transform_0(%arg0: i32) -> (i32, i32, i32) {
    %c0_i32 = arith.constant 0 : i32
    %c0_i32_0 = arith.constant 0 : i32
    %c0_i32_1 = arith.constant 0 : i32
    return %c0_i32, %arg0, %c0_i32_0 : i32, i32, i32
  }
  func.func @transform_1(%arg0: i32) -> (i32, i32, i32) {
    %c0_i32 = arith.constant 0 : i32
    %c0_i32_0 = arith.constant 0 : i32
    %c0_i32_1 = arith.constant 0 : i32
    return %c0_i32, %arg0, %c0_i32_0 : i32, i32, i32
  }
  func.func @transform_2(%arg0: i32) -> (i32, i32) {
    %c0_i32 = arith.constant 0 : i32
    %c0_i32_0 = arith.constant 0 : i32
    return %arg0, %c0_i32 : i32, i32
  }
  func.func @transform_3(%arg0: i32) -> (i32, i32) {
    %c0_i32 = arith.constant 0 : i32
    %c0_i32_0 = arith.constant 0 : i32
    %c0_i32_1 = arith.constant 0 : i32
    return %c0_i32, %c0_i32_0 : i32, i32
  }
  func.func @transform_4(%arg0: i32) -> (i32, i32) {
    %c0_i32 = arith.constant 0 : i32
    %c0_i32_0 = arith.constant 0 : i32
    %c0_i32_1 = arith.constant 0 : i32
    return %c0_i32, %c0_i32_0 : i32, i32
  }
  func.func @transform_5(%arg0: i32) -> (i32, i32) {
    %c0_i32 = arith.constant 0 : i32
    %c0_i32_0 = arith.constant 0 : i32
    %c0_i32_1 = arith.constant 0 : i32
    return %c0_i32, %c0_i32_0 : i32, i32
  }
  func.func @transform_6(%arg0: i32) -> (i32, i32, i32) {
    %c0_i32 = arith.constant 0 : i32
    %c0_i32_0 = arith.constant 0 : i32
    %c0_i32_1 = arith.constant 0 : i32
    return %c0_i32, %arg0, %c0_i32_0 : i32, i32, i32
  }
}

module attributes {stable_mosaic.version = 14 : i64} {
  func.func @_k4_body(%arg0: i32, %arg1: memref<2x256x128xf32, #tpu.memory_space<vmem>>, %arg2: memref<2x256x128xf32, #tpu.memory_space<vmem>>, %arg3: memref<256x1xf32, #tpu.memory_space<vmem>>, %arg4: memref<1x256xf32, #tpu.memory_space<vmem>>, %arg5: memref<256x256xf32, #tpu.memory_space<vmem>>) attributes {dimension_semantics = [#tpu.dimension_semantics<arbitrary>], iteration_bounds = array<i64: 40>, scalar_prefetch = 0 : i64, scratch_operands = 0 : i64, tpu.core_type = #tpu.core_type<tc>, window_params = [{transform_indices = @transform_0, window_bounds = array<i64: 2, 256, 128>}, {transform_indices = @transform_1, window_bounds = array<i64: 2, 256, 128>}, {transform_indices = @transform_2, window_bounds = array<i64: 256, 1>}, {pipeline_mode = #tpu.pipeline_mode<synchronous>, transform_indices = @transform_3, window_bounds = array<i64: 1, 256>}, {transform_indices = @transform_4, window_bounds = array<i64: 256, 256>}]} {
    %get3A = arith.constant 0 : index
    %get3A_0 = arith.constant 0 : index
    %get3A_1 = arith.constant 0 : index
    %get3A_2 = vector.load %arg1[%get3A, %get3A_0, %get3A_1] : memref<2x256x128xf32, #tpu.memory_space<vmem>>, vector<1x256x128xf32>
    %get3A_3 = vector.shape_cast %get3A_2 : vector<1x256x128xf32> to vector<256x128xf32>
    %get3A_4 = arith.constant 0 : index
    %get3A_5 = arith.constant 0 : index
    %get3A_6 = arith.constant 0 : index
    %get3A_7 = vector.load %arg2[%get3A_4, %get3A_5, %get3A_6] : memref<2x256x128xf32, #tpu.memory_space<vmem>>, vector<1x256x128xf32>
    %get3A_8 = vector.shape_cast %get3A_7 : vector<1x256x128xf32> to vector<256x128xf32>
    %add3A = arith.addf %get3A_3, %get3A_8 : vector<256x128xf32>
    %get3A_9 = arith.constant 1 : index
    %get3A_10 = arith.constant 0 : index
    %get3A_11 = arith.constant 0 : index
    %get3A_12 = vector.load %arg1[%get3A_9, %get3A_10, %get3A_11] : memref<2x256x128xf32, #tpu.memory_space<vmem>>, vector<1x256x128xf32>
    %get3A_13 = vector.shape_cast %get3A_12 : vector<1x256x128xf32> to vector<256x128xf32>
    %get3A_14 = arith.constant 1 : index
    %get3A_15 = arith.constant 0 : index
    %get3A_16 = arith.constant 0 : index
    %get3A_17 = vector.load %arg2[%get3A_14, %get3A_15, %get3A_16] : memref<2x256x128xf32, #tpu.memory_space<vmem>>, vector<1x256x128xf32>
    %get3A_18 = vector.shape_cast %get3A_17 : vector<1x256x128xf32> to vector<256x128xf32>
    %add3A_19 = arith.addf %get3A_13, %get3A_18 : vector<256x128xf32>
    %concatenate3A = tpu.concatenate %add3A, %add3A_19 in 1 : vector<256x128xf32>, vector<256x128xf32> -> vector<256x256xf32>
    %get3A_20 = arith.constant 0 : index
    %get3A_21 = arith.constant 0 : index
    %get3A_22 = vector.load %arg3[%get3A_20, %get3A_21] : memref<256x1xf32, #tpu.memory_space<vmem>>, vector<256x1xf32>
    %mul3A = vector.broadcast %get3A_22 : vector<256x1xf32> to vector<256x256xf32>
    %mul3A_23 = arith.mulf %concatenate3A, %mul3A : vector<256x256xf32>
    %get3A_24 = arith.constant 0 : index
    %get3A_25 = arith.constant 0 : index
    %get3A_26 = vector.load %arg4[%get3A_24, %get3A_25] : memref<1x256xf32, #tpu.memory_space<vmem>>, vector<1x256xf32>
    %add3A_27 = vector.broadcast %get3A_26 : vector<1x256xf32> to vector<256x256xf32>
    %add3A_28 = arith.addf %mul3A_23, %add3A_27 : vector<256x256xf32>
    %swap3A = arith.constant 0 : index
    %swap3A_29 = arith.constant 0 : index
    %swap3A_30 = vector.load %arg5[%swap3A, %swap3A_29] : memref<256x256xf32, #tpu.memory_space<vmem>>, vector<256x256xf32>
    tpu.vector_store %arg5[%swap3A, %swap3A_29], %add3A_28 {strides = array<i32>} : memref<256x256xf32, #tpu.memory_space<vmem>>, vector<256x256xf32>,
    return
  }
  func.func @transform_0(%arg0: i32) -> (i32, i32, i32) {
    %c0_i32 = arith.constant 0 : i32
    %c0_i32_0 = arith.constant 0 : i32
    %c0_i32_1 = arith.constant 0 : i32
    return %c0_i32, %arg0, %c0_i32_0 : i32, i32, i32
  }
  func.func @transform_1(%arg0: i32) -> (i32, i32, i32) {
    %c0_i32 = arith.constant 0 : i32
    %c0_i32_0 = arith.constant 0 : i32
    %c0_i32_1 = arith.constant 0 : i32
    return %c0_i32, %arg0, %c0_i32_0 : i32, i32, i32
  }
  func.func @transform_2(%arg0: i32) -> (i32, i32) {
    %c0_i32 = arith.constant 0 : i32
    %c0_i32_0 = arith.constant 0 : i32
    return %arg0, %c0_i32 : i32, i32
  }
  func.func @transform_3(%arg0: i32) -> (i32, i32) {
    %c0_i32 = arith.constant 0 : i32
    %c0_i32_0 = arith.constant 0 : i32
    %c0_i32_1 = arith.constant 0 : i32
    return %c0_i32, %c0_i32_0 : i32, i32
  }
  func.func @transform_4(%arg0: i32) -> (i32, i32) {
    %c0_i32 = arith.constant 0 : i32
    %c0_i32_0 = arith.constant 0 : i32
    return %arg0, %c0_i32 : i32, i32
  }
}

</mosaic_0001>

<sc_bundles>
// kernel: kernel.10.cloned.1.call-start
scs
__scs_entry_jumppad:
0x0: {  	(pc) =	sbr.rel $0x88, $3  }
0x1: {  	(tag) =	ssettag $0x0;
	lr =	simm.s32 $0x1  }
0x2: {  	[smem:$0x3F99] =	sst lr;
	_ =	strace $0xD0000000  }
0x3: {  	_ = 	snop  }
0x4: {  	_ = 	snop  }
0x5: {  	_ = 	snop  }
0x6: {  	_ = 	snop  }
0x7: {  	_ = 	snop  }
__scs_overlays_trampoline_lowered:
0x8: {  	[smem:$0x3FA8] =	sst s0  }
0x9: {  	[smem:$0x3FA9] =	sst s1  }
0xa: {  	[smem:$0x3FAA] =	sst s2  }
0xb: {  	[smem:$0x3FAB] =	sst s3  }
0xc: {  	[smem:$0x3FAC] =	sst s4  }
0xd: {  	[smem:$0x3FAD] =	sst s5  }
0xe: {  	[smem:$0x3FAE] =	sst s6  }
0xf: {  	[smem:$0x3FAF] =	sst s7  }
0x10: {  	[smem:$0x3FB0] =	sst s8  }
0x11: {  	[smem:$0x3FB1] =	sst s9;
	s0 =	simm.s32 @!p0 $0x0  }
0x12: {  	s1 =	sld [smem:$0x3F97];
	s0 =	simm.s32 @p0 $0x1  }
0x13: {  	[smem:$0x3FB2] =	sst s0;
	s0 =	simm.s32 @!p1 $0x0  }
0x14: {  	s2 =	sld [smem:$0x3F96];
	s0 =	simm.s32 @p1 $0x1  }
0x15: {  	[smem:$0x3FB3] =	sst s0;
	s0 =	simm.s32 @!p2 $0x0  }
0x16: {  	s3 =	sld [smem:$0x3FDB];
	s0 =	simm.s32 @p2 $0x1  }
0x17: {  	s4 =	simm.s32 $0x1BF5;
	[smem:$0x3FB5] =	sst s0  }
0x18: {  	s0 =	sld [smem:$0x3F98];
	_ =	swait.ge [sflag:s4], $0x0  }
0x19: {  	s7 =	sld [smem:$0x3F99]  }
0x1a: {  	s8 =	sadd.s32 $0xFFFFE003, lr  }
0x1b: {  	s9 =	sadd.s32 $0xFFFFFEF7, lr;
	s5 =	simm.s32 $0xFFFFFFFF;
	p2 =	slt.u32 s8, $0xFFFFF086  }
0x1c: {  	p1 =	slt.u32 s9, $0xF7A;
	s5 =	simm.s32 @!p2 $0x0  }
0x1d: {  	s5 =	simm.s32 @p1 $0x1;
	p0 =	seq.s32 s7, s2  }
0x1e: {  	s7 =	smul.u32 @!p0 $0xF7A, s2;
	p2 =	seq.s32 @!p0 s5, $0x0  }
0x1f: {  	s9 =	smul.u32 $0xF7A, s1;
	s8 =	simm.s32 @!p0 $0x1BF5;
	p2 =	por !p2, p0  }
0x20: {  	[sflag:s8] =	ssyncset.s32 @!p0 $0xFFFFF086;
	s6 =	sadd.s32 @!p0 s3, s7;
	s7 =	simm.s32 @!p0 $0x108  }
0x21: {  	s3 =	sadd.s32 s3, s9;
	s6 =	sadd.s32 @!p0 $0x88, s6;
	s7 =	simm.s32 @p2 $0x1082  }
0x22: {  	[simem:s7], [sflag:s8] =	dma.local @!p0 [hbm:s6], $0xF7A  }
0x23: {  	s9 =	sor.u32 $0xD0000000, s2;
	s6 =	simm.s32 $0x108;
	_ =	swait.ge @!p0 [sflag:s8], $0x0  }
0x24: {  	s3 =	sadd.s32 $0x88, s3;
	s6 =	simm.s32 @!p1 $0x1082;
	[sflag:s4] =	ssyncset.s32 $0xFFFFF086  }
0x25: {  	[simem:s6], [sflag:s4] =	dma.local [hbm:s3], $0xF7A  }
0x26: {  	[smem:$0x3F99] =	sst s1;
	(tag) =	ssettag s2;
	_ =	strace s9  }
0x27: {  	s1 =	sld [smem:$0x3FA9]  }
0x28: {  	s2 =	sld [smem:$0x3FAA]  }
0x29: {  	s4 =	sld [smem:$0x3FAC]  }
0x2a: {  	p0 =	seq.s32 s5, $0x0;
	s5 =	sld [smem:$0x3FAD]  }
0x2b: {  	s6 =	sld [smem:$0x3FAE]  }
0x2c: {  	s7 =	sld [smem:$0x3FAF]  }
0x2d: {  	s3 =	simm.s32 $0x108;
	s8 =	sld [smem:$0x3FB0]  }
0x2e: {  	s3 =	simm.s32 @!p0 $0x1082;
	s9 =	sld [smem:$0x3FB1]  }
0x2f: {  	lr =	sadd.s32 s0, s3;
	s0 =	sld [smem:$0x3FA8]  }
0x30: {  	s3 =	sld [smem:$0x3FAB]  }
0x31: {  	[smem:$0x3FB4] =	sst s10  }
0x32: {  	s10 =	sld [smem:$0x3FB2];
	_ =	sdelay $0x3  }
0x33: {  	p0 =	seq.s32 s10, $0x1;
	s10 =	sld [smem:$0x3FB4];
	_ =	sdelay $0x3  }
0x34: {  	[smem:$0x3FB4] =	sst s10  }
0x35: {  	s10 =	sld [smem:$0x3FB3];
	_ =	sdelay $0x3  }
0x36: {  	p1 =	seq.s32 s10, $0x1;
	s10 =	sld [smem:$0x3FB4];
	_ =	sdelay $0x3  }
0x37: {  	[smem:$0x3FB4] =	sst s10  }
0x38: {  	s10 =	sld [smem:$0x3FB5]  }
0x39: {  	_ = 	snop;
	(pc) =	sbr.ind lr, $3  }
0x3a: {  	_ = 	snop  }
0x3b: {  	_ = 	snop  }
0x3c: {  	p2 =	seq.s32 s10, $0x1;
	s10 =	sld [smem:$0x3FB4]  }
0x3d: {  	_ =	shalt  }
0x3e: {  	_ =	shalt  }
0x3f: {  	_ =	shalt  }
0x40: {  	_ =	shalt  }
0x41: {  	_ =	shalt  }
0x42: {  	_ =	shalt  }
0x43: {  	_ =	shalt  }
0x44: {  	_ =	shalt  }
0x45: {  	_ =	shalt  }
0x46: {  	_ =	shalt  }
0x47: {  	_ =	shalt  }
0x48: {  	_ =	shalt  }
0x49: {  	_ =	shalt  }
0x4a: {  	_ =	shalt  }
0x4b: {  	_ =	shalt  }
0x4c: {  	_ =	shalt  }
0x4d: {  	_ =	shalt  }
0x4e: {  	_ =	shalt  }
0x4f: {  	_ =	shalt  }
0x50: {  	_ =	shalt  }
0x51: {  	_ =	shalt  }
0x52: {  	_ =	shalt  }
0x53: {  	_ =	shalt  }
0x54: {  	_ =	shalt  }
0x55: {  	_ =	shalt  }
0x56: {  	_ =	shalt  }
0x57: {  	_ =	shalt  }
0x58: {  	_ =	shalt  }
0x59: {  	_ =	shalt  }
0x5a: {  	_ =	shalt  }
0x5b: {  	_ =	shalt  }
0x5c: {  	_ =	shalt  }
0x5d: {  	_ =	shalt  }
0x5e: {  	_ =	shalt  }
0x5f: {  	_ =	shalt  }
0x60: {  	_ =	shalt  }
0x61: {  	_ =	shalt  }
0x62: {  	_ =	shalt  }
0x63: {  	_ =	shalt  }
0x64: {  	_ =	shalt  }
0x65: {  	_ =	shalt  }
0x66: {  	_ =	shalt  }
0x67: {  	_ =	shalt  }
0x68: {  	_ =	shalt  }
0x69: {  	_ =	shalt  }
0x6a: {  	_ =	shalt  }
0x6b: {  	_ =	shalt  }
0x6c: {  	_ =	shalt  }
0x6d: {  	_ =	shalt  }
0x6e: {  	_ =	shalt  }
0x6f: {  	_ =	shalt  }
0x70: {  	_ =	shalt  }
0x71: {  	_ =	shalt  }
0x72: {  	_ =	shalt  }
0x73: {  	_ =	shalt  }
0x74: {  	_ =	shalt  }
0x75: {  	_ =	shalt  }
0x76: {  	_ =	shalt  }
0x77: {  	_ =	shalt  }
0x78: {  	_ =	shalt  }
0x79: {  	_ =	shalt  }
0x7a: {  	_ =	shalt  }
0x7b: {  	_ =	shalt  }
0x7c: {  	_ =	shalt  }
0x7d: {  	_ =	shalt  }
0x7e: {  	_ =	shalt  }
0x7f: {  	_ =	shalt  }
0x80: {  	_ =	shalt  }
0x81: {  	_ =	shalt  }
0x82: {  	_ =	shalt  }
0x83: {  	_ =	shalt  }
0x84: {  	_ =	shalt  }
0x85: {  	_ =	shalt  }
0x86: {  	_ =	shalt  }
0x87: {  	_ =	shalt  }
.Lfunc_end0:
.L_simem_size_0:
called_computation_lowered:
.L_overlay_start_0:
0x88: {  	s2 =	sld [smem:$0x3FD9]  }
0x89: {  	s3 =	sld [smem:$0x3FFE];
	_ =	sdelay $0x1  }
0x8a: {  	s1 =	srdreg.scid  }
0x8b: {  	s0 =	sand.u32 $0x1, s1  }
0x8c: {  	s17 =	sshll.u32 s0, $0xA;
	s2 =	sadd.s32 s3, s2  }
0x8d: {  	s2 =	sadd.s32 s2, s17  }
0x8e: {  	[smem:$0x3FC0] =	sst s2  }
0x8f: {  	_ = 	snop  }
0x90: {  	s2 =	sld [smem:$0x3FD0];
	(tm) =	ssettm $0x1  }
0x91: {  	s18 =	sld [smem:$0x3FFB];
	_ =	sdelay $0x3  }
0x92: {  	_ =	strace s18  }
0x93: {  	s3 =	sld [smem:$0x3FFC];
	_ =	sdelay $0x3  }
0x94: {  	_ =	strace s3  }
0x95: {  	s3 =	sld [smem:$0x3FFD];
	_ =	sdelay $0x3  }
0x96: {  	_ =	strace s3  }
0x97: {  	_ =	strace $0x8FFFFFFF  }
0x98: {  	s19 =	sld [smem:$0x3FDB];
	_ =	sdelay $0x1  }
0x99: {  	s4 =	simm.s32 $_scs_section_size  }
0x9a: {  	s5 =	simm.s32 $_size__tile_overlayer_lowered;
	s6 =	simm.s32 $_tile_overlayer_lowered  }
0x9b: {  	s22 =	simm.s32 $0x1BFF;
	s21 =	sshll.u32 s6, $0x1;
	s3 =	sadd.s32 s4, s19  }
0x9c: {  	s7 =	simm.s32 $0x0;
	s20 =	sshll.u32 s5, $0x1;
	s5 =	sadd.s32 s21, s3  }
0x9d: {  	[timem:s7], [sflag:s22] =	dma.local [hbm:s5], s20  }
0x9e: {  	_ =	swait.ge [sflag:s22], s20  }
0x9f: {  	s4 =	ssub.s32 $0x0, s20;
	[sflag:s22] =	ssyncset.done $0x0  }
0xa0: {  	[sflag:s22] =	ssyncadd.s32 s4;
	_ =	sdelay $0x1  }
0xa1: {  	s23 =	simm.s32 $0x1B8B  }
0xa2: {  	_ =	swait.ge [sflag:s23], $0x1  }
0xa3: {  	[sflag:s23] =	ssyncset.done $0x0  }
0xa4: {  	s25 =	simm.s32 $0x1B8E;
	s24 =	sld [smem:$0x3FFE];
	[sflag:s23] =	ssyncadd.s32 $0xFFFFFFFF  }
0xa5: {  	s26 =	simm.s32 $execute0_lowered;
	[smem:$0x3FD2] =	sst s25  }
0xa6: {  	s5 =	sshll.u32 s26, $0x1;
	_ =	strace $0x80000046;
	[dreg:$0x1] =	wrdreg $0xFFFFFFFF  }
0xa7: {  	s28 =	simm.s32 $_size_execute0_lowered;
	s3 =	sadd.s32 s3, s5;
	[dreg:$0x0] =	wrdreg $0x0  }
0xa8: {  	s5 =	sshll.u32 s28, $0x1;
	[dreg:$0x2] =	wrdreg s3  }
0xa9: {  	[dreg:$0x3] =	wrdreg s5  }
0xaa: {  	[dreg:$0x4] =	wrdreg $0xC0  }
0xab: {  	_ =	task [dreg:s7], $0x5FFFF  }
0xac: {  	[dreg:$0x1] =	wrdreg $0xFFFFFFFF  }
0xad: {  	[dreg:$0x0] =	wrdreg $0x60  }
0xae: {  	[dreg:$0x2] =	wrdreg s2  }
0xaf: {  	[dreg:$0x3] =	wrdreg s24  }
0xb0: {  	[dreg:$0x4] =	wrdreg $0x9  }
0xb1: {  	_ =	task.clear_ibuf [dreg:s7], $0x5FFFF;
	_ =	strace $0x90000046  }
0xb2: {  	s29 =	simm.s32 $0x9;
	_ =	strace $0x80000048  }
0xb3: {  	_ =	swait.ge [sflag:s29], $0x1  }
0xb4: {  	[sflag:s29] =	ssyncadd.s32 $0xFFFFFFFF  }
0xb5: {  	_ =	strace $0x90000048  }
0xb6: {  	_ =	sfence  }
0xb7: {  	s30 =	sld [smem:$0x0];
	_ =	sdelay $0x2  }
0xb8: {  	s31 =	sshll.u32 s1, $0xD;
	s1 =	sshrl.u32 s1, $0x2  }
0xb9: {  	s3 =	sand.u32 $0x4000, s31;
	s1 =	sadd.s32 s1, s30  }
0xba: {  	s0 =	sor.u32 s3, s0;
	s1 =	sshll.u32 s1, $0x11  }
0xbb: {  	s0 =	sor.u32 s1, s0  }
0xbc: {  	s0 =	sadd.s32 $0x8F2B, s0  }
0xbd: {  	[sflag:s0] =	ssyncadd.remote.s32 $0x1  }
0xbe: {  	_ =	sfence.sel $0xFFFF  }
0xbf: {  	[dreg:$0x0] =	wrdreg $0xFFFFFFFF;
	(pc) =	sbr.abs _section_cstart, $3  }
0xc0: {  	[dreg:$0x1] =	wrdreg $0xFFFFFFFF  }
0xc1: {  	_ =	task.clear_ibuf [dreg:s7], $0x2FFFF;
	_ =	strace $0x9FFFFFFF  }
0xc2: {  	(tm) =	ssettm $0x7FFFFFFF  }
0xc3: {  	_ =	shalt  }
tec
execute0_lowered:
.L_overlay_start_1:
0x0: {  	(tag) =	ssettag $0x1  }
0x1: {  	s3 =	rddreg [dreg:$0x0];
	s1 =	srdreg.scid  }
0x2: {  	s0 =	stileid.u32;
	s4 =	rddreg [dreg:$0x1];
	s9 =	simm.s32 $0x400  }
0x3: {  	s5 =	sand.u32 $0x1, s1;
	s2 =	sshll.u32 s0, $0x1;
	s1 =	rddreg [dreg:$0x2]  }
0x4: {  	s7 =	sshrl.u32 s0, $0x2;
	s6 =	sor.u32 s5, s2;
	s2 =	simm.s32 $0x0  }
0x5: {  	s7 =	smul.u32 $0x14000, s7;
	s5 =	ssub.s32 $0x2, s5;
	s8 =	sshll.u32 s6, $0x7  }
0x6: {  	[smem:$0x7FF] =	sst s2;
	s6 =	smul.u32 $0x1400, s6;
	s8 =	sand.u32 $0x380, s8  }
0x7: {  	s31 =	sshrl.u32 s5, $0x1;
	_ =	strace $0x80000047;
	s7 =	sor.u32 s7, s8  }
0x8: {  	s5 =	ssub.s32 s5, s31;
	s3 =	sadd.s32 s3, s6;
	s7 =	sshrl.u32 s7, $0x3  }
0x9: {  	s5 =	smax.u32 s5, $0x1;
	s6 =	simm.s32 $0x1;
	s4 =	sadd.s32 s7, s4  }
0xa: {  	v0 =	vimm.f32 $0.0e+00;
	v1 =	vimm.f32 $1.000000000e+00;
	s8 =	simm.s32 $0x80;
	s7 =	simm.s32 $0xA000;
	s4 =	sadd.s32 $0x2A00, s4  }
.LBB2_1:
0xb: {  	s10 =	simm.s32 $0x40;
	s11 =	simm.s32 $0x0  }
.LBB2_2:
0xc: {  	p0 =	sne.s32 s10, $0x9FC0;
	[tilespmem:s11+$0xA000] =	vst v0;
	s11 =	smov.u32 s10;
	s10 =	sadd.s32 $0x40, s10  }
.Ltmp0:
0xd: {  	(pc) =	sbr.rel @p0 .LBB2_2-.Ltmp0, $2  }
0xe: {  	_ =	sdelay $0x2  }
0xf: {  	s11 =	sshra.s32 s11, $0x2  }
0x10: {  	[tilespmem:s11+$0xA000] =	vst v0;
	s10 =	simm.s32 $0x0  }
0x11: {  	[tilespmem:s10], [sflag:$0x1] =	stream.linear.gather [hbm4b:s3+s10], $0x9E00, $0x38;
	[tilespmem:$0xC800] =	vst v63  }
0x12: {  	_ =	swait.ge [sflag:s6], $0x9E00  }
0x13: {  	[sflag:s6] =	ssyncset.done $0x0  }
0x14: {  	s11 =	simm.s32 $0x0;
	s10 =	simm.s32 $0x200;
	[sflag:s6] =	ssyncadd.s32 $0xFFFF6200  }
.LBB2_4:
0x15: {  	p0 =	sne.s32 s10, $0x27600;
	v2 =	vld [tilespmem:s11+$0x0];
	_ =	sdelay $0x3  }
.Ltmp1:
0x16: {  	(pc) =	sbr.rel @p0 .LBB2_4-.Ltmp1, $2  }
0x17: {  	_ =	sdelay $0x2  }
0x18: {  	s11 =	sshra.s32 s10, $0x2;
	s10 =	sadd.s32 $0x200, s10;
	[tilespmem:v2+s7+$0x0] =	vst.idx.add.f32.msk $0xffff, v1  }
0x19: {  	v2 =	vld [tilespmem:s11+$0x0];
	_ =	sdelay $0x5  }
0x1a: {  	s2 =	sadd.s32 $0x1, s2  }
0x1b: {  	p0 =	sne.s32 s2, s5  }
.Ltmp2:
0x1c: {  	[tilespmem:v2+s7+$0x0] =	vst.idx.add.f32.msk $0xffff, v1;
	(pc) =	sbr.rel @p0 .LBB2_1-.Ltmp2, $4  }
0x1d: {  	[hbm4b:s4+s8] =	stream.strided.scatter [tilespmem:s7], [sflag:$0x1], $0x2800, s9, s8, $0x38;
	[tilespmem:$0xC800] =	vst v63  }
0x1e: {  	_ =	swait.ge [sflag:s6], $0x2800  }
0x1f: {  	[sflag:s6] =	ssyncset.done $0x0  }
0x20: {  	[sflag:s6] =	ssyncadd.s32 $0xFFFFD800  }
0x21: {  	_ =	sfence.sel $0x180000  }
0x22: {  	[bflag:$0x0] =	sbarrier.arrive $0xFFFF  }
0x23: {  	p0 =	sne.s32 s0, $0x0;
	_ =	strace $0x90000047  }
0x24: {  	s0 =	sadd.s32 @!p0 $0x100000, s1;
	[bflag:$0x2] =	sbarrier.arrive $0xFFFF  }
0x25: {  	[sflag:s0] =	ssyncadd.tile.s32 @!p0 $0x1;
	_ =	shalt  }
.Lfunc_end2:
_tile_overlayer_lowered:
.L_overlay_start_2:
0x26: {  	(tag) =	ssettag $0x2  }
0x27: {  	s0 =	rddreg [dreg:$0x0];
	s2 =	stileid.u32  }
0x28: {  	s1 =	rddreg [dreg:$0x1];
	p0 =	sne.s32 s2, $0x0  }
0x29: {  	s3 =	rddreg [dreg:$0x2];
	[bflag:$0x3] =	sbarrier.arrive $0xFFFF;
	s2 =	simm.s32 @!p0 $0x1C01  }
0x2a: {  	[timem:s3], [sflag:s2] =	dma.local @!p0 [hbm:s0], s1  }
0x2b: {  	s0 =	simm.s32 @!p0 $0x1  }
0x2c: {  	_ =	swait.ge @!p0 [sflag:s0], s1  }
0x2d: {  	s1 =	ssub.s32 @!p0 $0x0, s1;
	[sflag:s0] =	ssyncset.done @!p0 $0x0  }
0x2e: {  	[sflag:s0] =	ssyncadd.s32 @!p0 s1  }
0x2f: {  	[bflag:$0x3] =	sbarrier.arrive $0xFFFF  }
0x30: {  	_ =	shalt  }

// kernel: kernel.13.cloned.1.call-start
scs
__scs_entry_jumppad:
0x0: {  	(pc) =	sbr.rel $0x88, $3  }
0x1: {  	(tag) =	ssettag $0x0;
	lr =	simm.s32 $0x1  }
0x2: {  	[smem:$0x3F99] =	sst lr;
	_ =	strace $0xD0000000  }
0x3: {  	_ = 	snop  }
0x4: {  	_ = 	snop  }
0x5: {  	_ = 	snop  }
0x6: {  	_ = 	snop  }
0x7: {  	_ = 	snop  }
__scs_overlays_trampoline_lowered:
0x8: {  	[smem:$0x3FA8] =	sst s0  }
0x9: {  	[smem:$0x3FA9] =	sst s1  }
0xa: {  	[smem:$0x3FAA] =	sst s2  }
0xb: {  	[smem:$0x3FAB] =	sst s3  }
0xc: {  	[smem:$0x3FAC] =	sst s4  }
0xd: {  	[smem:$0x3FAD] =	sst s5  }
0xe: {  	[smem:$0x3FAE] =	sst s6  }
0xf: {  	[smem:$0x3FAF] =	sst s7  }
0x10: {  	[smem:$0x3FB0] =	sst s8  }
0x11: {  	[smem:$0x3FB1] =	sst s9;
	s0 =	simm.s32 @!p0 $0x0  }
0x12: {  	s1 =	sld [smem:$0x3F97];
	s0 =	simm.s32 @p0 $0x1  }
0x13: {  	[smem:$0x3FB2] =	sst s0;
	s0 =	simm.s32 @!p1 $0x0  }
0x14: {  	s2 =	sld [smem:$0x3F96];
	s0 =	simm.s32 @p1 $0x1  }
0x15: {  	[smem:$0x3FB3] =	sst s0;
	s0 =	simm.s32 @!p2 $0x0  }
0x16: {  	s3 =	sld [smem:$0x3FDB];
	s0 =	simm.s32 @p2 $0x1  }
0x17: {  	s4 =	simm.s32 $0x1BF5;
	[smem:$0x3FB5] =	sst s0  }
0x18: {  	s0 =	sld [smem:$0x3F98];
	_ =	swait.ge [sflag:s4], $0x0  }
0x19: {  	s7 =	sld [smem:$0x3F99]  }
0x1a: {  	s8 =	sadd.s32 $0xFFFFE003, lr  }
0x1b: {  	s9 =	sadd.s32 $0xFFFFFEF7, lr;
	s5 =	simm.s32 $0xFFFFFFFF;
	p2 =	slt.u32 s8, $0xFFFFF086  }
0x1c: {  	p1 =	slt.u32 s9, $0xF7A;
	s5 =	simm.s32 @!p2 $0x0  }
0x1d: {  	s5 =	simm.s32 @p1 $0x1;
	p0 =	seq.s32 s7, s2  }
0x1e: {  	s7 =	smul.u32 @!p0 $0xF7A, s2;
	p2 =	seq.s32 @!p0 s5, $0x0  }
0x1f: {  	s9 =	smul.u32 $0xF7A, s1;
	s8 =	simm.s32 @!p0 $0x1BF5;
	p2 =	por !p2, p0  }
0x20: {  	[sflag:s8] =	ssyncset.s32 @!p0 $0xFFFFF086;
	s6 =	sadd.s32 @!p0 s3, s7;
	s7 =	simm.s32 @!p0 $0x108  }
0x21: {  	s3 =	sadd.s32 s3, s9;
	s6 =	sadd.s32 @!p0 $0x88, s6;
	s7 =	simm.s32 @p2 $0x1082  }
0x22: {  	[simem:s7], [sflag:s8] =	dma.local @!p0 [hbm:s6], $0xF7A  }
0x23: {  	s9 =	sor.u32 $0xD0000000, s2;
	s6 =	simm.s32 $0x108;
	_ =	swait.ge @!p0 [sflag:s8], $0x0  }
0x24: {  	s3 =	sadd.s32 $0x88, s3;
	s6 =	simm.s32 @!p1 $0x1082;
	[sflag:s4] =	ssyncset.s32 $0xFFFFF086  }
0x25: {  	[simem:s6], [sflag:s4] =	dma.local [hbm:s3], $0xF7A  }
0x26: {  	[smem:$0x3F99] =	sst s1;
	(tag) =	ssettag s2;
	_ =	strace s9  }
0x27: {  	s1 =	sld [smem:$0x3FA9]  }
0x28: {  	s2 =	sld [smem:$0x3FAA]  }
0x29: {  	s4 =	sld [smem:$0x3FAC]  }
0x2a: {  	p0 =	seq.s32 s5, $0x0;
	s5 =	sld [smem:$0x3FAD]  }
0x2b: {  	s6 =	sld [smem:$0x3FAE]  }
0x2c: {  	s7 =	sld [smem:$0x3FAF]  }
0x2d: {  	s3 =	simm.s32 $0x108;
	s8 =	sld [smem:$0x3FB0]  }
0x2e: {  	s3 =	simm.s32 @!p0 $0x1082;
	s9 =	sld [smem:$0x3FB1]  }
0x2f: {  	lr =	sadd.s32 s0, s3;
	s0 =	sld [smem:$0x3FA8]  }
0x30: {  	s3 =	sld [smem:$0x3FAB]  }
0x31: {  	[smem:$0x3FB4] =	sst s10  }
0x32: {  	s10 =	sld [smem:$0x3FB2];
	_ =	sdelay $0x3  }
0x33: {  	p0 =	seq.s32 s10, $0x1;
	s10 =	sld [smem:$0x3FB4];
	_ =	sdelay $0x3  }
0x34: {  	[smem:$0x3FB4] =	sst s10  }
0x35: {  	s10 =	sld [smem:$0x3FB3];
	_ =	sdelay $0x3  }
0x36: {  	p1 =	seq.s32 s10, $0x1;
	s10 =	sld [smem:$0x3FB4];
	_ =	sdelay $0x3  }
0x37: {  	[smem:$0x3FB4] =	sst s10  }
0x38: {  	s10 =	sld [smem:$0x3FB5]  }
0x39: {  	_ = 	snop;
	(pc) =	sbr.ind lr, $3  }
0x3a: {  	_ = 	snop  }
0x3b: {  	_ = 	snop  }
0x3c: {  	p2 =	seq.s32 s10, $0x1;
	s10 =	sld [smem:$0x3FB4]  }
0x3d: {  	_ =	shalt  }
0x3e: {  	_ =	shalt  }
0x3f: {  	_ =	shalt  }
0x40: {  	_ =	shalt  }
0x41: {  	_ =	shalt  }
0x42: {  	_ =	shalt  }
0x43: {  	_ =	shalt  }
0x44: {  	_ =	shalt  }
0x45: {  	_ =	shalt  }
0x46: {  	_ =	shalt  }
0x47: {  	_ =	shalt  }
0x48: {  	_ =	shalt  }
0x49: {  	_ =	shalt  }
0x4a: {  	_ =	shalt  }
0x4b: {  	_ =	shalt  }
0x4c: {  	_ =	shalt  }
0x4d: {  	_ =	shalt  }
0x4e: {  	_ =	shalt  }
0x4f: {  	_ =	shalt  }
0x50: {  	_ =	shalt  }
0x51: {  	_ =	shalt  }
0x52: {  	_ =	shalt  }
0x53: {  	_ =	shalt  }
0x54: {  	_ =	shalt  }
0x55: {  	_ =	shalt  }
0x56: {  	_ =	shalt  }
0x57: {  	_ =	shalt  }
0x58: {  	_ =	shalt  }
0x59: {  	_ =	shalt  }
0x5a: {  	_ =	shalt  }
0x5b: {  	_ =	shalt  }
0x5c: {  	_ =	shalt  }
0x5d: {  	_ =	shalt  }
0x5e: {  	_ =	shalt  }
0x5f: {  	_ =	shalt  }
0x60: {  	_ =	shalt  }
0x61: {  	_ =	shalt  }
0x62: {  	_ =	shalt  }
0x63: {  	_ =	shalt  }
0x64: {  	_ =	shalt  }
0x65: {  	_ =	shalt  }
0x66: {  	_ =	shalt  }
0x67: {  	_ =	shalt  }
0x68: {  	_ =	shalt  }
0x69: {  	_ =	shalt  }
0x6a: {  	_ =	shalt  }
0x6b: {  	_ =	shalt  }
0x6c: {  	_ =	shalt  }
0x6d: {  	_ =	shalt  }
0x6e: {  	_ =	shalt  }
0x6f: {  	_ =	shalt  }
0x70: {  	_ =	shalt  }
0x71: {  	_ =	shalt  }
0x72: {  	_ =	shalt  }
0x73: {  	_ =	shalt  }
0x74: {  	_ =	shalt  }
0x75: {  	_ =	shalt  }
0x76: {  	_ =	shalt  }
0x77: {  	_ =	shalt  }
0x78: {  	_ =	shalt  }
0x79: {  	_ =	shalt  }
0x7a: {  	_ =	shalt  }
0x7b: {  	_ =	shalt  }
0x7c: {  	_ =	shalt  }
0x7d: {  	_ =	shalt  }
0x7e: {  	_ =	shalt  }
0x7f: {  	_ =	shalt  }
0x80: {  	_ =	shalt  }
0x81: {  	_ =	shalt  }
0x82: {  	_ =	shalt  }
0x83: {  	_ =	shalt  }
0x84: {  	_ =	shalt  }
0x85: {  	_ =	shalt  }
0x86: {  	_ =	shalt  }
0x87: {  	_ =	shalt  }
.Lfunc_end0:
.L_simem_size_0:
called_computation.1_lowered:
.L_overlay_start_0:
0x88: {  	s2 =	sld [smem:$0x3FD9]  }
0x89: {  	s3 =	sld [smem:$0x3FFE];
	_ =	sdelay $0x1  }
0x8a: {  	s1 =	srdreg.scid  }
0x8b: {  	s0 =	sand.u32 $0x1, s1  }
0x8c: {  	s16 =	sshll.u32 s0, $0xA;
	s2 =	sadd.s32 s3, s2  }
0x8d: {  	s2 =	sadd.s32 s2, s16  }
0x8e: {  	[smem:$0x3FC0] =	sst s2  }
0x8f: {  	_ = 	snop  }
0x90: {  	(tm) =	ssettm $0x1  }
0x91: {  	s17 =	sld [smem:$0x3FFB];
	_ =	sdelay $0x3  }
0x92: {  	_ =	strace s17  }
0x93: {  	s2 =	sld [smem:$0x3FFC];
	_ =	sdelay $0x3  }
0x94: {  	_ =	strace s2  }
0x95: {  	s2 =	sld [smem:$0x3FFD];
	_ =	sdelay $0x3  }
0x96: {  	_ =	strace s2  }
0x97: {  	_ =	strace $0x8FFFFFFF  }
0x98: {  	s18 =	sld [smem:$0x3FDB];
	_ =	sdelay $0x1  }
0x99: {  	s19 =	simm.s32 $_scs_section_size  }
0x9a: {  	s4 =	simm.s32 $_size__tile_overlayer_lowered;
	s5 =	simm.s32 $_tile_overlayer_lowered  }
0x9b: {  	s22 =	simm.s32 $0x1BFF;
	s21 =	sshll.u32 s5, $0x1;
	s2 =	sadd.s32 s19, s18  }
0x9c: {  	s6 =	simm.s32 $0x0;
	s20 =	sshll.u32 s4, $0x1;
	s4 =	sadd.s32 s21, s2  }
0x9d: {  	[timem:s6], [sflag:s22] =	dma.local [hbm:s4], s20  }
0x9e: {  	_ =	swait.ge [sflag:s22], s20  }
0x9f: {  	s3 =	ssub.s32 $0x0, s20;
	[sflag:s22] =	ssyncset.done $0x0  }
0xa0: {  	[sflag:s22] =	ssyncadd.s32 s3;
	_ =	sdelay $0x1  }
0xa1: {  	s23 =	simm.s32 $0x1B8B  }
0xa2: {  	_ =	swait.ge [sflag:s23], $0x1  }
0xa3: {  	[sflag:s23] =	ssyncset.done $0x0  }
0xa4: {  	s25 =	simm.s32 $0x1B8E;
	s24 =	sld [smem:$0x3FFE];
	[sflag:s23] =	ssyncadd.s32 $0xFFFFFFFF  }
0xa5: {  	s26 =	simm.s32 $execute0_lowered;
	[smem:$0x3FD2] =	sst s25  }
0xa6: {  	s4 =	sshll.u32 s26, $0x1;
	_ =	strace $0x80000049;
	[dreg:$0x1] =	wrdreg $0xFFFFFFFF  }
0xa7: {  	s28 =	simm.s32 $_size_execute0_lowered;
	s2 =	sadd.s32 s2, s4;
	[dreg:$0x0] =	wrdreg $0x0  }
0xa8: {  	s4 =	sshll.u32 s28, $0x1;
	[dreg:$0x2] =	wrdreg s2  }
0xa9: {  	[dreg:$0x3] =	wrdreg s4  }
0xaa: {  	[dreg:$0x4] =	wrdreg $0xC0  }
0xab: {  	_ =	task [dreg:s6], $0x5FFFF  }
0xac: {  	[dreg:$0x1] =	wrdreg $0xFFFFFFFF  }
0xad: {  	[dreg:$0x0] =	wrdreg $0x60  }
0xae: {  	[dreg:$0x2] =	wrdreg s24  }
0xaf: {  	[dreg:$0x3] =	wrdreg $0x90800  }
0xb0: {  	[dreg:$0x4] =	wrdreg $0x9  }
0xb1: {  	_ =	task.clear_ibuf [dreg:s6], $0x5FFFF;
	_ =	strace $0x90000049  }
0xb2: {  	s29 =	simm.s32 $0x9;
	_ =	strace $0x8000004B  }
0xb3: {  	_ =	swait.ge [sflag:s29], $0x1  }
0xb4: {  	[sflag:s29] =	ssyncadd.s32 $0xFFFFFFFF  }
0xb5: {  	_ =	strace $0x9000004B  }
0xb6: {  	_ =	sfence  }
0xb7: {  	s30 =	sld [smem:$0x0];
	_ =	sdelay $0x2  }
0xb8: {  	s31 =	sshll.u32 s1, $0xD;
	s1 =	sshrl.u32 s1, $0x2  }
0xb9: {  	s3 =	sand.u32 $0x4000, s31;
	s1 =	sadd.s32 s1, s30  }
0xba: {  	s0 =	sor.u32 s3, s0;
	s1 =	sshll.u32 s1, $0x11  }
0xbb: {  	s0 =	sor.u32 s1, s0  }
0xbc: {  	s0 =	sadd.s32 $0x8F2B, s0  }
0xbd: {  	[sflag:s0] =	ssyncadd.remote.s32 $0x1  }
0xbe: {  	_ =	sfence.sel $0xFFFF  }
0xbf: {  	[dreg:$0x0] =	wrdreg $0xFFFFFFFF;
	(pc) =	sbr.abs _section_cstart, $3  }
0xc0: {  	[dreg:$0x1] =	wrdreg $0xFFFFFFFF  }
0xc1: {  	_ =	task.clear_ibuf [dreg:s6], $0x2FFFF;
	_ =	strace $0x9FFFFFFF  }
0xc2: {  	(tm) =	ssettm $0x7FFFFFFF  }
0xc3: {  	_ =	shalt  }
tec
execute0_lowered:
.L_overlay_start_1:
0x0: {  	(tag) =	ssettag $0x1  }
0x1: {  	s0 =	rddreg [dreg:$0x0]  }
0x2: {  	s2 =	rddreg [dreg:$0x1]  }
0x3: {  	s7 =	stileid.u32;
	s3 =	simm.s32 $0x0;
	s4 =	srdreg.scid  }
0x4: {  	s20 =	simm.s32 $0x5080;
	s28 =	simm.s32 $0x1;
	s1 =	smul.u32 $0x500, s7  }
0x5: {  	s29 =	simm.s32 $0x0;
	[smem:$0x7FF] =	sst s3;
	s16 =	smul.u32 $0x280, s7  }
0x6: {  	s5 =	sand.u32 $0x1, s4;
	s4 =	sadd.s32 $0x16A00, s0;
	s7 =	smul.u32 $0x50000, s7  }
0x7: {  	_ =	strace $0x8000004A;
	s26 =	smul.u32 $0x2800, s5;
	s5 =	ssub.s32 $0x2, s5  }
0x8: {  	s1 =	sadd.s32 s1, s0;
	s0 =	sadd.s32 $0x66A00, s0;
	s6 =	sshrl.u32 s5, $0x1  }
0x9: {  	s22 =	sshrl.u32 s7, $0x2;
	s23 =	sadd.s32 $0x80, s16;
	s15 =	sadd.s32 $0x100, s16  }
0xa: {  	s18 =	sadd.s32 $0x180, s16;
	s9 =	ssub.s32 s5, s6;
	s5 =	sadd.s32 $0x11A00, s1  }
0xb: {  	s8 =	sadd.s32 s26, s16;
	s6 =	sadd.s32 $0xCA00, s1;
	s7 =	sadd.s32 s22, s2  }
0xc: {  	s14 =	sadd.s32 s26, s23;
	s1 =	sshll.u32 s23, $0x7;
	s17 =	sadd.s32 s26, s15  }
0xd: {  	s15 =	sshll.u32 s15, $0x7;
	s24 =	sshll.u32 s18, $0x7;
	s25 =	sadd.s32 s26, s18  }
0xe: {  	s16 =	sadd.s32 $0x200, s16;
	s18 =	simm.s32 $0x2;
	s8 =	sshll.u32 s8, $0x4  }
0xf: {  	s9 =	smax.u32 s9, $0x1;
	s10 =	sadd.s32 $0x4000, s7;
	s11 =	sadd.s32 $0x8000, s7  }
0x10: {  	s12 =	sadd.s32 $0xC000, s7;
	s13 =	sadd.s32 $0x10000, s7;
	s14 =	sshll.u32 s14, $0x4  }
0x11: {  	s1 =	sadd.s32 s1, s2;
	s17 =	sshll.u32 s17, $0x4;
	s22 =	sadd.s32 s15, s2  }
0x12: {  	s23 =	sadd.s32 s24, s2;
	s30 =	sshll.u32 s16, $0x7;
	s19 =	sadd.s32 s26, s16  }
0x13: {  	v0 =	vmov s26;
	s26 =	simm.s32 $0x5000;
	s8 =	sadd.s32 s0, s8;
	s14 =	sadd.s32 s0, s14  }
0x14: {  	s15 =	sadd.s32 s0, s17;
	s17 =	sshll.u32 s25, $0x4;
	s24 =	sadd.s32 s30, s2  }
0x15: {  	s31 =	sshll.u32 s19, $0x4;
	s19 =	simm.s32 $0x2800;
	s21 =	sshrl.u32 s1, $0x3  }
0x16: {  	s22 =	sshrl.u32 s22, $0x3;
	s23 =	sshrl.u32 s23, $0x3;
	s25 =	simm.s32 $0x80  }
0x17: {  	v1 =	vimm.f32 $0.0e+00;
	s16 =	sadd.s32 s0, s17;
	s17 =	sadd.s32 s0, s31;
	s24 =	sshrl.u32 s24, $0x3  }
.LBB2_1:
0x18: {  	[tilespmem:s3], [sflag:$0x2] =	stream.linear.gather [hbm4b:s5+s3], $0x2780, $0x38;
	[tilespmem:$0x1D080] =	vst v63  }
0x19: {  	_ =	swait.ge [sflag:s18], $0x2780  }
0x1a: {  	[sflag:s18] =	ssyncset.done $0x0  }
0x1b: {  	[sflag:s18] =	ssyncadd.s32 $0xFFFFD880  }
0x1c: {  	[tilespmem:s19], [sflag:$0x2] =	stream.linear.gather [hbm4b:s6+s3], $0x2780, $0x38;
	[tilespmem:$0x1D080] =	vst v63  }
0x1d: {  	s0 =	sand.u32 $0xFE00, s3;
	s1 =	sand.u32 $0x70, s3;
	_ =	swait.ge [sflag:s18], $0x2780  }
0x1e: {  	s30 =	sshrl.u32 s0, $0x2;
	s0 =	simm.s32 $0x40;
	[sflag:s18] =	ssyncset.done $0x0  }
0x1f: {  	s1 =	sor.u32 s1, s30;
	s30 =	simm.s32 $0x0;
	[sflag:s18] =	ssyncadd.s32 $0xFFFFD880  }
.LBB2_2:
0x20: {  	p0 =	sne.s32 s0, $0xFFC0  }
0x21: {  	[tilespmem:s1+$0x5080] =	vst v1;
	s30 =	sadd.s32 $0x10, s30;
	s1 =	smov.u32 s0;
	s0 =	sadd.s32 $0x40, s0  }
.Ltmp0:
0x22: {  	(pc) =	sbr.rel @p0 .LBB2_2-.Ltmp0, $4  }
0x23: {  	_ = 	snop  }
0x24: {  	s1 =	sand.u32 $0xFE00, s1  }
0x25: {  	s31 =	sand.u32 $0x70, s30;
	s1 =	sshrl.u32 s1, $0x2  }
0x26: {  	s1 =	sor.u32 s31, s1  }
0x27: {  	[tilespmem:s1+$0x5080] =	vst v1  }
0x28: {  	[spmem:s7] =	stream.linear.scatter [tilespmem:s20], [sflag:$0x2], $0x4000, $0x38;
	[tilespmem:$0x1D080] =	vst v63  }
0x29: {  	_ =	swait.ge [sflag:s18], $0x4000  }
0x2a: {  	[sflag:s18] =	ssyncset.done $0x0  }
0x2b: {  	[sflag:s18] =	ssyncadd.s32 $0xFFFFC000  }
0x2c: {  	[spmem:s10] =	stream.linear.scatter [tilespmem:s20], [sflag:$0x2], $0x4000, $0x38;
	[tilespmem:$0x1D080] =	vst v63  }
0x2d: {  	_ =	swait.ge [sflag:s18], $0x4000  }
0x2e: {  	[sflag:s18] =	ssyncset.done $0x0  }
0x2f: {  	[sflag:s18] =	ssyncadd.s32 $0xFFFFC000  }
0x30: {  	[spmem:s11] =	stream.linear.scatter [tilespmem:s20], [sflag:$0x2], $0x4000, $0x38;
	[tilespmem:$0x1D080] =	vst v63  }
0x31: {  	_ =	swait.ge [sflag:s18], $0x4000  }
0x32: {  	[sflag:s18] =	ssyncset.done $0x0  }
0x33: {  	[sflag:s18] =	ssyncadd.s32 $0xFFFFC000  }
0x34: {  	[spmem:s12] =	stream.linear.scatter [tilespmem:s20], [sflag:$0x2], $0x4000, $0x38;
	[tilespmem:$0x1D080] =	vst v63  }
0x35: {  	_ =	swait.ge [sflag:s18], $0x4000  }
0x36: {  	[sflag:s18] =	ssyncset.done $0x0  }
0x37: {  	[sflag:s18] =	ssyncadd.s32 $0xFFFFC000  }
0x38: {  	[spmem:s13] =	stream.linear.scatter [tilespmem:s20], [sflag:$0x2], $0x4000, $0x38;
	[tilespmem:$0x1D080] =	vst v63  }
0x39: {  	_ =	swait.ge [sflag:s18], $0x4000  }
0x3a: {  	[sflag:s18] =	ssyncset.done $0x0  }
0x3b: {  	[sflag:s18] =	ssyncadd.s32 $0xFFFFC000  }
0x3c: {  	s0 =	simm.s32 $0x0;
	[bflag:$0x0] =	sbarrier.arrive $0xFFFF  }
0x3d: {  	v2 =	vld [tilespmem:s0+$0x0];
	_ =	sdelay $0x4  }
0x3e: {  	v2 =	vadd.s32 v0, v2  }
0x3f: {  	[tilespmem:$0x5000] =	vst v2  }
0x40: {  	v2 =	vld [tilespmem:s0+$0x10];
	_ =	sdelay $0x4  }
0x41: {  	v2 =	vadd.s32 v0, v2  }
0x42: {  	[tilespmem:$0x5010] =	vst v2  }
0x43: {  	v2 =	vld [tilespmem:s0+$0x20];
	_ =	sdelay $0x4  }
0x44: {  	v2 =	vadd.s32 v0, v2  }
0x45: {  	[tilespmem:$0x5020] =	vst v2  }
0x46: {  	v2 =	vld [tilespmem:s0+$0x30];
	_ =	sdelay $0x4  }
0x47: {  	v2 =	vadd.s32 v0, v2  }
0x48: {  	[tilespmem:$0x5030] =	vst v2  }
0x49: {  	v2 =	vld [tilespmem:s0+$0x40];
	_ =	sdelay $0x4  }
0x4a: {  	v2 =	vadd.s32 v0, v2  }
0x4b: {  	[tilespmem:$0x5040] =	vst v2  }
0x4c: {  	v2 =	vld [tilespmem:s0+$0x50];
	_ =	sdelay $0x4  }
0x4d: {  	v2 =	vadd.s32 v0, v2  }
0x4e: {  	[tilespmem:$0x5050] =	vst v2  }
0x4f: {  	v2 =	vld [tilespmem:s0+$0x60];
	_ =	sdelay $0x4  }
0x50: {  	v2 =	vadd.s32 v0, v2  }
0x51: {  	[tilespmem:$0x5060] =	vst v2  }
0x52: {  	v2 =	vld [tilespmem:s0+$0x70];
	_ =	sdelay $0x4  }
0x53: {  	v2 =	vadd.s32 v0, v2  }
0x54: {  	[tilespmem:$0x5070] =	vst v2  }
0x55: {  	[tilespmem:s20], [sflag:$0x1] =	stream.indirect.gather [hbm4b:s4+s25], $0x80, s26, s25, $0xb8;
	[tilespmem:$0x1D080] =	vst v63  }
0x56: {  	_ =	swait.ge [sflag:s28], $0x4000  }
0x57: {  	[sflag:s28] =	ssyncset.done $0x0  }
0x58: {  	s1 =	simm.s32 $0x2800;
	[sflag:s28] =	ssyncadd.s32 $0xFFFFC000  }
0x59: {  	[spmem:s2] =	stream.indirect.scatter.add.f32 [tilespmem:s20], [sflag:$0x2], $0x80, s1, s25, $0xb8;
	[tilespmem:$0x1D080] =	vst v63  }
0x5a: {  	_ =	swait.ge [sflag:s18], $0x4000  }
0x5b: {  	s30 =	simm.s32 $0x200;
	s31 =	simm.s32 $0x400;
	[sflag:s18] =	ssyncset.done $0x0  }
.LBB2_4:
0x5c: {  	s0 =	sshra.s32 s30, $0x2  }
0x5d: {  	[sflag:s18] =	ssyncadd.s32 $0xFFFFC000;
	s30 =	smov.u32 s31;
	s1 =	sadd.s32 $0x200, s31  }
0x5e: {  	p0 =	sne.s32 s31, $0x9C00;
	v2 =	vld [tilespmem:s0+$0x0];
	_ =	sdelay $0x4  }
0x5f: {  	v2 =	vadd.s32 v0, v2  }
0x60: {  	[tilespmem:$0x5000] =	vst v2  }
0x61: {  	v2 =	vld [tilespmem:s0+$0x10];
	_ =	sdelay $0x4  }
0x62: {  	v2 =	vadd.s32 v0, v2  }
0x63: {  	[tilespmem:$0x5010] =	vst v2  }
0x64: {  	v2 =	vld [tilespmem:s0+$0x20];
	_ =	sdelay $0x4  }
0x65: {  	v2 =	vadd.s32 v0, v2  }
0x66: {  	[tilespmem:$0x5020] =	vst v2  }
0x67: {  	v2 =	vld [tilespmem:s0+$0x30];
	_ =	sdelay $0x4  }
0x68: {  	v2 =	vadd.s32 v0, v2  }
0x69: {  	[tilespmem:$0x5030] =	vst v2  }
0x6a: {  	v2 =	vld [tilespmem:s0+$0x40];
	_ =	sdelay $0x4  }
0x6b: {  	v2 =	vadd.s32 v0, v2  }
0x6c: {  	[tilespmem:$0x5040] =	vst v2  }
0x6d: {  	v2 =	vld [tilespmem:s0+$0x50];
	_ =	sdelay $0x4  }
0x6e: {  	v2 =	vadd.s32 v0, v2  }
0x6f: {  	[tilespmem:$0x5050] =	vst v2  }
0x70: {  	v2 =	vld [tilespmem:s0+$0x60];
	_ =	sdelay $0x4  }
0x71: {  	v2 =	vadd.s32 v0, v2  }
0x72: {  	[tilespmem:$0x5060] =	vst v2  }
0x73: {  	v2 =	vld [tilespmem:s0+$0x70];
	_ =	sdelay $0x4  }
0x74: {  	v2 =	vadd.s32 v0, v2  }
0x75: {  	[tilespmem:$0x5070] =	vst v2  }
0x76: {  	[tilespmem:s20], [sflag:$0x1] =	stream.indirect.gather [hbm4b:s4+s25], $0x80, s26, s25, $0xb8;
	[tilespmem:$0x1D080] =	vst v63  }
0x77: {  	_ =	swait.ge [sflag:s28], $0x4000  }
.Ltmp1:
0x78: {  	[sflag:s28] =	ssyncset.done $0x0;
	(pc) =	sbr.rel @p0 .LBB2_4-.Ltmp1, $4  }
0x79: {  	s0 =	sadd.s32 $0x2800, s0;
	[sflag:s28] =	ssyncadd.s32 $0xFFFFC000  }
0x7a: {  	[spmem:s2] =	stream.indirect.scatter.add.f32 [tilespmem:s20], [sflag:$0x2], $0x80, s0, s25, $0xb8;
	[tilespmem:$0x1D080] =	vst v63  }
0x7b: {  	_ =	swait.ge [sflag:s18], $0x4000  }
0x7c: {  	s31 =	smov.u32 s1;
	[sflag:s18] =	ssyncset.done $0x0  }
0x7d: {  	s0 =	sshra.s32 s30, $0x2;
	[sflag:s18] =	ssyncadd.s32 $0xFFFFC000  }
0x7e: {  	v2 =	vld [tilespmem:s0+$0x0];
	_ =	sdelay $0x4  }
0x7f: {  	v2 =	vadd.s32 v0, v2  }
0x80: {  	[tilespmem:$0x5000] =	vst v2  }
0x81: {  	v2 =	vld [tilespmem:s0+$0x10];
	_ =	sdelay $0x4  }
0x82: {  	v2 =	vadd.s32 v0, v2  }
0x83: {  	[tilespmem:$0x5010] =	vst v2  }
0x84: {  	v2 =	vld [tilespmem:s0+$0x20];
	_ =	sdelay $0x4  }
0x85: {  	v2 =	vadd.s32 v0, v2  }
0x86: {  	[tilespmem:$0x5020] =	vst v2  }
0x87: {  	v2 =	vld [tilespmem:s0+$0x30];
	_ =	sdelay $0x4  }
0x88: {  	v2 =	vadd.s32 v0, v2  }
0x89: {  	[tilespmem:$0x5030] =	vst v2  }
0x8a: {  	v2 =	vld [tilespmem:s0+$0x40];
	_ =	sdelay $0x4  }
0x8b: {  	v2 =	vadd.s32 v0, v2  }
0x8c: {  	[tilespmem:$0x5040] =	vst v2  }
0x8d: {  	v2 =	vld [tilespmem:s0+$0x50];
	_ =	sdelay $0x4  }
0x8e: {  	v2 =	vadd.s32 v0, v2  }
0x8f: {  	[tilespmem:$0x5050] =	vst v2  }
0x90: {  	v2 =	vld [tilespmem:s0+$0x60];
	_ =	sdelay $0x4  }
0x91: {  	v2 =	vadd.s32 v0, v2  }
0x92: {  	[tilespmem:$0x5060] =	vst v2  }
0x93: {  	v2 =	vld [tilespmem:s0+$0x70];
	_ =	sdelay $0x4  }
0x94: {  	v2 =	vadd.s32 v0, v2  }
0x95: {  	[tilespmem:$0x5070] =	vst v2  }
0x96: {  	[tilespmem:s20], [sflag:$0x1] =	stream.indirect.gather [hbm4b:s4+s25], $0x80, s26, s25, $0xb8;
	[tilespmem:$0x1D080] =	vst v63  }
0x97: {  	_ =	swait.ge [sflag:s28], $0x4000  }
0x98: {  	[sflag:s28] =	ssyncset.done $0x0  }
0x99: {  	s0 =	sadd.s32 $0x2800, s0;
	[sflag:s28] =	ssyncadd.s32 $0xFFFFC000  }
0x9a: {  	[spmem:s2] =	stream.indirect.scatter.add.f32 [tilespmem:s20], [sflag:$0x2], $0x80, s0, s25, $0xb8;
	[tilespmem:$0x1D080] =	vst v63  }
0x9b: {  	_ =	swait.ge [sflag:s18], $0x4000  }
0x9c: {  	s31 =	stileid.u32;
	[sflag:s18] =	ssyncset.done $0x0  }
0x9d: {  	s0 =	sshll.u32 s31, $0x6;
	[sflag:s18] =	ssyncadd.s32 $0xFFFFC000  }
0x9e: {  	s1 =	sshrl.u32 s7, $0x3;
	s0 =	sor.u32 $0x1C02, s0;
	[bflag:$0x0] =	sbarrier.arrive $0xFFFF  }
0x9f: {  	[hbm:s8], [sflag:s0] =	dma.local [spmem:s1], $0x800  }
0xa0: {  	_ =	swait.ge [sflag:s18], $0x800  }
0xa1: {  	[sflag:s18] =	ssyncset.done $0x0  }
0xa2: {  	[sflag:s18] =	ssyncadd.s32 $0xFFFFF800  }
0xa3: {  	[hbm:s14], [sflag:s0] =	dma.local [spmem:s21], $0x800  }
0xa4: {  	_ =	swait.ge [sflag:s18], $0x800  }
0xa5: {  	[sflag:s18] =	ssyncset.done $0x0  }
0xa6: {  	[sflag:s18] =	ssyncadd.s32 $0xFFFFF800  }
0xa7: {  	[hbm:s15], [sflag:s0] =	dma.local [spmem:s22], $0x800  }
0xa8: {  	_ =	swait.ge [sflag:s18], $0x800  }
0xa9: {  	[sflag:s18] =	ssyncset.done $0x0  }
0xaa: {  	[sflag:s18] =	ssyncadd.s32 $0xFFFFF800  }
0xab: {  	[hbm:s16], [sflag:s0] =	dma.local [spmem:s23], $0x800  }
0xac: {  	s29 =	sadd.s32 $0x1, s29;
	_ =	swait.ge [sflag:s18], $0x800  }
0xad: {  	p0 =	sne.s32 s29, s9;
	[sflag:s18] =	ssyncset.done $0x0  }
.Ltmp2:
0xae: {  	[sflag:s18] =	ssyncadd.s32 $0xFFFFF800;
	(pc) =	sbr.rel @p0 .LBB2_1-.Ltmp2, $4  }
0xaf: {  	[hbm:s17], [sflag:s0] =	dma.local [spmem:s24], $0x800  }
0xb0: {  	_ =	swait.ge [sflag:s18], $0x800  }
0xb1: {  	[sflag:s18] =	ssyncset.done $0x0  }
0xb2: {  	[sflag:s18] =	ssyncadd.s32 $0xFFFFF800  }
0xb3: {  	_ =	sfence.sel $0x180000  }
0xb4: {  	[bflag:$0x0] =	sbarrier.arrive $0xFFFF  }
0xb5: {  	_ =	strace $0x9000004A  }
0xb6: {  	s0 =	stileid.u32;
	[bflag:$0x2] =	sbarrier.arrive $0xFFFF  }
0xb7: {  	p0 =	sne.s32 s0, $0x0;
	s0 =	rddreg [dreg:$0x2]  }
0xb8: {  	s0 =	sadd.s32 @!p0 $0x100000, s0  }
0xb9: {  	[sflag:s0] =	ssyncadd.tile.s32 @!p0 $0x1;
	_ =	shalt  }
.Lfunc_end2:
_tile_overlayer_lowered:
.L_overlay_start_2:
0xba: {  	(tag) =	ssettag $0x2  }
0xbb: {  	s0 =	rddreg [dreg:$0x0];
	s2 =	stileid.u32  }
0xbc: {  	s1 =	rddreg [dreg:$0x1];
	p0 =	sne.s32 s2, $0x0  }
0xbd: {  	s3 =	rddreg [dreg:$0x2];
	[bflag:$0x3] =	sbarrier.arrive $0xFFFF;
	s2 =	simm.s32 @!p0 $0x1C02  }
0xbe: {  	[timem:s3], [sflag:s2] =	dma.local @!p0 [hbm:s0], s1  }
0xbf: {  	s0 =	simm.s32 @!p0 $0x2  }
0xc0: {  	_ =	swait.ge @!p0 [sflag:s0], s1  }
0xc1: {  	s1 =	ssub.s32 @!p0 $0x0, s1;
	[sflag:s0] =	ssyncset.done @!p0 $0x0  }
0xc2: {  	[sflag:s0] =	ssyncadd.s32 @!p0 s1  }
0xc3: {  	[bflag:$0x3] =	sbarrier.arrive $0xFFFF  }
0xc4: {  	_ =	shalt  }

// kernel: kernel.16.cloned.1.call-start
scs
__scs_entry_jumppad:
0x0: {  	(pc) =	sbr.rel $0x88, $3  }
0x1: {  	(tag) =	ssettag $0x0;
	lr =	simm.s32 $0x1  }
0x2: {  	[smem:$0x3F99] =	sst lr;
	_ =	strace $0xD0000000  }
0x3: {  	_ = 	snop  }
0x4: {  	_ = 	snop  }
0x5: {  	_ = 	snop  }
0x6: {  	_ = 	snop  }
0x7: {  	_ = 	snop  }
__scs_overlays_trampoline_lowered:
0x8: {  	[smem:$0x3FA8] =	sst s0  }
0x9: {  	[smem:$0x3FA9] =	sst s1  }
0xa: {  	[smem:$0x3FAA] =	sst s2  }
0xb: {  	[smem:$0x3FAB] =	sst s3  }
0xc: {  	[smem:$0x3FAC] =	sst s4  }
0xd: {  	[smem:$0x3FAD] =	sst s5  }
0xe: {  	[smem:$0x3FAE] =	sst s6  }
0xf: {  	[smem:$0x3FAF] =	sst s7  }
0x10: {  	[smem:$0x3FB0] =	sst s8  }
0x11: {  	[smem:$0x3FB1] =	sst s9;
	s0 =	simm.s32 @!p0 $0x0  }
0x12: {  	s1 =	sld [smem:$0x3F97];
	s0 =	simm.s32 @p0 $0x1  }
0x13: {  	[smem:$0x3FB2] =	sst s0;
	s0 =	simm.s32 @!p1 $0x0  }
0x14: {  	s2 =	sld [smem:$0x3F96];
	s0 =	simm.s32 @p1 $0x1  }
0x15: {  	[smem:$0x3FB3] =	sst s0;
	s0 =	simm.s32 @!p2 $0x0  }
0x16: {  	s3 =	sld [smem:$0x3FDB];
	s0 =	simm.s32 @p2 $0x1  }
0x17: {  	s4 =	simm.s32 $0x1BF5;
	[smem:$0x3FB5] =	sst s0  }
0x18: {  	s0 =	sld [smem:$0x3F98];
	_ =	swait.ge [sflag:s4], $0x0  }
0x19: {  	s7 =	sld [smem:$0x3F99]  }
0x1a: {  	s8 =	sadd.s32 $0xFFFFE003, lr  }
0x1b: {  	s9 =	sadd.s32 $0xFFFFFEF7, lr;
	s5 =	simm.s32 $0xFFFFFFFF;
	p2 =	slt.u32 s8, $0xFFFFF086  }
0x1c: {  	p1 =	slt.u32 s9, $0xF7A;
	s5 =	simm.s32 @!p2 $0x0  }
0x1d: {  	s5 =	simm.s32 @p1 $0x1;
	p0 =	seq.s32 s7, s2  }
0x1e: {  	s7 =	smul.u32 @!p0 $0xF7A, s2;
	p2 =	seq.s32 @!p0 s5, $0x0  }
0x1f: {  	s9 =	smul.u32 $0xF7A, s1;
	s8 =	simm.s32 @!p0 $0x1BF5;
	p2 =	por !p2, p0  }
0x20: {  	[sflag:s8] =	ssyncset.s32 @!p0 $0xFFFFF086;
	s6 =	sadd.s32 @!p0 s3, s7;
	s7 =	simm.s32 @!p0 $0x108  }
0x21: {  	s3 =	sadd.s32 s3, s9;
	s6 =	sadd.s32 @!p0 $0x88, s6;
	s7 =	simm.s32 @p2 $0x1082  }
0x22: {  	[simem:s7], [sflag:s8] =	dma.local @!p0 [hbm:s6], $0xF7A  }
0x23: {  	s9 =	sor.u32 $0xD0000000, s2;
	s6 =	simm.s32 $0x108;
	_ =	swait.ge @!p0 [sflag:s8], $0x0  }
0x24: {  	s3 =	sadd.s32 $0x88, s3;
	s6 =	simm.s32 @!p1 $0x1082;
	[sflag:s4] =	ssyncset.s32 $0xFFFFF086  }
0x25: {  	[simem:s6], [sflag:s4] =	dma.local [hbm:s3], $0xF7A  }
0x26: {  	[smem:$0x3F99] =	sst s1;
	(tag) =	ssettag s2;
	_ =	strace s9  }
0x27: {  	s1 =	sld [smem:$0x3FA9]  }
0x28: {  	s2 =	sld [smem:$0x3FAA]  }
0x29: {  	s4 =	sld [smem:$0x3FAC]  }
0x2a: {  	p0 =	seq.s32 s5, $0x0;
	s5 =	sld [smem:$0x3FAD]  }
0x2b: {  	s6 =	sld [smem:$0x3FAE]  }
0x2c: {  	s7 =	sld [smem:$0x3FAF]  }
0x2d: {  	s3 =	simm.s32 $0x108;
	s8 =	sld [smem:$0x3FB0]  }
0x2e: {  	s3 =	simm.s32 @!p0 $0x1082;
	s9 =	sld [smem:$0x3FB1]  }
0x2f: {  	lr =	sadd.s32 s0, s3;
	s0 =	sld [smem:$0x3FA8]  }
0x30: {  	s3 =	sld [smem:$0x3FAB]  }
0x31: {  	[smem:$0x3FB4] =	sst s10  }
0x32: {  	s10 =	sld [smem:$0x3FB2];
	_ =	sdelay $0x3  }
0x33: {  	p0 =	seq.s32 s10, $0x1;
	s10 =	sld [smem:$0x3FB4];
	_ =	sdelay $0x3  }
0x34: {  	[smem:$0x3FB4] =	sst s10  }
0x35: {  	s10 =	sld [smem:$0x3FB3];
	_ =	sdelay $0x3  }
0x36: {  	p1 =	seq.s32 s10, $0x1;
	s10 =	sld [smem:$0x3FB4];
	_ =	sdelay $0x3  }
0x37: {  	[smem:$0x3FB4] =	sst s10  }
0x38: {  	s10 =	sld [smem:$0x3FB5]  }
0x39: {  	_ = 	snop;
	(pc) =	sbr.ind lr, $3  }
0x3a: {  	_ = 	snop  }
0x3b: {  	_ = 	snop  }
0x3c: {  	p2 =	seq.s32 s10, $0x1;
	s10 =	sld [smem:$0x3FB4]  }
0x3d: {  	_ =	shalt  }
0x3e: {  	_ =	shalt  }
0x3f: {  	_ =	shalt  }
0x40: {  	_ =	shalt  }
0x41: {  	_ =	shalt  }
0x42: {  	_ =	shalt  }
0x43: {  	_ =	shalt  }
0x44: {  	_ =	shalt  }
0x45: {  	_ =	shalt  }
0x46: {  	_ =	shalt  }
0x47: {  	_ =	shalt  }
0x48: {  	_ =	shalt  }
0x49: {  	_ =	shalt  }
0x4a: {  	_ =	shalt  }
0x4b: {  	_ =	shalt  }
0x4c: {  	_ =	shalt  }
0x4d: {  	_ =	shalt  }
0x4e: {  	_ =	shalt  }
0x4f: {  	_ =	shalt  }
0x50: {  	_ =	shalt  }
0x51: {  	_ =	shalt  }
0x52: {  	_ =	shalt  }
0x53: {  	_ =	shalt  }
0x54: {  	_ =	shalt  }
0x55: {  	_ =	shalt  }
0x56: {  	_ =	shalt  }
0x57: {  	_ =	shalt  }
0x58: {  	_ =	shalt  }
0x59: {  	_ =	shalt  }
0x5a: {  	_ =	shalt  }
0x5b: {  	_ =	shalt  }
0x5c: {  	_ =	shalt  }
0x5d: {  	_ =	shalt  }
0x5e: {  	_ =	shalt  }
0x5f: {  	_ =	shalt  }
0x60: {  	_ =	shalt  }
0x61: {  	_ =	shalt  }
0x62: {  	_ =	shalt  }
0x63: {  	_ =	shalt  }
0x64: {  	_ =	shalt  }
0x65: {  	_ =	shalt  }
0x66: {  	_ =	shalt  }
0x67: {  	_ =	shalt  }
0x68: {  	_ =	shalt  }
0x69: {  	_ =	shalt  }
0x6a: {  	_ =	shalt  }
0x6b: {  	_ =	shalt  }
0x6c: {  	_ =	shalt  }
0x6d: {  	_ =	shalt  }
0x6e: {  	_ =	shalt  }
0x6f: {  	_ =	shalt  }
0x70: {  	_ =	shalt  }
0x71: {  	_ =	shalt  }
0x72: {  	_ =	shalt  }
0x73: {  	_ =	shalt  }
0x74: {  	_ =	shalt  }
0x75: {  	_ =	shalt  }
0x76: {  	_ =	shalt  }
0x77: {  	_ =	shalt  }
0x78: {  	_ =	shalt  }
0x79: {  	_ =	shalt  }
0x7a: {  	_ =	shalt  }
0x7b: {  	_ =	shalt  }
0x7c: {  	_ =	shalt  }
0x7d: {  	_ =	shalt  }
0x7e: {  	_ =	shalt  }
0x7f: {  	_ =	shalt  }
0x80: {  	_ =	shalt  }
0x81: {  	_ =	shalt  }
0x82: {  	_ =	shalt  }
0x83: {  	_ =	shalt  }
0x84: {  	_ =	shalt  }
0x85: {  	_ =	shalt  }
0x86: {  	_ =	shalt  }
0x87: {  	_ =	shalt  }
.Lfunc_end0:
.L_simem_size_0:
called_computation.2_lowered:
.L_overlay_start_0:
0x88: {  	s2 =	sld [smem:$0x3FD9]  }
0x89: {  	s3 =	sld [smem:$0x3FFE];
	_ =	sdelay $0x1  }
0x8a: {  	s1 =	srdreg.scid  }
0x8b: {  	s0 =	sand.u32 $0x1, s1  }
0x8c: {  	s16 =	sshll.u32 s0, $0xA;
	s2 =	sadd.s32 s3, s2  }
0x8d: {  	s2 =	sadd.s32 s2, s16  }
0x8e: {  	[smem:$0x3FC0] =	sst s2  }
0x8f: {  	_ = 	snop  }
0x90: {  	(tm) =	ssettm $0x1  }
0x91: {  	s17 =	sld [smem:$0x3FFB];
	_ =	sdelay $0x3  }
0x92: {  	_ =	strace s17  }
0x93: {  	s2 =	sld [smem:$0x3FFC];
	_ =	sdelay $0x3  }
0x94: {  	_ =	strace s2  }
0x95: {  	s2 =	sld [smem:$0x3FFD];
	_ =	sdelay $0x3  }
0x96: {  	_ =	strace s2  }
0x97: {  	_ =	strace $0x8FFFFFFF  }
0x98: {  	s18 =	sld [smem:$0x3FDB];
	_ =	sdelay $0x1  }
0x99: {  	s19 =	simm.s32 $_scs_section_size  }
0x9a: {  	s4 =	simm.s32 $_size__tile_overlayer_lowered;
	s5 =	simm.s32 $_tile_overlayer_lowered  }
0x9b: {  	s22 =	simm.s32 $0x1BFF;
	s21 =	sshll.u32 s5, $0x1;
	s2 =	sadd.s32 s19, s18  }
0x9c: {  	s6 =	simm.s32 $0x0;
	s20 =	sshll.u32 s4, $0x1;
	s4 =	sadd.s32 s21, s2  }
0x9d: {  	[timem:s6], [sflag:s22] =	dma.local [hbm:s4], s20  }
0x9e: {  	_ =	swait.ge [sflag:s22], s20  }
0x9f: {  	s3 =	ssub.s32 $0x0, s20;
	[sflag:s22] =	ssyncset.done $0x0  }
0xa0: {  	[sflag:s22] =	ssyncadd.s32 s3;
	_ =	sdelay $0x1  }
0xa1: {  	s23 =	simm.s32 $0x1B8B  }
0xa2: {  	_ =	swait.ge [sflag:s23], $0x1  }
0xa3: {  	[sflag:s23] =	ssyncset.done $0x0  }
0xa4: {  	s25 =	simm.s32 $0x1B8E;
	s24 =	sld [smem:$0x3FFE];
	[sflag:s23] =	ssyncadd.s32 $0xFFFFFFFF  }
0xa5: {  	s26 =	simm.s32 $execute0_lowered;
	[smem:$0x3FD2] =	sst s25  }
0xa6: {  	s4 =	sshll.u32 s26, $0x1;
	_ =	strace $0x8000004C;
	[dreg:$0x1] =	wrdreg $0xFFFFFFFF  }
0xa7: {  	s28 =	simm.s32 $_size_execute0_lowered;
	s2 =	sadd.s32 s2, s4;
	[dreg:$0x0] =	wrdreg $0x0  }
0xa8: {  	s4 =	sshll.u32 s28, $0x1;
	[dreg:$0x2] =	wrdreg s2  }
0xa9: {  	[dreg:$0x3] =	wrdreg s4  }
0xaa: {  	[dreg:$0x4] =	wrdreg $0xC0  }
0xab: {  	_ =	task [dreg:s6], $0x5FFFF  }
0xac: {  	[dreg:$0x1] =	wrdreg $0xFFFFFFFF  }
0xad: {  	[dreg:$0x0] =	wrdreg $0x60  }
0xae: {  	[dreg:$0x2] =	wrdreg s24  }
0xaf: {  	[dreg:$0x3] =	wrdreg $0x90800  }
0xb0: {  	[dreg:$0x4] =	wrdreg $0x9  }
0xb1: {  	_ =	task.clear_ibuf [dreg:s6], $0x5FFFF;
	_ =	strace $0x9000004C  }
0xb2: {  	s29 =	simm.s32 $0x9;
	_ =	strace $0x8000004E  }
0xb3: {  	_ =	swait.ge [sflag:s29], $0x1  }
0xb4: {  	[sflag:s29] =	ssyncadd.s32 $0xFFFFFFFF  }
0xb5: {  	_ =	strace $0x9000004E  }
0xb6: {  	_ =	sfence  }
0xb7: {  	s30 =	sld [smem:$0x0];
	_ =	sdelay $0x2  }
0xb8: {  	s31 =	sshll.u32 s1, $0xD;
	s1 =	sshrl.u32 s1, $0x2  }
0xb9: {  	s3 =	sand.u32 $0x4000, s31;
	s1 =	sadd.s32 s1, s30  }
0xba: {  	s0 =	sor.u32 s3, s0;
	s1 =	sshll.u32 s1, $0x11  }
0xbb: {  	s0 =	sor.u32 s1, s0  }
0xbc: {  	s0 =	sadd.s32 $0x8F2B, s0  }
0xbd: {  	[sflag:s0] =	ssyncadd.remote.s32 $0x1  }
0xbe: {  	_ =	sfence.sel $0xFFFF  }
0xbf: {  	[dreg:$0x0] =	wrdreg $0xFFFFFFFF;
	(pc) =	sbr.abs _section_cstart, $3  }
0xc0: {  	[dreg:$0x1] =	wrdreg $0xFFFFFFFF  }
0xc1: {  	_ =	task.clear_ibuf [dreg:s6], $0x2FFFF;
	_ =	strace $0x9FFFFFFF  }
0xc2: {  	(tm) =	ssettm $0x7FFFFFFF  }
0xc3: {  	_ =	shalt  }
tec
execute0_lowered:
.L_overlay_start_1:
0x0: {  	(tag) =	ssettag $0x1  }
0x1: {  	s1 =	rddreg [dreg:$0x0]  }
0x2: {  	s2 =	rddreg [dreg:$0x1]  }
0x3: {  	s9 =	stileid.u32;
	s3 =	simm.s32 $0x0;
	s4 =	srdreg.scid  }
0x4: {  	s28 =	simm.s32 $0x2;
	s30 =	simm.s32 $0x5080;
	s31 =	simm.s32 $0x80  }
0x5: {  	s29 =	simm.s32 $0x0;
	s0 =	smul.u32 $0x500, s9;
	[smem:$0x7FF] =	sst s3  }
0x6: {  	s5 =	sand.u32 $0x1, s4;
	s4 =	sadd.s32 $0x66A00, s1;
	s8 =	smul.u32 $0x280, s9  }
0x7: {  	s9 =	smul.u32 $0x50000, s9;
	_ =	strace $0x8000004D;
	s6 =	sadd.s32 s0, s1  }
0x8: {  	s0 =	smul.u32 $0x2800, s5;
	s5 =	ssub.s32 $0x2, s5;
	s1 =	sadd.s32 $0x106A00, s1  }
0x9: {  	s9 =	sshrl.u32 s9, $0x2;
	s24 =	sadd.s32 $0x80, s8;
	s26 =	sadd.s32 $0x100, s8  }
0xa: {  	s15 =	sadd.s32 $0x180, s8;
	s7 =	sshrl.u32 s5, $0x1;
	s11 =	sadd.s32 $0x11A00, s6  }
0xb: {  	s6 =	sadd.s32 $0xCA00, s6;
	s12 =	sshll.u32 s24, $0x7;
	[dreg:$0x3] =	wrdreg s11  }
0xc: {  	s10 =	sadd.s32 $0x5000, s0;
	s5 =	ssub.s32 s5, s7;
	[dreg:$0x4] =	wrdreg s6  }
0xd: {  	s7 =	sadd.s32 s9, s2;
	s23 =	sadd.s32 s0, s8;
	s25 =	sadd.s32 s0, s24  }
0xe: {  	s13 =	sadd.s32 s0, s26;
	s19 =	sadd.s32 s0, s15;
	s20 =	sadd.s32 s10, s8  }
0xf: {  	s5 =	smax.u32 s5, $0x1;
	s9 =	sshll.u32 s25, $0x4;
	s14 =	sshll.u32 s13, $0x4  }
0x10: {  	s8 =	sadd.s32 $0x200, s8;
	s6 =	sadd.s32 s10, s24;
	s24 =	sshll.u32 s26, $0x7  }
0x11: {  	s25 =	sshll.u32 s15, $0x7;
	s21 =	sshll.u32 s20, $0x4;
	[dreg:$0x6] =	wrdreg s5  }
0x12: {  	s5 =	sshll.u32 s23, $0x4;
	s13 =	sadd.s32 s0, s8;
	s6 =	sshll.u32 s6, $0x4  }
0x13: {  	v0 =	vmov s0;
	s23 =	sadd.s32 s10, s8;
	s0 =	simm.s32 $0x5000;
	s22 =	sadd.s32 s1, s21  }
0x14: {  	s5 =	sadd.s32 s1, s5;
	s13 =	sshll.u32 s13, $0x4;
	s6 =	sadd.s32 s1, s6  }
0x15: {  	s21 =	sadd.s32 s10, s26;
	s26 =	sshll.u32 s8, $0x7;
	[dreg:$0x5] =	wrdreg s22  }
0x16: {  	[dreg:$0x7] =	wrdreg s5;
	s5 =	sadd.s32 s1, s9;
	s9 =	sshll.u32 s19, $0x4  }
0x17: {  	s20 =	sadd.s32 s1, s13;
	[dreg:$0xc] =	wrdreg s6;
	s22 =	sadd.s32 s10, s15  }
0x18: {  	s6 =	sshll.u32 s21, $0x4;
	s13 =	sshll.u32 s23, $0x4;
	s19 =	sadd.s32 $0x4000, s7  }
0x19: {  	s21 =	sadd.s32 s24, s2;
	s23 =	sadd.s32 s26, s2;
	s24 =	sadd.s32 $0x8000, s7  }
0x1a: {  	s26 =	sadd.s32 $0x10000, s7;
	[dreg:$0x8] =	wrdreg s5;
	s5 =	sadd.s32 s1, s14  }
0x1b: {  	s9 =	sadd.s32 s1, s9;
	[dreg:$0xb] =	wrdreg s20;
	s16 =	sadd.s32 s1, s6  }
0x1c: {  	s18 =	sadd.s32 s1, s13;
	s20 =	sadd.s32 s12, s2;
	[dreg:$0x9] =	wrdreg s5  }
0x1d: {  	[dreg:$0xa] =	wrdreg s9;
	s9 =	sshll.u32 s22, $0x4;
	s22 =	sadd.s32 s25, s2  }
0x1e: {  	v2 =	vimm.f32 $0.0e+00;
	v1 =	vmov s10;
	s25 =	sadd.s32 $0xC000, s7;
	s17 =	sadd.s32 s1, s9;
	s1 =	simm.s32 $0x1  }
.LBB2_1:
0x1f: {  	s5 =	rddreg [dreg:$0x3]  }
0x20: {  	[tilespmem:s3], [sflag:$0x2] =	stream.linear.gather [hbm4b:s5+s3], $0x2780, $0x38;
	[tilespmem:$0x1D080] =	vst v63  }
0x21: {  	_ =	swait.ge [sflag:s28], $0x2780  }
0x22: {  	[sflag:s28] =	ssyncset.done $0x0  }
0x23: {  	s6 =	simm.s32 $0x2800;
	s13 =	rddreg [dreg:$0x4];
	[sflag:s28] =	ssyncadd.s32 $0xFFFFD880  }
0x24: {  	[tilespmem:s6], [sflag:$0x2] =	stream.linear.gather [hbm4b:s13+s3], $0x2780, $0x38;
	[tilespmem:$0x1D080] =	vst v63  }
0x25: {  	s14 =	sand.u32 $0xFE00, s3;
	s15 =	sand.u32 $0x70, s3;
	_ =	swait.ge [sflag:s28], $0x2780  }
0x26: {  	s8 =	sshrl.u32 s14, $0x2;
	s5 =	simm.s32 $0x40;
	[sflag:s28] =	ssyncset.done $0x0  }
0x27: {  	s8 =	sor.u32 s15, s8;
	s6 =	simm.s32 $0x0;
	[sflag:s28] =	ssyncadd.s32 $0xFFFFD880  }
.LBB2_2:
0x28: {  	p0 =	sne.s32 s5, $0xFFC0  }
0x29: {  	[tilespmem:s8+$0x5080] =	vst v2;
	s6 =	sadd.s32 $0x10, s6;
	s8 =	smov.u32 s5;
	s5 =	sadd.s32 $0x40, s5  }
.Ltmp0:
0x2a: {  	(pc) =	sbr.rel @p0 .LBB2_2-.Ltmp0, $4  }
0x2b: {  	_ = 	snop  }
0x2c: {  	s8 =	sand.u32 $0xFE00, s8  }
0x2d: {  	s9 =	sand.u32 $0x70, s6;
	s8 =	sshrl.u32 s8, $0x2  }
0x2e: {  	s8 =	sor.u32 s9, s8  }
0x2f: {  	[tilespmem:s8+$0x5080] =	vst v2  }
0x30: {  	[spmem:s7] =	stream.linear.scatter [tilespmem:s30], [sflag:$0x2], $0x4000, $0x38;
	[tilespmem:$0x1D080] =	vst v63  }
0x31: {  	_ =	swait.ge [sflag:s28], $0x4000  }
0x32: {  	[sflag:s28] =	ssyncset.done $0x0  }
0x33: {  	[sflag:s28] =	ssyncadd.s32 $0xFFFFC000  }
0x34: {  	[spmem:s19] =	stream.linear.scatter [tilespmem:s30], [sflag:$0x2], $0x4000, $0x38;
	[tilespmem:$0x1D080] =	vst v63  }
0x35: {  	_ =	swait.ge [sflag:s28], $0x4000  }
0x36: {  	[sflag:s28] =	ssyncset.done $0x0  }
0x37: {  	[sflag:s28] =	ssyncadd.s32 $0xFFFFC000  }
0x38: {  	[spmem:s24] =	stream.linear.scatter [tilespmem:s30], [sflag:$0x2], $0x4000, $0x38;
	[tilespmem:$0x1D080] =	vst v63  }
0x39: {  	_ =	swait.ge [sflag:s28], $0x4000  }
0x3a: {  	[sflag:s28] =	ssyncset.done $0x0  }
0x3b: {  	[sflag:s28] =	ssyncadd.s32 $0xFFFFC000  }
0x3c: {  	[spmem:s25] =	stream.linear.scatter [tilespmem:s30], [sflag:$0x2], $0x4000, $0x38;
	[tilespmem:$0x1D080] =	vst v63  }
0x3d: {  	_ =	swait.ge [sflag:s28], $0x4000  }
0x3e: {  	[sflag:s28] =	ssyncset.done $0x0  }
0x3f: {  	[sflag:s28] =	ssyncadd.s32 $0xFFFFC000  }
0x40: {  	[spmem:s26] =	stream.linear.scatter [tilespmem:s30], [sflag:$0x2], $0x4000, $0x38;
	[tilespmem:$0x1D080] =	vst v63  }
0x41: {  	_ =	swait.ge [sflag:s28], $0x4000  }
0x42: {  	[sflag:s28] =	ssyncset.done $0x0  }
0x43: {  	[sflag:s28] =	ssyncadd.s32 $0xFFFFC000  }
0x44: {  	s5 =	simm.s32 $0x0;
	[bflag:$0x0] =	sbarrier.arrive $0xFFFF  }
0x45: {  	v3 =	vld [tilespmem:s5+$0x0];
	_ =	sdelay $0x4  }
0x46: {  	v3 =	vadd.s32 v0, v3  }
0x47: {  	[tilespmem:$0x5000] =	vst v3  }
0x48: {  	v3 =	vld [tilespmem:s5+$0x10];
	_ =	sdelay $0x4  }
0x49: {  	v3 =	vadd.s32 v0, v3  }
0x4a: {  	[tilespmem:$0x5010] =	vst v3  }
0x4b: {  	v3 =	vld [tilespmem:s5+$0x20];
	_ =	sdelay $0x4  }
0x4c: {  	v3 =	vadd.s32 v0, v3  }
0x4d: {  	[tilespmem:$0x5020] =	vst v3  }
0x4e: {  	v3 =	vld [tilespmem:s5+$0x30];
	_ =	sdelay $0x4  }
0x4f: {  	v3 =	vadd.s32 v0, v3  }
0x50: {  	[tilespmem:$0x5030] =	vst v3  }
0x51: {  	v3 =	vld [tilespmem:s5+$0x40];
	_ =	sdelay $0x4  }
0x52: {  	v3 =	vadd.s32 v0, v3  }
0x53: {  	[tilespmem:$0x5040] =	vst v3  }
0x54: {  	v3 =	vld [tilespmem:s5+$0x50];
	_ =	sdelay $0x4  }
0x55: {  	v3 =	vadd.s32 v0, v3  }
0x56: {  	[tilespmem:$0x5050] =	vst v3  }
0x57: {  	v3 =	vld [tilespmem:s5+$0x60];
	_ =	sdelay $0x4  }
0x58: {  	v3 =	vadd.s32 v0, v3  }
0x59: {  	[tilespmem:$0x5060] =	vst v3  }
0x5a: {  	v3 =	vld [tilespmem:s5+$0x70];
	_ =	sdelay $0x4  }
0x5b: {  	v3 =	vadd.s32 v0, v3  }
0x5c: {  	[tilespmem:$0x5070] =	vst v3  }
0x5d: {  	[tilespmem:s30], [sflag:$0x1] =	stream.indirect.gather [hbm4b:s4+s31], $0x80, s0, s31, $0xb8;
	[tilespmem:$0x1D080] =	vst v63  }
0x5e: {  	_ =	swait.ge [sflag:s1], $0x4000  }
0x5f: {  	[sflag:s1] =	ssyncset.done $0x0  }
0x60: {  	s15 =	simm.s32 $0x2800;
	[sflag:s1] =	ssyncadd.s32 $0xFFFFC000  }
0x61: {  	[spmem:s2] =	stream.indirect.scatter.add.f32 [tilespmem:s30], [sflag:$0x2], $0x80, s15, s31, $0xb8;
	[tilespmem:$0x1D080] =	vst v63  }
0x62: {  	_ =	swait.ge [sflag:s28], $0x4000  }
0x63: {  	s9 =	simm.s32 $0x400;
	s5 =	simm.s32 $0x200;
	[sflag:s28] =	ssyncset.done $0x0  }
.LBB2_4:
0x64: {  	s8 =	sshra.s32 s5, $0x2  }
0x65: {  	[sflag:s28] =	ssyncadd.s32 $0xFFFFC000;
	s5 =	smov.u32 s9;
	s6 =	sadd.s32 $0x200, s9  }
0x66: {  	p0 =	sne.s32 s9, $0x9C00;
	v3 =	vld [tilespmem:s8+$0x0];
	_ =	sdelay $0x4  }
0x67: {  	v3 =	vadd.s32 v0, v3  }
0x68: {  	[tilespmem:$0x5000] =	vst v3  }
0x69: {  	v3 =	vld [tilespmem:s8+$0x10];
	_ =	sdelay $0x4  }
0x6a: {  	v3 =	vadd.s32 v0, v3  }
0x6b: {  	[tilespmem:$0x5010] =	vst v3  }
0x6c: {  	v3 =	vld [tilespmem:s8+$0x20];
	_ =	sdelay $0x4  }
0x6d: {  	v3 =	vadd.s32 v0, v3  }
0x6e: {  	[tilespmem:$0x5020] =	vst v3  }
0x6f: {  	v3 =	vld [tilespmem:s8+$0x30];
	_ =	sdelay $0x4  }
0x70: {  	v3 =	vadd.s32 v0, v3  }
0x71: {  	[tilespmem:$0x5030] =	vst v3  }
0x72: {  	v3 =	vld [tilespmem:s8+$0x40];
	_ =	sdelay $0x4  }
0x73: {  	v3 =	vadd.s32 v0, v3  }
0x74: {  	[tilespmem:$0x5040] =	vst v3  }
0x75: {  	v3 =	vld [tilespmem:s8+$0x50];
	_ =	sdelay $0x4  }
0x76: {  	v3 =	vadd.s32 v0, v3  }
0x77: {  	[tilespmem:$0x5050] =	vst v3  }
0x78: {  	v3 =	vld [tilespmem:s8+$0x60];
	_ =	sdelay $0x4  }
0x79: {  	v3 =	vadd.s32 v0, v3  }
0x7a: {  	[tilespmem:$0x5060] =	vst v3  }
0x7b: {  	v3 =	vld [tilespmem:s8+$0x70];
	_ =	sdelay $0x4  }
0x7c: {  	v3 =	vadd.s32 v0, v3  }
0x7d: {  	[tilespmem:$0x5070] =	vst v3  }
0x7e: {  	[tilespmem:s30], [sflag:$0x1] =	stream.indirect.gather [hbm4b:s4+s31], $0x80, s0, s31, $0xb8;
	[tilespmem:$0x1D080] =	vst v63  }
0x7f: {  	_ =	swait.ge [sflag:s1], $0x4000  }
.Ltmp1:
0x80: {  	[sflag:s1] =	ssyncset.done $0x0;
	(pc) =	sbr.rel @p0 .LBB2_4-.Ltmp1, $4  }
0x81: {  	s8 =	sadd.s32 $0x2800, s8;
	[sflag:s1] =	ssyncadd.s32 $0xFFFFC000  }
0x82: {  	[spmem:s2] =	stream.indirect.scatter.add.f32 [tilespmem:s30], [sflag:$0x2], $0x80, s8, s31, $0xb8;
	[tilespmem:$0x1D080] =	vst v63  }
0x83: {  	_ =	swait.ge [sflag:s28], $0x4000  }
0x84: {  	s9 =	smov.u32 s6;
	[sflag:s28] =	ssyncset.done $0x0  }
0x85: {  	s5 =	sshra.s32 s5, $0x2;
	[sflag:s28] =	ssyncadd.s32 $0xFFFFC000  }
0x86: {  	v3 =	vld [tilespmem:s5+$0x0];
	_ =	sdelay $0x4  }
0x87: {  	v3 =	vadd.s32 v0, v3  }
0x88: {  	[tilespmem:$0x5000] =	vst v3  }
0x89: {  	v3 =	vld [tilespmem:s5+$0x10];
	_ =	sdelay $0x4  }
0x8a: {  	v3 =	vadd.s32 v0, v3  }
0x8b: {  	[tilespmem:$0x5010] =	vst v3  }
0x8c: {  	v3 =	vld [tilespmem:s5+$0x20];
	_ =	sdelay $0x4  }
0x8d: {  	v3 =	vadd.s32 v0, v3  }
0x8e: {  	[tilespmem:$0x5020] =	vst v3  }
0x8f: {  	v3 =	vld [tilespmem:s5+$0x30];
	_ =	sdelay $0x4  }
0x90: {  	v3 =	vadd.s32 v0, v3  }
0x91: {  	[tilespmem:$0x5030] =	vst v3  }
0x92: {  	v3 =	vld [tilespmem:s5+$0x40];
	_ =	sdelay $0x4  }
0x93: {  	v3 =	vadd.s32 v0, v3  }
0x94: {  	[tilespmem:$0x5040] =	vst v3  }
0x95: {  	v3 =	vld [tilespmem:s5+$0x50];
	_ =	sdelay $0x4  }
0x96: {  	v3 =	vadd.s32 v0, v3  }
0x97: {  	[tilespmem:$0x5050] =	vst v3  }
0x98: {  	v3 =	vld [tilespmem:s5+$0x60];
	_ =	sdelay $0x4  }
0x99: {  	v3 =	vadd.s32 v0, v3  }
0x9a: {  	[tilespmem:$0x5060] =	vst v3  }
0x9b: {  	v3 =	vld [tilespmem:s5+$0x70];
	_ =	sdelay $0x4  }
0x9c: {  	v3 =	vadd.s32 v0, v3  }
0x9d: {  	[tilespmem:$0x5070] =	vst v3  }
0x9e: {  	[tilespmem:s30], [sflag:$0x1] =	stream.indirect.gather [hbm4b:s4+s31], $0x80, s0, s31, $0xb8;
	[tilespmem:$0x1D080] =	vst v63  }
0x9f: {  	_ =	swait.ge [sflag:s1], $0x4000  }
0xa0: {  	[sflag:s1] =	ssyncset.done $0x0  }
0xa1: {  	s5 =	sadd.s32 $0x2800, s5;
	[sflag:s1] =	ssyncadd.s32 $0xFFFFC000  }
0xa2: {  	[spmem:s2] =	stream.indirect.scatter.add.f32 [tilespmem:s30], [sflag:$0x2], $0x80, s5, s31, $0xb8;
	[tilespmem:$0x1D080] =	vst v63  }
0xa3: {  	_ =	swait.ge [sflag:s28], $0x4000  }
0xa4: {  	[sflag:s28] =	ssyncset.done $0x0  }
0xa5: {  	s15 =	stileid.u32;
	[sflag:s28] =	ssyncadd.s32 $0xFFFFC000  }
0xa6: {  	s5 =	sshll.u32 s15, $0x6;
	[bflag:$0x0] =	sbarrier.arrive $0xFFFF  }
0xa7: {  	s6 =	sshrl.u32 s7, $0x3;
	s5 =	sor.u32 $0x1C02, s5;
	s8 =	rddreg [dreg:$0x7]  }
0xa8: {  	[hbm:s8], [sflag:s5] =	dma.local [spmem:s6], $0x800  }
0xa9: {  	_ =	swait.ge [sflag:s28], $0x800  }
0xaa: {  	[sflag:s28] =	ssyncset.done $0x0  }
0xab: {  	s8 =	sshrl.u32 s20, $0x3;
	s9 =	rddreg [dreg:$0x8];
	[sflag:s28] =	ssyncadd.s32 $0xFFFFF800  }
0xac: {  	[hbm:s9], [sflag:s5] =	dma.local [spmem:s8], $0x800  }
0xad: {  	_ =	swait.ge [sflag:s28], $0x800  }
0xae: {  	[sflag:s28] =	ssyncset.done $0x0  }
0xaf: {  	s9 =	sshrl.u32 s21, $0x3;
	s10 =	rddreg [dreg:$0x9];
	[sflag:s28] =	ssyncadd.s32 $0xFFFFF800  }
0xb0: {  	[hbm:s10], [sflag:s5] =	dma.local [spmem:s9], $0x800  }
0xb1: {  	_ =	swait.ge [sflag:s28], $0x800  }
0xb2: {  	[sflag:s28] =	ssyncset.done $0x0  }
0xb3: {  	s10 =	sshrl.u32 s22, $0x3;
	s11 =	rddreg [dreg:$0xa];
	[sflag:s28] =	ssyncadd.s32 $0xFFFFF800  }
0xb4: {  	[hbm:s11], [sflag:s5] =	dma.local [spmem:s10], $0x800  }
0xb5: {  	_ =	swait.ge [sflag:s28], $0x800  }
0xb6: {  	[sflag:s28] =	ssyncset.done $0x0  }
0xb7: {  	s11 =	sshrl.u32 s23, $0x3;
	s12 =	rddreg [dreg:$0xb];
	[sflag:s28] =	ssyncadd.s32 $0xFFFFF800  }
0xb8: {  	[hbm:s12], [sflag:s5] =	dma.local [spmem:s11], $0x800  }
0xb9: {  	s12 =	simm.s32 $0x0;
	_ =	swait.ge [sflag:s28], $0x800  }
0xba: {  	s13 =	sand.u32 $0xFE00, s12;
	[sflag:s28] =	ssyncset.done $0x0  }
0xbb: {  	s14 =	sand.u32 $0x70, s12;
	s13 =	sshrl.u32 s13, $0x2;
	[sflag:s28] =	ssyncadd.s32 $0xFFFFF800  }
0xbc: {  	s14 =	sor.u32 s14, s13;
	s13 =	simm.s32 $0x40;
	[bflag:$0x0] =	sbarrier.arrive $0xFFFF  }
.LBB2_6:
0xbd: {  	p0 =	sne.s32 s13, $0xFFC0  }
0xbe: {  	[tilespmem:s14+$0x5080] =	vst v2;
	s12 =	sadd.s32 $0x10, s12;
	s14 =	smov.u32 s13;
	s13 =	sadd.s32 $0x40, s13  }
.Ltmp2:
0xbf: {  	(pc) =	sbr.rel @p0 .LBB2_6-.Ltmp2, $4  }
0xc0: {  	_ = 	snop  }
0xc1: {  	s14 =	sand.u32 $0xFE00, s14  }
0xc2: {  	s15 =	sand.u32 $0x70, s12;
	s14 =	sshrl.u32 s14, $0x2  }
0xc3: {  	s14 =	sor.u32 s15, s14  }
0xc4: {  	[tilespmem:s14+$0x5080] =	vst v2  }
0xc5: {  	[spmem:s7] =	stream.linear.scatter [tilespmem:s30], [sflag:$0x2], $0x4000, $0x38;
	[tilespmem:$0x1D080] =	vst v63  }
0xc6: {  	_ =	swait.ge [sflag:s28], $0x4000  }
0xc7: {  	[sflag:s28] =	ssyncset.done $0x0  }
0xc8: {  	[sflag:s28] =	ssyncadd.s32 $0xFFFFC000  }
0xc9: {  	[spmem:s19] =	stream.linear.scatter [tilespmem:s30], [sflag:$0x2], $0x4000, $0x38;
	[tilespmem:$0x1D080] =	vst v63  }
0xca: {  	_ =	swait.ge [sflag:s28], $0x4000  }
0xcb: {  	[sflag:s28] =	ssyncset.done $0x0  }
0xcc: {  	[sflag:s28] =	ssyncadd.s32 $0xFFFFC000  }
0xcd: {  	[spmem:s24] =	stream.linear.scatter [tilespmem:s30], [sflag:$0x2], $0x4000, $0x38;
	[tilespmem:$0x1D080] =	vst v63  }
0xce: {  	_ =	swait.ge [sflag:s28], $0x4000  }
0xcf: {  	[sflag:s28] =	ssyncset.done $0x0  }
0xd0: {  	[sflag:s28] =	ssyncadd.s32 $0xFFFFC000  }
0xd1: {  	[spmem:s25] =	stream.linear.scatter [tilespmem:s30], [sflag:$0x2], $0x4000, $0x38;
	[tilespmem:$0x1D080] =	vst v63  }
0xd2: {  	_ =	swait.ge [sflag:s28], $0x4000  }
0xd3: {  	[sflag:s28] =	ssyncset.done $0x0  }
0xd4: {  	[sflag:s28] =	ssyncadd.s32 $0xFFFFC000  }
0xd5: {  	[spmem:s26] =	stream.linear.scatter [tilespmem:s30], [sflag:$0x2], $0x4000, $0x38;
	[tilespmem:$0x1D080] =	vst v63  }
0xd6: {  	_ =	swait.ge [sflag:s28], $0x4000  }
0xd7: {  	[sflag:s28] =	ssyncset.done $0x0  }
0xd8: {  	[sflag:s28] =	ssyncadd.s32 $0xFFFFC000  }
0xd9: {  	s12 =	simm.s32 $0x0;
	[bflag:$0x0] =	sbarrier.arrive $0xFFFF  }
0xda: {  	v3 =	vld [tilespmem:s12+$0x0];
	_ =	sdelay $0x4  }
0xdb: {  	v3 =	vadd.s32 v1, v3  }
0xdc: {  	[tilespmem:$0x5000] =	vst v3  }
0xdd: {  	v3 =	vld [tilespmem:s12+$0x10];
	_ =	sdelay $0x4  }
0xde: {  	v3 =	vadd.s32 v1, v3  }
0xdf: {  	[tilespmem:$0x5010] =	vst v3  }
0xe0: {  	v3 =	vld [tilespmem:s12+$0x20];
	_ =	sdelay $0x4  }
0xe1: {  	v3 =	vadd.s32 v1, v3  }
0xe2: {  	[tilespmem:$0x5020] =	vst v3  }
0xe3: {  	v3 =	vld [tilespmem:s12+$0x30];
	_ =	sdelay $0x4  }
0xe4: {  	v3 =	vadd.s32 v1, v3  }
0xe5: {  	[tilespmem:$0x5030] =	vst v3  }
0xe6: {  	v3 =	vld [tilespmem:s12+$0x40];
	_ =	sdelay $0x4  }
0xe7: {  	v3 =	vadd.s32 v1, v3  }
0xe8: {  	[tilespmem:$0x5040] =	vst v3  }
0xe9: {  	v3 =	vld [tilespmem:s12+$0x50];
	_ =	sdelay $0x4  }
0xea: {  	v3 =	vadd.s32 v1, v3  }
0xeb: {  	[tilespmem:$0x5050] =	vst v3  }
0xec: {  	v3 =	vld [tilespmem:s12+$0x60];
	_ =	sdelay $0x4  }
0xed: {  	v3 =	vadd.s32 v1, v3  }
0xee: {  	[tilespmem:$0x5060] =	vst v3  }
0xef: {  	v3 =	vld [tilespmem:s12+$0x70];
	_ =	sdelay $0x4  }
0xf0: {  	v3 =	vadd.s32 v1, v3  }
0xf1: {  	[tilespmem:$0x5070] =	vst v3  }
0xf2: {  	[tilespmem:s30], [sflag:$0x1] =	stream.indirect.gather [hbm4b:s4+s31], $0x80, s0, s31, $0xb8;
	[tilespmem:$0x1D080] =	vst v63  }
0xf3: {  	_ =	swait.ge [sflag:s1], $0x4000  }
0xf4: {  	[sflag:s1] =	ssyncset.done $0x0  }
0xf5: {  	s15 =	simm.s32 $0x2800;
	[sflag:s1] =	ssyncadd.s32 $0xFFFFC000  }
0xf6: {  	[spmem:s2] =	stream.indirect.scatter.add.f32 [tilespmem:s30], [sflag:$0x2], $0x80, s15, s31, $0xb8;
	[tilespmem:$0x1D080] =	vst v63  }
0xf7: {  	_ =	swait.ge [sflag:s28], $0x4000  }
0xf8: {  	s13 =	simm.s32 $0x400;
	s12 =	simm.s32 $0x200;
	[sflag:s28] =	ssyncset.done $0x0  }
.LBB2_8:
0xf9: {  	s14 =	sshra.s32 s12, $0x2  }
0xfa: {  	[sflag:s28] =	ssyncadd.s32 $0xFFFFC000;
	s12 =	smov.u32 s13;
	s15 =	sadd.s32 $0x200, s13  }
0xfb: {  	p0 =	sne.s32 s13, $0x9C00;
	v3 =	vld [tilespmem:s14+$0x0];
	_ =	sdelay $0x4  }
0xfc: {  	v3 =	vadd.s32 v1, v3  }
0xfd: {  	[tilespmem:$0x5000] =	vst v3  }
0xfe: {  	v3 =	vld [tilespmem:s14+$0x10];
	_ =	sdelay $0x4  }
0xff: {  	v3 =	vadd.s32 v1, v3  }
0x100: {  	[tilespmem:$0x5010] =	vst v3  }
0x101: {  	v3 =	vld [tilespmem:s14+$0x20];
	_ =	sdelay $0x4  }
0x102: {  	v3 =	vadd.s32 v1, v3  }
0x103: {  	[tilespmem:$0x5020] =	vst v3  }
0x104: {  	v3 =	vld [tilespmem:s14+$0x30];
	_ =	sdelay $0x4  }
0x105: {  	v3 =	vadd.s32 v1, v3  }
0x106: {  	[tilespmem:$0x5030] =	vst v3  }
0x107: {  	v3 =	vld [tilespmem:s14+$0x40];
	_ =	sdelay $0x4  }
0x108: {  	v3 =	vadd.s32 v1, v3  }
0x109: {  	[tilespmem:$0x5040] =	vst v3  }
0x10a: {  	v3 =	vld [tilespmem:s14+$0x50];
	_ =	sdelay $0x4  }
0x10b: {  	v3 =	vadd.s32 v1, v3  }
0x10c: {  	[tilespmem:$0x5050] =	vst v3  }
0x10d: {  	v3 =	vld [tilespmem:s14+$0x60];
	_ =	sdelay $0x4  }
0x10e: {  	v3 =	vadd.s32 v1, v3  }
0x10f: {  	[tilespmem:$0x5060] =	vst v3  }
0x110: {  	v3 =	vld [tilespmem:s14+$0x70];
	_ =	sdelay $0x4  }
0x111: {  	v3 =	vadd.s32 v1, v3  }
0x112: {  	[tilespmem:$0x5070] =	vst v3  }
0x113: {  	[tilespmem:s30], [sflag:$0x1] =	stream.indirect.gather [hbm4b:s4+s31], $0x80, s0, s31, $0xb8;
	[tilespmem:$0x1D080] =	vst v63  }
0x114: {  	_ =	swait.ge [sflag:s1], $0x4000  }
.Ltmp3:
0x115: {  	[sflag:s1] =	ssyncset.done $0x0;
	(pc) =	sbr.rel @p0 .LBB2_8-.Ltmp3, $4  }
0x116: {  	s13 =	sadd.s32 $0x2800, s14;
	[sflag:s1] =	ssyncadd.s32 $0xFFFFC000  }
0x117: {  	[spmem:s2] =	stream.indirect.scatter.add.f32 [tilespmem:s30], [sflag:$0x2], $0x80, s13, s31, $0xb8;
	[tilespmem:$0x1D080] =	vst v63  }
0x118: {  	_ =	swait.ge [sflag:s28], $0x4000  }
0x119: {  	s13 =	smov.u32 s15;
	[sflag:s28] =	ssyncset.done $0x0  }
0x11a: {  	s12 =	sshra.s32 s12, $0x2;
	[sflag:s28] =	ssyncadd.s32 $0xFFFFC000  }
0x11b: {  	v3 =	vld [tilespmem:s12+$0x0];
	_ =	sdelay $0x4  }
0x11c: {  	v3 =	vadd.s32 v1, v3  }
0x11d: {  	[tilespmem:$0x5000] =	vst v3  }
0x11e: {  	v3 =	vld [tilespmem:s12+$0x10];
	_ =	sdelay $0x4  }
0x11f: {  	v3 =	vadd.s32 v1, v3  }
0x120: {  	[tilespmem:$0x5010] =	vst v3  }
0x121: {  	v3 =	vld [tilespmem:s12+$0x20];
	_ =	sdelay $0x4  }
0x122: {  	v3 =	vadd.s32 v1, v3  }
0x123: {  	[tilespmem:$0x5020] =	vst v3  }
0x124: {  	v3 =	vld [tilespmem:s12+$0x30];
	_ =	sdelay $0x4  }
0x125: {  	v3 =	vadd.s32 v1, v3  }
0x126: {  	[tilespmem:$0x5030] =	vst v3  }
0x127: {  	v3 =	vld [tilespmem:s12+$0x40];
	_ =	sdelay $0x4  }
0x128: {  	v3 =	vadd.s32 v1, v3  }
0x129: {  	[tilespmem:$0x5040] =	vst v3  }
0x12a: {  	v3 =	vld [tilespmem:s12+$0x50];
	_ =	sdelay $0x4  }
0x12b: {  	v3 =	vadd.s32 v1, v3  }
0x12c: {  	[tilespmem:$0x5050] =	vst v3  }
0x12d: {  	v3 =	vld [tilespmem:s12+$0x60];
	_ =	sdelay $0x4  }
0x12e: {  	v3 =	vadd.s32 v1, v3  }
0x12f: {  	[tilespmem:$0x5060] =	vst v3  }
0x130: {  	v3 =	vld [tilespmem:s12+$0x70];
	_ =	sdelay $0x4  }
0x131: {  	v3 =	vadd.s32 v1, v3  }
0x132: {  	[tilespmem:$0x5070] =	vst v3  }
0x133: {  	[tilespmem:s30], [sflag:$0x1] =	stream.indirect.gather [hbm4b:s4+s31], $0x80, s0, s31, $0xb8;
	[tilespmem:$0x1D080] =	vst v63  }
0x134: {  	_ =	swait.ge [sflag:s1], $0x4000  }
0x135: {  	[sflag:s1] =	ssyncset.done $0x0  }
0x136: {  	s12 =	sadd.s32 $0x2800, s12;
	[sflag:s1] =	ssyncadd.s32 $0xFFFFC000  }
0x137: {  	[spmem:s2] =	stream.indirect.scatter.add.f32 [tilespmem:s30], [sflag:$0x2], $0x80, s12, s31, $0xb8;
	[tilespmem:$0x1D080] =	vst v63  }
0x138: {  	_ =	swait.ge [sflag:s28], $0x4000  }
0x139: {  	[sflag:s28] =	ssyncset.done $0x0  }
0x13a: {  	[sflag:s28] =	ssyncadd.s32 $0xFFFFC000  }
0x13b: {  	[bflag:$0x0] =	sbarrier.arrive $0xFFFF  }
0x13c: {  	s13 =	rddreg [dreg:$0x5]  }
0x13d: {  	[hbm:s13], [sflag:s5] =	dma.local [spmem:s6], $0x800  }
0x13e: {  	_ =	swait.ge [sflag:s28], $0x800  }
0x13f: {  	[sflag:s28] =	ssyncset.done $0x0  }
0x140: {  	s14 =	rddreg [dreg:$0xc];
	[sflag:s28] =	ssyncadd.s32 $0xFFFFF800  }
0x141: {  	[hbm:s14], [sflag:s5] =	dma.local [spmem:s8], $0x800  }
0x142: {  	_ =	swait.ge [sflag:s28], $0x800  }
0x143: {  	[sflag:s28] =	ssyncset.done $0x0  }
0x144: {  	[sflag:s28] =	ssyncadd.s32 $0xFFFFF800  }
0x145: {  	[hbm:s16], [sflag:s5] =	dma.local [spmem:s9], $0x800  }
0x146: {  	_ =	swait.ge [sflag:s28], $0x800  }
0x147: {  	[sflag:s28] =	ssyncset.done $0x0  }
0x148: {  	[sflag:s28] =	ssyncadd.s32 $0xFFFFF800  }
0x149: {  	[hbm:s17], [sflag:s5] =	dma.local [spmem:s10], $0x800  }
0x14a: {  	_ =	swait.ge [sflag:s28], $0x800  }
0x14b: {  	[sflag:s28] =	ssyncset.done $0x0  }
0x14c: {  	[sflag:s28] =	ssyncadd.s32 $0xFFFFF800  }
0x14d: {  	[hbm:s18], [sflag:s5] =	dma.local [spmem:s11], $0x800  }
0x14e: {  	_ =	swait.ge [sflag:s28], $0x800  }
0x14f: {  	s29 =	sadd.s32 $0x1, s29;
	s15 =	rddreg [dreg:$0x6]  }
0x150: {  	p0 =	sne.s32 s29, s15  }
.Ltmp4:
0x151: {  	_ = 	snop;
	(pc) =	sbr.rel @p0 .LBB2_1-.Ltmp4, $3  }
0x152: {  	_ =	sdelay $0x1  }
0x153: {  	[sflag:s28] =	ssyncset.done $0x0  }
0x154: {  	[sflag:s28] =	ssyncadd.s32 $0xFFFFF800  }
0x155: {  	_ =	sfence.sel $0x180000  }
0x156: {  	[bflag:$0x0] =	sbarrier.arrive $0xFFFF  }
0x157: {  	_ =	strace $0x9000004D  }
0x158: {  	s0 =	stileid.u32;
	[bflag:$0x2] =	sbarrier.arrive $0xFFFF  }
0x159: {  	p0 =	sne.s32 s0, $0x0;
	s0 =	rddreg [dreg:$0x2]  }
0x15a: {  	s0 =	sadd.s32 @!p0 $0x100000, s0  }
0x15b: {  	[sflag:s0] =	ssyncadd.tile.s32 @!p0 $0x1;
	_ =	shalt  }
.Lfunc_end2:
_tile_overlayer_lowered:
.L_overlay_start_2:
0x15c: {  	(tag) =	ssettag $0x2  }
0x15d: {  	s0 =	rddreg [dreg:$0x0];
	s2 =	stileid.u32  }
0x15e: {  	s1 =	rddreg [dreg:$0x1];
	p0 =	sne.s32 s2, $0x0  }
0x15f: {  	s3 =	rddreg [dreg:$0x2];
	[bflag:$0x3] =	sbarrier.arrive $0xFFFF;
	s2 =	simm.s32 @!p0 $0x1C02  }
0x160: {  	[timem:s3], [sflag:s2] =	dma.local @!p0 [hbm:s0], s1  }
0x161: {  	s0 =	simm.s32 @!p0 $0x2  }
0x162: {  	_ =	swait.ge @!p0 [sflag:s0], s1  }
0x163: {  	s1 =	ssub.s32 @!p0 $0x0, s1;
	[sflag:s0] =	ssyncset.done @!p0 $0x0  }
0x164: {  	[sflag:s0] =	ssyncadd.s32 @!p0 s1  }
0x165: {  	[bflag:$0x3] =	sbarrier.arrive $0xFFFF  }
0x166: {  	_ =	shalt  }

// kernel: kernel.19.cloned.1.call-start
scs
__scs_entry_jumppad:
0x0: {  	(pc) =	sbr.rel $0x88, $3  }
0x1: {  	(tag) =	ssettag $0x0;
	lr =	simm.s32 $0x1  }
0x2: {  	[smem:$0x3F99] =	sst lr;
	_ =	strace $0xD0000000  }
0x3: {  	_ = 	snop  }
0x4: {  	_ = 	snop  }
0x5: {  	_ = 	snop  }
0x6: {  	_ = 	snop  }
0x7: {  	_ = 	snop  }
__scs_overlays_trampoline_lowered:
0x8: {  	[smem:$0x3FA8] =	sst s0  }
0x9: {  	[smem:$0x3FA9] =	sst s1  }
0xa: {  	[smem:$0x3FAA] =	sst s2  }
0xb: {  	[smem:$0x3FAB] =	sst s3  }
0xc: {  	[smem:$0x3FAC] =	sst s4  }
0xd: {  	[smem:$0x3FAD] =	sst s5  }
0xe: {  	[smem:$0x3FAE] =	sst s6  }
0xf: {  	[smem:$0x3FAF] =	sst s7  }
0x10: {  	[smem:$0x3FB0] =	sst s8  }
0x11: {  	[smem:$0x3FB1] =	sst s9;
	s0 =	simm.s32 @!p0 $0x0  }
0x12: {  	s1 =	sld [smem:$0x3F97];
	s0 =	simm.s32 @p0 $0x1  }
0x13: {  	[smem:$0x3FB2] =	sst s0;
	s0 =	simm.s32 @!p1 $0x0  }
0x14: {  	s2 =	sld [smem:$0x3F96];
	s0 =	simm.s32 @p1 $0x1  }
0x15: {  	[smem:$0x3FB3] =	sst s0;
	s0 =	simm.s32 @!p2 $0x0  }
0x16: {  	s3 =	sld [smem:$0x3FDB];
	s0 =	simm.s32 @p2 $0x1  }
0x17: {  	s4 =	simm.s32 $0x1BF5;
	[smem:$0x3FB5] =	sst s0  }
0x18: {  	s0 =	sld [smem:$0x3F98];
	_ =	swait.ge [sflag:s4], $0x0  }
0x19: {  	s7 =	sld [smem:$0x3F99]  }
0x1a: {  	s8 =	sadd.s32 $0xFFFFE003, lr  }
0x1b: {  	s9 =	sadd.s32 $0xFFFFFEF7, lr;
	s5 =	simm.s32 $0xFFFFFFFF;
	p2 =	slt.u32 s8, $0xFFFFF086  }
0x1c: {  	p1 =	slt.u32 s9, $0xF7A;
	s5 =	simm.s32 @!p2 $0x0  }
0x1d: {  	s5 =	simm.s32 @p1 $0x1;
	p0 =	seq.s32 s7, s2  }
0x1e: {  	s7 =	smul.u32 @!p0 $0xF7A, s2;
	p2 =	seq.s32 @!p0 s5, $0x0  }
0x1f: {  	s9 =	smul.u32 $0xF7A, s1;
	s8 =	simm.s32 @!p0 $0x1BF5;
	p2 =	por !p2, p0  }
0x20: {  	[sflag:s8] =	ssyncset.s32 @!p0 $0xFFFFF086;
	s6 =	sadd.s32 @!p0 s3, s7;
	s7 =	simm.s32 @!p0 $0x108  }
0x21: {  	s3 =	sadd.s32 s3, s9;
	s6 =	sadd.s32 @!p0 $0x88, s6;
	s7 =	simm.s32 @p2 $0x1082  }
0x22: {  	[simem:s7], [sflag:s8] =	dma.local @!p0 [hbm:s6], $0xF7A  }
0x23: {  	s9 =	sor.u32 $0xD0000000, s2;
	s6 =	simm.s32 $0x108;
	_ =	swait.ge @!p0 [sflag:s8], $0x0  }
0x24: {  	s3 =	sadd.s32 $0x88, s3;
	s6 =	simm.s32 @!p1 $0x1082;
	[sflag:s4] =	ssyncset.s32 $0xFFFFF086  }
0x25: {  	[simem:s6], [sflag:s4] =	dma.local [hbm:s3], $0xF7A  }
0x26: {  	[smem:$0x3F99] =	sst s1;
	(tag) =	ssettag s2;
	_ =	strace s9  }
0x27: {  	s1 =	sld [smem:$0x3FA9]  }
0x28: {  	s2 =	sld [smem:$0x3FAA]  }
0x29: {  	s4 =	sld [smem:$0x3FAC]  }
0x2a: {  	p0 =	seq.s32 s5, $0x0;
	s5 =	sld [smem:$0x3FAD]  }
0x2b: {  	s6 =	sld [smem:$0x3FAE]  }
0x2c: {  	s7 =	sld [smem:$0x3FAF]  }
0x2d: {  	s3 =	simm.s32 $0x108;
	s8 =	sld [smem:$0x3FB0]  }
0x2e: {  	s3 =	simm.s32 @!p0 $0x1082;
	s9 =	sld [smem:$0x3FB1]  }
0x2f: {  	lr =	sadd.s32 s0, s3;
	s0 =	sld [smem:$0x3FA8]  }
0x30: {  	s3 =	sld [smem:$0x3FAB]  }
0x31: {  	[smem:$0x3FB4] =	sst s10  }
0x32: {  	s10 =	sld [smem:$0x3FB2];
	_ =	sdelay $0x3  }
0x33: {  	p0 =	seq.s32 s10, $0x1;
	s10 =	sld [smem:$0x3FB4];
	_ =	sdelay $0x3  }
0x34: {  	[smem:$0x3FB4] =	sst s10  }
0x35: {  	s10 =	sld [smem:$0x3FB3];
	_ =	sdelay $0x3  }
0x36: {  	p1 =	seq.s32 s10, $0x1;
	s10 =	sld [smem:$0x3FB4];
	_ =	sdelay $0x3  }
0x37: {  	[smem:$0x3FB4] =	sst s10  }
0x38: {  	s10 =	sld [smem:$0x3FB5]  }
0x39: {  	_ = 	snop;
	(pc) =	sbr.ind lr, $3  }
0x3a: {  	_ = 	snop  }
0x3b: {  	_ = 	snop  }
0x3c: {  	p2 =	seq.s32 s10, $0x1;
	s10 =	sld [smem:$0x3FB4]  }
0x3d: {  	_ =	shalt  }
0x3e: {  	_ =	shalt  }
0x3f: {  	_ =	shalt  }
0x40: {  	_ =	shalt  }
0x41: {  	_ =	shalt  }
0x42: {  	_ =	shalt  }
0x43: {  	_ =	shalt  }
0x44: {  	_ =	shalt  }
0x45: {  	_ =	shalt  }
0x46: {  	_ =	shalt  }
0x47: {  	_ =	shalt  }
0x48: {  	_ =	shalt  }
0x49: {  	_ =	shalt  }
0x4a: {  	_ =	shalt  }
0x4b: {  	_ =	shalt  }
0x4c: {  	_ =	shalt  }
0x4d: {  	_ =	shalt  }
0x4e: {  	_ =	shalt  }
0x4f: {  	_ =	shalt  }
0x50: {  	_ =	shalt  }
0x51: {  	_ =	shalt  }
0x52: {  	_ =	shalt  }
0x53: {  	_ =	shalt  }
0x54: {  	_ =	shalt  }
0x55: {  	_ =	shalt  }
0x56: {  	_ =	shalt  }
0x57: {  	_ =	shalt  }
0x58: {  	_ =	shalt  }
0x59: {  	_ =	shalt  }
0x5a: {  	_ =	shalt  }
0x5b: {  	_ =	shalt  }
0x5c: {  	_ =	shalt  }
0x5d: {  	_ =	shalt  }
0x5e: {  	_ =	shalt  }
0x5f: {  	_ =	shalt  }
0x60: {  	_ =	shalt  }
0x61: {  	_ =	shalt  }
0x62: {  	_ =	shalt  }
0x63: {  	_ =	shalt  }
0x64: {  	_ =	shalt  }
0x65: {  	_ =	shalt  }
0x66: {  	_ =	shalt  }
0x67: {  	_ =	shalt  }
0x68: {  	_ =	shalt  }
0x69: {  	_ =	shalt  }
0x6a: {  	_ =	shalt  }
0x6b: {  	_ =	shalt  }
0x6c: {  	_ =	shalt  }
0x6d: {  	_ =	shalt  }
0x6e: {  	_ =	shalt  }
0x6f: {  	_ =	shalt  }
0x70: {  	_ =	shalt  }
0x71: {  	_ =	shalt  }
0x72: {  	_ =	shalt  }
0x73: {  	_ =	shalt  }
0x74: {  	_ =	shalt  }
0x75: {  	_ =	shalt  }
0x76: {  	_ =	shalt  }
0x77: {  	_ =	shalt  }
0x78: {  	_ =	shalt  }
0x79: {  	_ =	shalt  }
0x7a: {  	_ =	shalt  }
0x7b: {  	_ =	shalt  }
0x7c: {  	_ =	shalt  }
0x7d: {  	_ =	shalt  }
0x7e: {  	_ =	shalt  }
0x7f: {  	_ =	shalt  }
0x80: {  	_ =	shalt  }
0x81: {  	_ =	shalt  }
0x82: {  	_ =	shalt  }
0x83: {  	_ =	shalt  }
0x84: {  	_ =	shalt  }
0x85: {  	_ =	shalt  }
0x86: {  	_ =	shalt  }
0x87: {  	_ =	shalt  }
.Lfunc_end0:
.L_simem_size_0:
called_computation.3_lowered:
.L_overlay_start_0:
0x88: {  	s2 =	sld [smem:$0x3FD9]  }
0x89: {  	s3 =	sld [smem:$0x3FFE];
	_ =	sdelay $0x1  }
0x8a: {  	s1 =	srdreg.scid  }
0x8b: {  	s0 =	sand.u32 $0x1, s1  }
0x8c: {  	s16 =	sshll.u32 s0, $0xA;
	s2 =	sadd.s32 s3, s2  }
0x8d: {  	s2 =	sadd.s32 s2, s16  }
0x8e: {  	[smem:$0x3FC0] =	sst s2  }
0x8f: {  	_ = 	snop  }
0x90: {  	(tm) =	ssettm $0x1  }
0x91: {  	s17 =	sld [smem:$0x3FFB];
	_ =	sdelay $0x3  }
0x92: {  	_ =	strace s17  }
0x93: {  	s2 =	sld [smem:$0x3FFC];
	_ =	sdelay $0x3  }
0x94: {  	_ =	strace s2  }
0x95: {  	s2 =	sld [smem:$0x3FFD];
	_ =	sdelay $0x3  }
0x96: {  	_ =	strace s2  }
0x97: {  	_ =	strace $0x8FFFFFFF  }
0x98: {  	s18 =	sld [smem:$0x3FDB];
	_ =	sdelay $0x1  }
0x99: {  	s19 =	simm.s32 $_scs_section_size  }
0x9a: {  	s4 =	simm.s32 $_size__tile_overlayer_lowered;
	s5 =	simm.s32 $_tile_overlayer_lowered  }
0x9b: {  	s22 =	simm.s32 $0x1BFF;
	s21 =	sshll.u32 s5, $0x1;
	s2 =	sadd.s32 s19, s18  }
0x9c: {  	s6 =	simm.s32 $0x0;
	s20 =	sshll.u32 s4, $0x1;
	s4 =	sadd.s32 s21, s2  }
0x9d: {  	[timem:s6], [sflag:s22] =	dma.local [hbm:s4], s20  }
0x9e: {  	_ =	swait.ge [sflag:s22], s20  }
0x9f: {  	s3 =	ssub.s32 $0x0, s20;
	[sflag:s22] =	ssyncset.done $0x0  }
0xa0: {  	[sflag:s22] =	ssyncadd.s32 s3;
	_ =	sdelay $0x1  }
0xa1: {  	s23 =	simm.s32 $0x1B8B  }
0xa2: {  	_ =	swait.ge [sflag:s23], $0x1  }
0xa3: {  	[sflag:s23] =	ssyncset.done $0x0  }
0xa4: {  	s25 =	simm.s32 $0x1B8E;
	s24 =	sld [smem:$0x3FFE];
	[sflag:s23] =	ssyncadd.s32 $0xFFFFFFFF  }
0xa5: {  	s26 =	simm.s32 $execute0_lowered;
	[smem:$0x3FD2] =	sst s25  }
0xa6: {  	s4 =	sshll.u32 s26, $0x1;
	_ =	strace $0x8000004F;
	[dreg:$0x1] =	wrdreg $0xFFFFFFFF  }
0xa7: {  	s28 =	simm.s32 $_size_execute0_lowered;
	s2 =	sadd.s32 s2, s4;
	[dreg:$0x0] =	wrdreg $0x0  }
0xa8: {  	s4 =	sshll.u32 s28, $0x1;
	[dreg:$0x2] =	wrdreg s2  }
0xa9: {  	[dreg:$0x3] =	wrdreg s4  }
0xaa: {  	[dreg:$0x4] =	wrdreg $0xC0  }
0xab: {  	_ =	task [dreg:s6], $0x5FFFF  }
0xac: {  	[dreg:$0x1] =	wrdreg $0xFFFFFFFF  }
0xad: {  	[dreg:$0x0] =	wrdreg $0x60  }
0xae: {  	[dreg:$0x2] =	wrdreg s24  }
0xaf: {  	[dreg:$0x3] =	wrdreg $0x90800  }
0xb0: {  	[dreg:$0x4] =	wrdreg $0x9  }
0xb1: {  	_ =	task.clear_ibuf [dreg:s6], $0x5FFFF;
	_ =	strace $0x9000004F  }
0xb2: {  	s29 =	simm.s32 $0x9;
	_ =	strace $0x80000051  }
0xb3: {  	_ =	swait.ge [sflag:s29], $0x1  }
0xb4: {  	[sflag:s29] =	ssyncadd.s32 $0xFFFFFFFF  }
0xb5: {  	_ =	strace $0x90000051  }
0xb6: {  	_ =	sfence  }
0xb7: {  	s30 =	sld [smem:$0x0];
	_ =	sdelay $0x2  }
0xb8: {  	s31 =	sshll.u32 s1, $0xD;
	s1 =	sshrl.u32 s1, $0x2  }
0xb9: {  	s3 =	sand.u32 $0x4000, s31;
	s1 =	sadd.s32 s1, s30  }
0xba: {  	s0 =	sor.u32 s3, s0;
	s1 =	sshll.u32 s1, $0x11  }
0xbb: {  	s0 =	sor.u32 s1, s0  }
0xbc: {  	s0 =	sadd.s32 $0x8F2B, s0  }
0xbd: {  	[sflag:s0] =	ssyncadd.remote.s32 $0x1  }
0xbe: {  	_ =	sfence.sel $0xFFFF  }
0xbf: {  	[dreg:$0x0] =	wrdreg $0xFFFFFFFF;
	(pc) =	sbr.abs _section_cstart, $3  }
0xc0: {  	[dreg:$0x1] =	wrdreg $0xFFFFFFFF  }
0xc1: {  	_ =	task.clear_ibuf [dreg:s6], $0x2FFFF;
	_ =	strace $0x9FFFFFFF  }
0xc2: {  	(tm) =	ssettm $0x7FFFFFFF  }
0xc3: {  	_ =	shalt  }
tec
execute0_lowered:
.L_overlay_start_1:
0x0: {  	(tag) =	ssettag $0x1  }
0x1: {  	s0 =	rddreg [dreg:$0x0]  }
0x2: {  	s2 =	rddreg [dreg:$0x1]  }
0x3: {  	s7 =	stileid.u32;
	s3 =	simm.s32 $0x0;
	s4 =	srdreg.scid  }
0x4: {  	s20 =	simm.s32 $0x5080;
	s28 =	simm.s32 $0x1;
	s1 =	smul.u32 $0x500, s7  }
0x5: {  	s29 =	simm.s32 $0x0;
	[smem:$0x7FF] =	sst s3;
	s16 =	smul.u32 $0x280, s7  }
0x6: {  	s5 =	sand.u32 $0x1, s4;
	s4 =	sadd.s32 $0x16A00, s0;
	s7 =	smul.u32 $0x50000, s7  }
0x7: {  	_ =	strace $0x80000050;
	s26 =	smul.u32 $0x2800, s5;
	s5 =	ssub.s32 $0x2, s5  }
0x8: {  	s1 =	sadd.s32 s1, s0;
	s0 =	sadd.s32 $0x66A00, s0;
	s6 =	sshrl.u32 s5, $0x1  }
0x9: {  	s22 =	sshrl.u32 s7, $0x2;
	s23 =	sadd.s32 $0x80, s16;
	s15 =	sadd.s32 $0x100, s16  }
0xa: {  	s18 =	sadd.s32 $0x180, s16;
	s9 =	ssub.s32 s5, s6;
	s5 =	sadd.s32 $0x11A00, s1  }
0xb: {  	s8 =	sadd.s32 s26, s16;
	s6 =	sadd.s32 $0xCA00, s1;
	s7 =	sadd.s32 s22, s2  }
0xc: {  	s14 =	sadd.s32 s26, s23;
	s1 =	sshll.u32 s23, $0x7;
	s17 =	sadd.s32 s26, s15  }
0xd: {  	s15 =	sshll.u32 s15, $0x7;
	s24 =	sshll.u32 s18, $0x7;
	s25 =	sadd.s32 s26, s18  }
0xe: {  	s16 =	sadd.s32 $0x200, s16;
	s18 =	simm.s32 $0x2;
	s8 =	sshll.u32 s8, $0x4  }
0xf: {  	s9 =	smax.u32 s9, $0x1;
	s10 =	sadd.s32 $0x4000, s7;
	s11 =	sadd.s32 $0x8000, s7  }
0x10: {  	s12 =	sadd.s32 $0xC000, s7;
	s13 =	sadd.s32 $0x10000, s7;
	s14 =	sshll.u32 s14, $0x4  }
0x11: {  	s1 =	sadd.s32 s1, s2;
	s17 =	sshll.u32 s17, $0x4;
	s22 =	sadd.s32 s15, s2  }
0x12: {  	s23 =	sadd.s32 s24, s2;
	s30 =	sshll.u32 s16, $0x7;
	s19 =	sadd.s32 s26, s16  }
0x13: {  	v0 =	vmov s26;
	s26 =	simm.s32 $0x5000;
	s8 =	sadd.s32 s0, s8;
	s14 =	sadd.s32 s0, s14  }
0x14: {  	s15 =	sadd.s32 s0, s17;
	s17 =	sshll.u32 s25, $0x4;
	s24 =	sadd.s32 s30, s2  }
0x15: {  	s31 =	sshll.u32 s19, $0x4;
	s19 =	simm.s32 $0x2800;
	s21 =	sshrl.u32 s1, $0x3  }
0x16: {  	s22 =	sshrl.u32 s22, $0x3;
	s23 =	sshrl.u32 s23, $0x3;
	s25 =	simm.s32 $0x80  }
0x17: {  	v1 =	vimm.f32 $0.0e+00;
	s16 =	sadd.s32 s0, s17;
	s17 =	sadd.s32 s0, s31;
	s24 =	sshrl.u32 s24, $0x3  }
.LBB2_1:
0x18: {  	[tilespmem:s3], [sflag:$0x2] =	stream.linear.gather [hbm4b:s5+s3], $0x2780, $0x38;
	[tilespmem:$0x1D080] =	vst v63  }
0x19: {  	_ =	swait.ge [sflag:s18], $0x2780  }
0x1a: {  	[sflag:s18] =	ssyncset.done $0x0  }
0x1b: {  	[sflag:s18] =	ssyncadd.s32 $0xFFFFD880  }
0x1c: {  	[tilespmem:s19], [sflag:$0x2] =	stream.linear.gather [hbm4b:s6+s3], $0x2780, $0x38;
	[tilespmem:$0x1D080] =	vst v63  }
0x1d: {  	s0 =	sand.u32 $0xFE00, s3;
	s1 =	sand.u32 $0x70, s3;
	_ =	swait.ge [sflag:s18], $0x2780  }
0x1e: {  	s30 =	sshrl.u32 s0, $0x2;
	s0 =	simm.s32 $0x40;
	[sflag:s18] =	ssyncset.done $0x0  }
0x1f: {  	s1 =	sor.u32 s1, s30;
	s30 =	simm.s32 $0x0;
	[sflag:s18] =	ssyncadd.s32 $0xFFFFD880  }
.LBB2_2:
0x20: {  	p0 =	sne.s32 s0, $0xFFC0  }
0x21: {  	[tilespmem:s1+$0x5080] =	vst v1;
	s30 =	sadd.s32 $0x10, s30;
	s1 =	smov.u32 s0;
	s0 =	sadd.s32 $0x40, s0  }
.Ltmp0:
0x22: {  	(pc) =	sbr.rel @p0 .LBB2_2-.Ltmp0, $4  }
0x23: {  	_ = 	snop  }
0x24: {  	s1 =	sand.u32 $0xFE00, s1  }
0x25: {  	s31 =	sand.u32 $0x70, s30;
	s1 =	sshrl.u32 s1, $0x2  }
0x26: {  	s1 =	sor.u32 s31, s1  }
0x27: {  	[tilespmem:s1+$0x5080] =	vst v1  }
0x28: {  	[spmem:s7] =	stream.linear.scatter [tilespmem:s20], [sflag:$0x2], $0x4000, $0x38;
	[tilespmem:$0x1D080] =	vst v63  }
0x29: {  	_ =	swait.ge [sflag:s18], $0x4000  }
0x2a: {  	[sflag:s18] =	ssyncset.done $0x0  }
0x2b: {  	[sflag:s18] =	ssyncadd.s32 $0xFFFFC000  }
0x2c: {  	[spmem:s10] =	stream.linear.scatter [tilespmem:s20], [sflag:$0x2], $0x4000, $0x38;
	[tilespmem:$0x1D080] =	vst v63  }
0x2d: {  	_ =	swait.ge [sflag:s18], $0x4000  }
0x2e: {  	[sflag:s18] =	ssyncset.done $0x0  }
0x2f: {  	[sflag:s18] =	ssyncadd.s32 $0xFFFFC000  }
0x30: {  	[spmem:s11] =	stream.linear.scatter [tilespmem:s20], [sflag:$0x2], $0x4000, $0x38;
	[tilespmem:$0x1D080] =	vst v63  }
0x31: {  	_ =	swait.ge [sflag:s18], $0x4000  }
0x32: {  	[sflag:s18] =	ssyncset.done $0x0  }
0x33: {  	[sflag:s18] =	ssyncadd.s32 $0xFFFFC000  }
0x34: {  	[spmem:s12] =	stream.linear.scatter [tilespmem:s20], [sflag:$0x2], $0x4000, $0x38;
	[tilespmem:$0x1D080] =	vst v63  }
0x35: {  	_ =	swait.ge [sflag:s18], $0x4000  }
0x36: {  	[sflag:s18] =	ssyncset.done $0x0  }
0x37: {  	[sflag:s18] =	ssyncadd.s32 $0xFFFFC000  }
0x38: {  	[spmem:s13] =	stream.linear.scatter [tilespmem:s20], [sflag:$0x2], $0x4000, $0x38;
	[tilespmem:$0x1D080] =	vst v63  }
0x39: {  	_ =	swait.ge [sflag:s18], $0x4000  }
0x3a: {  	[sflag:s18] =	ssyncset.done $0x0  }
0x3b: {  	[sflag:s18] =	ssyncadd.s32 $0xFFFFC000  }
0x3c: {  	s0 =	simm.s32 $0x0;
	[bflag:$0x0] =	sbarrier.arrive $0xFFFF  }
0x3d: {  	v2 =	vld [tilespmem:s0+$0x0];
	_ =	sdelay $0x4  }
0x3e: {  	v2 =	vadd.s32 v0, v2  }
0x3f: {  	[tilespmem:$0x5000] =	vst v2  }
0x40: {  	v2 =	vld [tilespmem:s0+$0x10];
	_ =	sdelay $0x4  }
0x41: {  	v2 =	vadd.s32 v0, v2  }
0x42: {  	[tilespmem:$0x5010] =	vst v2  }
0x43: {  	v2 =	vld [tilespmem:s0+$0x20];
	_ =	sdelay $0x4  }
0x44: {  	v2 =	vadd.s32 v0, v2  }
0x45: {  	[tilespmem:$0x5020] =	vst v2  }
0x46: {  	v2 =	vld [tilespmem:s0+$0x30];
	_ =	sdelay $0x4  }
0x47: {  	v2 =	vadd.s32 v0, v2  }
0x48: {  	[tilespmem:$0x5030] =	vst v2  }
0x49: {  	v2 =	vld [tilespmem:s0+$0x40];
	_ =	sdelay $0x4  }
0x4a: {  	v2 =	vadd.s32 v0, v2  }
0x4b: {  	[tilespmem:$0x5040] =	vst v2  }
0x4c: {  	v2 =	vld [tilespmem:s0+$0x50];
	_ =	sdelay $0x4  }
0x4d: {  	v2 =	vadd.s32 v0, v2  }
0x4e: {  	[tilespmem:$0x5050] =	vst v2  }
0x4f: {  	v2 =	vld [tilespmem:s0+$0x60];
	_ =	sdelay $0x4  }
0x50: {  	v2 =	vadd.s32 v0, v2  }
0x51: {  	[tilespmem:$0x5060] =	vst v2  }
0x52: {  	v2 =	vld [tilespmem:s0+$0x70];
	_ =	sdelay $0x4  }
0x53: {  	v2 =	vadd.s32 v0, v2  }
0x54: {  	[tilespmem:$0x5070] =	vst v2  }
0x55: {  	[tilespmem:s20], [sflag:$0x1] =	stream.indirect.gather [hbm4b:s4+s25], $0x80, s26, s25, $0xb8;
	[tilespmem:$0x1D080] =	vst v63  }
0x56: {  	_ =	swait.ge [sflag:s28], $0x4000  }
0x57: {  	[sflag:s28] =	ssyncset.done $0x0  }
0x58: {  	s1 =	simm.s32 $0x2800;
	[sflag:s28] =	ssyncadd.s32 $0xFFFFC000  }
0x59: {  	[spmem:s2] =	stream.indirect.scatter.add.f32 [tilespmem:s20], [sflag:$0x2], $0x80, s1, s25, $0xb8;
	[tilespmem:$0x1D080] =	vst v63  }
0x5a: {  	_ =	swait.ge [sflag:s18], $0x4000  }
0x5b: {  	s30 =	simm.s32 $0x200;
	s31 =	simm.s32 $0x400;
	[sflag:s18] =	ssyncset.done $0x0  }
.LBB2_4:
0x5c: {  	s0 =	sshra.s32 s30, $0x2  }
0x5d: {  	[sflag:s18] =	ssyncadd.s32 $0xFFFFC000;
	s30 =	smov.u32 s31;
	s1 =	sadd.s32 $0x200, s31  }
0x5e: {  	p0 =	sne.s32 s31, $0x9C00;
	v2 =	vld [tilespmem:s0+$0x0];
	_ =	sdelay $0x4  }
0x5f: {  	v2 =	vadd.s32 v0, v2  }
0x60: {  	[tilespmem:$0x5000] =	vst v2  }
0x61: {  	v2 =	vld [tilespmem:s0+$0x10];
	_ =	sdelay $0x4  }
0x62: {  	v2 =	vadd.s32 v0, v2  }
0x63: {  	[tilespmem:$0x5010] =	vst v2  }
0x64: {  	v2 =	vld [tilespmem:s0+$0x20];
	_ =	sdelay $0x4  }
0x65: {  	v2 =	vadd.s32 v0, v2  }
0x66: {  	[tilespmem:$0x5020] =	vst v2  }
0x67: {  	v2 =	vld [tilespmem:s0+$0x30];
	_ =	sdelay $0x4  }
0x68: {  	v2 =	vadd.s32 v0, v2  }
0x69: {  	[tilespmem:$0x5030] =	vst v2  }
0x6a: {  	v2 =	vld [tilespmem:s0+$0x40];
	_ =	sdelay $0x4  }
0x6b: {  	v2 =	vadd.s32 v0, v2  }
0x6c: {  	[tilespmem:$0x5040] =	vst v2  }
0x6d: {  	v2 =	vld [tilespmem:s0+$0x50];
	_ =	sdelay $0x4  }
0x6e: {  	v2 =	vadd.s32 v0, v2  }
0x6f: {  	[tilespmem:$0x5050] =	vst v2  }
0x70: {  	v2 =	vld [tilespmem:s0+$0x60];
	_ =	sdelay $0x4  }
0x71: {  	v2 =	vadd.s32 v0, v2  }
0x72: {  	[tilespmem:$0x5060] =	vst v2  }
0x73: {  	v2 =	vld [tilespmem:s0+$0x70];
	_ =	sdelay $0x4  }
0x74: {  	v2 =	vadd.s32 v0, v2  }
0x75: {  	[tilespmem:$0x5070] =	vst v2  }
0x76: {  	[tilespmem:s20], [sflag:$0x1] =	stream.indirect.gather [hbm4b:s4+s25], $0x80, s26, s25, $0xb8;
	[tilespmem:$0x1D080] =	vst v63  }
0x77: {  	_ =	swait.ge [sflag:s28], $0x4000  }
.Ltmp1:
0x78: {  	[sflag:s28] =	ssyncset.done $0x0;
	(pc) =	sbr.rel @p0 .LBB2_4-.Ltmp1, $4  }
0x79: {  	s0 =	sadd.s32 $0x2800, s0;
	[sflag:s28] =	ssyncadd.s32 $0xFFFFC000  }
0x7a: {  	[spmem:s2] =	stream.indirect.scatter.add.f32 [tilespmem:s20], [sflag:$0x2], $0x80, s0, s25, $0xb8;
	[tilespmem:$0x1D080] =	vst v63  }
0x7b: {  	_ =	swait.ge [sflag:s18], $0x4000  }
0x7c: {  	s31 =	smov.u32 s1;
	[sflag:s18] =	ssyncset.done $0x0  }
0x7d: {  	s0 =	sshra.s32 s30, $0x2;
	[sflag:s18] =	ssyncadd.s32 $0xFFFFC000  }
0x7e: {  	v2 =	vld [tilespmem:s0+$0x0];
	_ =	sdelay $0x4  }
0x7f: {  	v2 =	vadd.s32 v0, v2  }
0x80: {  	[tilespmem:$0x5000] =	vst v2  }
0x81: {  	v2 =	vld [tilespmem:s0+$0x10];
	_ =	sdelay $0x4  }
0x82: {  	v2 =	vadd.s32 v0, v2  }
0x83: {  	[tilespmem:$0x5010] =	vst v2  }
0x84: {  	v2 =	vld [tilespmem:s0+$0x20];
	_ =	sdelay $0x4  }
0x85: {  	v2 =	vadd.s32 v0, v2  }
0x86: {  	[tilespmem:$0x5020] =	vst v2  }
0x87: {  	v2 =	vld [tilespmem:s0+$0x30];
	_ =	sdelay $0x4  }
0x88: {  	v2 =	vadd.s32 v0, v2  }
0x89: {  	[tilespmem:$0x5030] =	vst v2  }
0x8a: {  	v2 =	vld [tilespmem:s0+$0x40];
	_ =	sdelay $0x4  }
0x8b: {  	v2 =	vadd.s32 v0, v2  }
0x8c: {  	[tilespmem:$0x5040] =	vst v2  }
0x8d: {  	v2 =	vld [tilespmem:s0+$0x50];
	_ =	sdelay $0x4  }
0x8e: {  	v2 =	vadd.s32 v0, v2  }
0x8f: {  	[tilespmem:$0x5050] =	vst v2  }
0x90: {  	v2 =	vld [tilespmem:s0+$0x60];
	_ =	sdelay $0x4  }
0x91: {  	v2 =	vadd.s32 v0, v2  }
0x92: {  	[tilespmem:$0x5060] =	vst v2  }
0x93: {  	v2 =	vld [tilespmem:s0+$0x70];
	_ =	sdelay $0x4  }
0x94: {  	v2 =	vadd.s32 v0, v2  }
0x95: {  	[tilespmem:$0x5070] =	vst v2  }
0x96: {  	[tilespmem:s20], [sflag:$0x1] =	stream.indirect.gather [hbm4b:s4+s25], $0x80, s26, s25, $0xb8;
	[tilespmem:$0x1D080] =	vst v63  }
0x97: {  	_ =	swait.ge [sflag:s28], $0x4000  }
0x98: {  	[sflag:s28] =	ssyncset.done $0x0  }
0x99: {  	s0 =	sadd.s32 $0x2800, s0;
	[sflag:s28] =	ssyncadd.s32 $0xFFFFC000  }
0x9a: {  	[spmem:s2] =	stream.indirect.scatter.add.f32 [tilespmem:s20], [sflag:$0x2], $0x80, s0, s25, $0xb8;
	[tilespmem:$0x1D080] =	vst v63  }
0x9b: {  	_ =	swait.ge [sflag:s18], $0x4000  }
0x9c: {  	s31 =	stileid.u32;
	[sflag:s18] =	ssyncset.done $0x0  }
0x9d: {  	s0 =	sshll.u32 s31, $0x6;
	[sflag:s18] =	ssyncadd.s32 $0xFFFFC000  }
0x9e: {  	s1 =	sshrl.u32 s7, $0x3;
	s0 =	sor.u32 $0x1C02, s0;
	[bflag:$0x0] =	sbarrier.arrive $0xFFFF  }
0x9f: {  	[hbm:s8], [sflag:s0] =	dma.local [spmem:s1], $0x800  }
0xa0: {  	_ =	swait.ge [sflag:s18], $0x800  }
0xa1: {  	[sflag:s18] =	ssyncset.done $0x0  }
0xa2: {  	[sflag:s18] =	ssyncadd.s32 $0xFFFFF800  }
0xa3: {  	[hbm:s14], [sflag:s0] =	dma.local [spmem:s21], $0x800  }
0xa4: {  	_ =	swait.ge [sflag:s18], $0x800  }
0xa5: {  	[sflag:s18] =	ssyncset.done $0x0  }
0xa6: {  	[sflag:s18] =	ssyncadd.s32 $0xFFFFF800  }
0xa7: {  	[hbm:s15], [sflag:s0] =	dma.local [spmem:s22], $0x800  }
0xa8: {  	_ =	swait.ge [sflag:s18], $0x800  }
0xa9: {  	[sflag:s18] =	ssyncset.done $0x0  }
0xaa: {  	[sflag:s18] =	ssyncadd.s32 $0xFFFFF800  }
0xab: {  	[hbm:s16], [sflag:s0] =	dma.local [spmem:s23], $0x800  }
0xac: {  	s29 =	sadd.s32 $0x1, s29;
	_ =	swait.ge [sflag:s18], $0x800  }
0xad: {  	p0 =	sne.s32 s29, s9;
	[sflag:s18] =	ssyncset.done $0x0  }
.Ltmp2:
0xae: {  	[sflag:s18] =	ssyncadd.s32 $0xFFFFF800;
	(pc) =	sbr.rel @p0 .LBB2_1-.Ltmp2, $4  }
0xaf: {  	[hbm:s17], [sflag:s0] =	dma.local [spmem:s24], $0x800  }
0xb0: {  	_ =	swait.ge [sflag:s18], $0x800  }
0xb1: {  	[sflag:s18] =	ssyncset.done $0x0  }
0xb2: {  	[sflag:s18] =	ssyncadd.s32 $0xFFFFF800  }
0xb3: {  	_ =	sfence.sel $0x180000  }
0xb4: {  	[bflag:$0x0] =	sbarrier.arrive $0xFFFF  }
0xb5: {  	_ =	strace $0x90000050  }
0xb6: {  	s0 =	stileid.u32;
	[bflag:$0x2] =	sbarrier.arrive $0xFFFF  }
0xb7: {  	p0 =	sne.s32 s0, $0x0;
	s0 =	rddreg [dreg:$0x2]  }
0xb8: {  	s0 =	sadd.s32 @!p0 $0x100000, s0  }
0xb9: {  	[sflag:s0] =	ssyncadd.tile.s32 @!p0 $0x1;
	_ =	shalt  }
.Lfunc_end2:
_tile_overlayer_lowered:
.L_overlay_start_2:
0xba: {  	(tag) =	ssettag $0x2  }
0xbb: {  	s0 =	rddreg [dreg:$0x0];
	s2 =	stileid.u32  }
0xbc: {  	s1 =	rddreg [dreg:$0x1];
	p0 =	sne.s32 s2, $0x0  }
0xbd: {  	s3 =	rddreg [dreg:$0x2];
	[bflag:$0x3] =	sbarrier.arrive $0xFFFF;
	s2 =	simm.s32 @!p0 $0x1C02  }
0xbe: {  	[timem:s3], [sflag:s2] =	dma.local @!p0 [hbm:s0], s1  }
0xbf: {  	s0 =	simm.s32 @!p0 $0x2  }
0xc0: {  	_ =	swait.ge @!p0 [sflag:s0], s1  }
0xc1: {  	s1 =	ssub.s32 @!p0 $0x0, s1;
	[sflag:s0] =	ssyncset.done @!p0 $0x0  }
0xc2: {  	[sflag:s0] =	ssyncadd.s32 @!p0 s1  }
0xc3: {  	[bflag:$0x3] =	sbarrier.arrive $0xFFFF  }
0xc4: {  	_ =	shalt  }

</sc_bundles>
